<compile_context>
chip_gen: v7x
topology: tpu7x:2x2x1
jax: 0.10.2.dev20260603
libtpu: 0.0.44.dev20260713+nightly
codegen_flags: <defaults>
</compile_context>

<pallas_src>
import functools

import jax
import jax.numpy as jnp
import numpy as np
from jax import lax
from jax.experimental import pallas as pl
from jax.experimental.pallas import tpu as pltpu
from jax.experimental.pallas import tpu_sc as plsc

N = 10000
E = 160000
ND = 256
ED = 16
TD = 256
H = 8
C = ND // H
MLP = 4

NB = 400
EB = 1000
NSTEPS_N = N // NB
NSTEPS_E = E // EB

CH = 160
NCH = E // CH
CHA = 400
NCHA = E // CHA
NUM_CORES = 2
NUM_SUBCORES = 16
NW = NUM_CORES * NUM_SUBCORES

HI = jax.lax.Precision.HIGHEST
MED = jax.lax.Precision.DEFAULT


def _ln(x, eps=1e-6):
    m = jnp.mean(x, axis=-1, keepdims=True)
    v = jnp.mean((x - m) ** 2, axis=-1, keepdims=True)
    return (x - m) * jax.lax.rsqrt(v + eps)


def _t1_body(x_ref, nte_ref, wnt_ref, bnt_ref, wq_ref, bq_ref, wk_ref,
             bk_ref, wv_ref, bv_ref, q_ref, k_ref, v_ref, ntr_ref):
    nte = nte_ref[...]
    sil = nte * jax.nn.sigmoid(nte)
    nt = jnp.dot(sil, wnt_ref[...], preferred_element_type=jnp.float32,
                 precision=MED) + bnt_ref[...]
    h = _ln(x_ref[...]) * (1.0 + nt[:, ND:2 * ND]) + nt[:, 0:ND]
    q_ref[...] = jnp.dot(h, wq_ref[...], preferred_element_type=jnp.float32,
                         precision=MED) + bq_ref[...]
    k_ref[...] = jnp.dot(h, wk_ref[...], preferred_element_type=jnp.float32,
                         precision=MED) + bk_ref[...]
    v_ref[...] = jnp.dot(h, wv_ref[...], preferred_element_type=jnp.float32,
                         precision=MED) + bv_ref[...]
    ntr_ref[...] = nt[:, 2 * ND:]


def _t1(x, nte, p):
    row = lambda i: (i, 0)
    full = lambda i: (0, 0)
    return pl.pallas_call(
        _t1_body,
        grid=(NSTEPS_N,),
        in_specs=[
            pl.BlockSpec((NB, ND), row), pl.BlockSpec((NB, TD), row),
            pl.BlockSpec((TD, 6 * ND), full), pl.BlockSpec((1, 6 * ND), full),
            pl.BlockSpec((ND, ND), full), pl.BlockSpec((1, ND), full),
            pl.BlockSpec((ND, ND), full), pl.BlockSpec((1, ND), full),
            pl.BlockSpec((ND, ND), full), pl.BlockSpec((1, ND), full),
        ],
        out_specs=[
            pl.BlockSpec((NB, ND), row), pl.BlockSpec((NB, ND), row),
            pl.BlockSpec((NB, ND), row), pl.BlockSpec((NB, 4 * ND), row),
        ],
        out_shape=[
            jax.ShapeDtypeStruct((N, ND), jnp.float32),
            jax.ShapeDtypeStruct((N, ND), jnp.float32),
            jax.ShapeDtypeStruct((N, ND), jnp.float32),
            jax.ShapeDtypeStruct((N, 4 * ND), jnp.float32),
        ],
    )(x, nte, p['Wnt'], p['bnt'][None, :], p['Wq'], p['bq'][None, :],
      p['Wk'], p['bk'][None, :], p['Wv'], p['bv'][None, :])


def _t2_body(ete_ref, ea_ref, wet_ref, bet_ref, et_ref, eam_ref):
    ete = ete_ref[...]
    sil = ete * jax.nn.sigmoid(ete)
    et = jnp.dot(sil, wet_ref[...], preferred_element_type=jnp.float32,
                 precision=MED) + bet_ref[...]
    et_ref[...] = et
    eam_ref[...] = _ln(ea_ref[...]) * (1.0 + et[:, ED:2 * ED]) + et[:, 0:ED]


def _t2(ete, eattr, p):
    row = lambda i: (i, 0)
    full = lambda i: (0, 0)
    wet_p = jnp.zeros((TD, 128), jnp.float32).at[:, :6 * ED].set(p['Wet'])
    bet_p = jnp.zeros((1, 128), jnp.float32).at[0, :6 * ED].set(p['bet'])
    return pl.pallas_call(
        _t2_body,
        grid=(NSTEPS_E,),
        in_specs=[
            pl.BlockSpec((EB, TD), row), pl.BlockSpec((EB, ED), row),
            pl.BlockSpec((TD, 128), full), pl.BlockSpec((1, 128), full),
        ],
        out_specs=[
            pl.BlockSpec((EB, 128), row), pl.BlockSpec((EB, ED), row),
        ],
        out_shape=[
            jax.ShapeDtypeStruct((E, 128), jnp.float32),
            jax.ShapeDtypeStruct((E, ED), jnp.float32),
        ],
    )(ete, eattr, wet_p, bet_p)


def _t3_body(qd_ref, ks_ref, eam_ref, we0_ref, a_ref, bm_ref):
    e0t = jnp.tanh(jnp.dot(eam_ref[...], we0_ref[...],
                           preferred_element_type=jnp.float32, precision=HI))
    z = qd_ref[...] * ks_ref[...] * e0t
    r = lax.broadcasted_iota(jnp.int32, (ND, H), 0)
    c = lax.broadcasted_iota(jnp.int32, (ND, H), 1)
    sel = (r // C == c).astype(jnp.float32)
    alpha = jnp.dot(z, sel, preferred_element_type=jnp.float32,
                    precision=HI) * (1.0 / np.sqrt(C))
    a_ref[...] = alpha
    bm_ref[...] = jnp.max(alpha, axis=0)[None, None, :]


def _t3(qd, ks, eam, p):
    row = lambda i: (i, 0)
    return pl.pallas_call(
        _t3_body,
        grid=(NSTEPS_E,),
        in_specs=[
            pl.BlockSpec((EB, ND), row), pl.BlockSpec((EB, ND), row),
            pl.BlockSpec((EB, ED), row),
            pl.BlockSpec((ED, ND), lambda i: (0, 0)),
        ],
        out_specs=[
            pl.BlockSpec((EB, H), row),
            pl.BlockSpec((1, 1, H), lambda i: (i, 0, 0)),
        ],
        out_shape=[
            jax.ShapeDtypeStruct((E, H), jnp.float32),
            jax.ShapeDtypeStruct((NSTEPS_E, 1, H), jnp.float32),
        ],
    )(qd, ks, eam, p['We0'])


def _t4_body(vs_ref, eam_ref, we1_ref, a_ref, bm_ref, ex_ref, msg_ref):
    e1t = jnp.tanh(jnp.dot(eam_ref[...], we1_ref[...],
                           preferred_element_type=jnp.float32, precision=HI))
    m = jnp.max(bm_ref[...])
    w8 = jnp.exp(a_ref[...] - m)
    ex_ref[...] = jnp.concatenate(
        [w8, jnp.zeros((EB, 128 - H), jnp.float32)], axis=1)
    r = lax.broadcasted_iota(jnp.int32, (H, ND), 0)
    c = lax.broadcasted_iota(jnp.int32, (H, ND), 1)
    sel = (c // C == r).astype(jnp.float32)
    wb = jnp.dot(w8, sel, preferred_element_type=jnp.float32, precision=HI)
    msg_ref[...] = vs_ref[...] * e1t * wb


def _t4(vs, eam, alpha, bm, p):
    row = lambda i: (i, 0)
    return pl.pallas_call(
        _t4_body,
        grid=(NSTEPS_E,),
        in_specs=[
            pl.BlockSpec((EB, ND), row), pl.BlockSpec((EB, ED), row),
            pl.BlockSpec((ED, ND), lambda i: (0, 0)),
            pl.BlockSpec((EB, H), row),
            pl.BlockSpec((NSTEPS_E, 1, H), lambda i: (0, 0, 0)),
        ],
        out_specs=[
            pl.BlockSpec((EB, 128), row), pl.BlockSpec((EB, ND), row),
        ],
        out_shape=[
            jax.ShapeDtypeStruct((E, 128), jnp.float32),
            jax.ShapeDtypeStruct((E, ND), jnp.float32),
        ],
    )(vs, eam, p['We1'], alpha, bm)


def _t5_body(agg_ref, s0_ref, s1_ref, x_ref, ntr_ref, wp_ref, bp_ref,
             w1_ref, b1_ref, w2_ref, b2_ref, wna_ref, wnb_ref, bn_ref,
             h_ref, ab_ref):
    s8 = s0_ref[:, 0:H] + s1_ref[:, 0:H]
    r = lax.broadcasted_iota(jnp.int32, (H, ND), 0)
    c = lax.broadcasted_iota(jnp.int32, (H, ND), 1)
    sel = (c // C == r).astype(jnp.float32)
    sb = jnp.dot(s8, sel, preferred_element_type=jnp.float32, precision=MED)
    normed = agg_ref[...] / (sb + 1e-16)
    h_attn = jnp.dot(normed, wp_ref[...], preferred_element_type=jnp.float32,
                     precision=MED) + bp_ref[...]
    ntr = ntr_ref[...]
    h_node = x_ref[...] + ntr[:, 0:ND] * h_attn
    hm = _ln(h_node) * (1.0 + ntr[:, 2 * ND:3 * ND]) + ntr[:, ND:2 * ND]
    g = jax.nn.gelu(jnp.dot(hm, w1_ref[...],
                            preferred_element_type=jnp.float32,
                            precision=MED) + b1_ref[...])
    mlp = jnp.dot(g, w2_ref[...], preferred_element_type=jnp.float32,
                  precision=MED) + b2_ref[...]
    h_out = h_node + ntr[:, 3 * ND:] * mlp
    h_ref[...] = h_out
    a = jnp.dot(h_out, wna_ref[...], preferred_element_type=jnp.float32,
                precision=MED) + bn_ref[...]
    b = jnp.dot(h_out, wnb_ref[...], preferred_element_type=jnp.float32,
                precision=MED)
    ab_ref[...] = jnp.concatenate(
        [a, b, jnp.zeros((NB, 128 - 2 * ED), jnp.float32)], axis=1)


def _t5(agg, s0, s1, x, ntr, p):
    row = lambda i: (i, 0)
    full = lambda i: (0, 0)
    return pl.pallas_call(
        _t5_body,
        grid=(NSTEPS_N,),
        in_specs=[
            pl.BlockSpec((NB, ND), row), pl.BlockSpec((NB, 128), row),
            pl.BlockSpec((NB, 128), row), pl.BlockSpec((NB, ND), row),
            pl.BlockSpec((NB, 4 * ND), row),
            pl.BlockSpec((ND, ND), full), pl.BlockSpec((1, ND), full),
            pl.BlockSpec((ND, MLP * ND), full),
            pl.BlockSpec((1, MLP * ND), full),
            pl.BlockSpec((MLP * ND, ND), full), pl.BlockSpec((1, ND), full),
            pl.BlockSpec((ND, ED), full), pl.BlockSpec((ND, ED), full),
            pl.BlockSpec((1, ED), full),
        ],
        out_specs=[
            pl.BlockSpec((NB, ND), row), pl.BlockSpec((NB, 128), row),
        ],
        out_shape=[
            jax.ShapeDtypeStruct((N, ND), jnp.float32),
            jax.ShapeDtypeStruct((N, 128), jnp.float32),
        ],
    )(agg, s0, s1, x, ntr, p['Wp'], p['bp'][None, :], p['W1'],
      p['b1'][None, :], p['W2'], p['b2'][None, :], p['Wn2e'][:ND],
      p['Wn2e'][ND:], p['bn2e'][None, :])


def _t6_body(ea_ref, et_ref, asrc_ref, bdst_ref, w3_ref, b3_ref, w4_ref,
             b4_ref, out_ref):
    et = et_ref[...]
    he = asrc_ref[:, 0:ED] + bdst_ref[:, ED:2 * ED]
    h_edge = ea_ref[...] + et[:, 2 * ED:3 * ED] * he
    em = _ln(h_edge) * (1.0 + et[:, 4 * ED:5 * ED]) + et[:, 3 * ED:4 * ED]
    g = jax.nn.gelu(jnp.dot(em, w3_ref[...],
                            preferred_element_type=jnp.float32,
                            precision=MED) + b3_ref[...])
    mlp = jnp.dot(g, w4_ref[...], preferred_element_type=jnp.float32,
                  precision=MED) + b4_ref[...]
    out_ref[...] = h_edge + et[:, 5 * ED:6 * ED] * mlp


def _t6(eattr, et, asrc, bdst, p):
    row = lambda i: (i, 0)
    full = lambda i: (0, 0)
    return pl.pallas_call(
        _t6_body,
        grid=(NSTEPS_E,),
        in_specs=[
            pl.BlockSpec((EB, ED), row), pl.BlockSpec((EB, 128), row),
            pl.BlockSpec((EB, 128), row), pl.BlockSpec((EB, 128), row),
            pl.BlockSpec((ED, MLP * ED), full),
            pl.BlockSpec((1, MLP * ED), full),
            pl.BlockSpec((MLP * ED, ED), full), pl.BlockSpec((1, ED), full),
        ],
        out_specs=pl.BlockSpec((EB, ED), row),
        out_shape=jax.ShapeDtypeStruct((E, ED), jnp.float32),
    )(eattr, et, asrc, bdst, p['W3'], p['b3'][None, :], p['W4'],
      p['b4'][None, :])


def _sc_mesh():
    return plsc.VectorSubcoreMesh(core_axis_name="c", subcore_axis_name="s")
_ITERS_A = -(-NCH // NW)
_ITERS_AB = -(-NCHA // NW)


def _sc_gather3(q, k, v, dst, src):
    @functools.partial(
        pl.kernel, mesh=_sc_mesh(),
        out_type=[jax.ShapeDtypeStruct((E, ND), jnp.float32)] * 3,
        scratch_types=[
            pltpu.VMEM((CH,), jnp.int32), pltpu.VMEM((CH,), jnp.int32),
            pltpu.VMEM((CH, ND), jnp.float32),
            pltpu.VMEM((CH, ND), jnp.float32),
            pltpu.VMEM((CH, ND), jnp.float32),
            pltpu.SemaphoreType.DMA,
        ],
    )
    def kern(q_hbm, k_hbm, v_hbm, dst_hbm, src_hbm, qd_hbm, ks_hbm, vs_hbm,
             di_v, si_v, rq_v, rk_v, rv_v, sem):
        wid = lax.axis_index("s") * NUM_CORES + lax.axis_index("c")

        @pl.loop(0, _ITERS_A)
        def _(i):
            ci = wid + NW * i

            @pl.when(ci < NCH)
            def _():
                base = ci * CH
                pltpu.sync_copy(dst_hbm.at[pl.ds(base, CH)], di_v)
                pltpu.sync_copy(src_hbm.at[pl.ds(base, CH)], si_v)
                cq = pltpu.async_copy(q_hbm.at[di_v], rq_v, sem)
                ck = pltpu.async_copy(k_hbm.at[si_v], rk_v, sem)
                cv = pltpu.async_copy(v_hbm.at[si_v], rv_v, sem)
                cq.wait()
                ck.wait()
                cv.wait()
                pltpu.sync_copy(rq_v, qd_hbm.at[pl.ds(base, CH)])
                pltpu.sync_copy(rk_v, ks_hbm.at[pl.ds(base, CH)])
                pltpu.sync_copy(rv_v, vs_hbm.at[pl.ds(base, CH)])

    return kern(q, k, v, dst, src)


def _sc_gather_ab(ab, src, dst):
    @functools.partial(
        pl.kernel, mesh=_sc_mesh(),
        out_type=[jax.ShapeDtypeStruct((E, 128), jnp.float32)] * 2,
        scratch_types=[
            pltpu.VMEM((CHA,), jnp.int32), pltpu.VMEM((CHA,), jnp.int32),
            pltpu.VMEM((CHA, 128), jnp.float32),
            pltpu.VMEM((CHA, 128), jnp.float32),
            pltpu.SemaphoreType.DMA,
        ],
    )
    def kern(a_hbm, src_hbm, dst_hbm, as_hbm, bd_hbm,
             si_v, di_v, ra_v, rb_v, sem):
        b_hbm = a_hbm
        wid = lax.axis_index("s") * NUM_CORES + lax.axis_index("c")

        @pl.loop(0, _ITERS_AB)
        def _(i):
            ci = wid + NW * i

            @pl.when(ci < NCHA)
            def _():
                base = ci * CHA
                pltpu.sync_copy(src_hbm.at[pl.ds(base, CHA)], si_v)
                pltpu.sync_copy(dst_hbm.at[pl.ds(base, CHA)], di_v)
                ca = pltpu.async_copy(a_hbm.at[si_v], ra_v, sem)
                cb = pltpu.async_copy(b_hbm.at[di_v], rb_v, sem)
                ca.wait()
                cb.wait()
                pltpu.sync_copy(ra_v, as_hbm.at[pl.ds(base, CHA)])
                pltpu.sync_copy(rb_v, bd_hbm.at[pl.ds(base, CHA)])

    return kern(ab, src, dst)


CHS = 320
NCHS = E // CHS
_ITERS_SA = -(-NCHS // NW)
_ITERS_SC = -(-NCHS // NUM_SUBCORES)


def _sc_segsum_ex(ex, dst, zeros128):
    @functools.partial(
        pl.kernel, mesh=_sc_mesh(),
        out_type=jax.ShapeDtypeStruct((NUM_CORES, N, 128), jnp.float32),
        scratch_types=[
            pltpu.VMEM((CHS,), jnp.int32),
            pltpu.VMEM((CHS, 128), jnp.float32),
            pltpu.VMEM_SHARED((N, 128), jnp.float32),
        ],
    )
    def kern(ex_hbm, dst_hbm, z_hbm, s_hbm, di_v, ex_v, acc_sh):
        cc = lax.axis_index("c")
        sid = lax.axis_index("s")

        @pl.when(sid == 0)
        def _():
            pltpu.sync_copy(z_hbm, acc_sh)

        plsc.subcore_barrier()

        @pl.loop(0, _ITERS_SA)
        def _(i):
            ci = (sid * NUM_CORES + cc) + NW * i

            @pl.when(ci < NCHS)
            def _():
                base = ci * CHS
                pltpu.sync_copy(dst_hbm.at[pl.ds(base, CHS)], di_v)
                pltpu.sync_copy(ex_hbm.at[pl.ds(base, CHS)], ex_v)
                pltpu.sync_copy(ex_v, acc_sh.at[di_v], add=True)

        plsc.subcore_barrier()
        pltpu.sync_copy(acc_sh.at[pl.ds(sid * 624, 624)],
                        s_hbm.at[cc].at[pl.ds(sid * 624, 624)])

        @pl.when(sid < 2)
        def _():
            base = 9984 + sid * 8
            pltpu.sync_copy(acc_sh.at[pl.ds(base, 8)],
                            s_hbm.at[cc].at[pl.ds(base, 8)])

    return kern(ex, dst, zeros128)


def _sc_segsum_msg(msg, dst, zeros128):
    @functools.partial(
        pl.kernel, mesh=_sc_mesh(),
        out_type=jax.ShapeDtypeStruct((N, ND), jnp.float32),
        scratch_types=[
            pltpu.VMEM((CHS,), jnp.int32),
            pltpu.VMEM((CHS, 128), jnp.float32),
            pltpu.VMEM_SHARED((N, 128), jnp.float32),
        ],
    )
    def kern(msg_hbm, dst_hbm, z_hbm, out_hbm, di_v, m_v, acc_sh):
        cc = lax.axis_index("c")
        sid = lax.axis_index("s")

        @pl.when(sid == 0)
        def _():
            pltpu.sync_copy(z_hbm, acc_sh)

        plsc.subcore_barrier()

        @pl.loop(0, _ITERS_SC)
        def _(i):
            ci = sid + NUM_SUBCORES * i

            @pl.when(ci < NCHS)
            def _():
                base = ci * CHS
                pltpu.sync_copy(dst_hbm.at[pl.ds(base, CHS)], di_v)
                pltpu.sync_copy(
                    msg_hbm.at[pl.ds(base, CHS), pl.ds(cc * 128, 128)], m_v)
                pltpu.sync_copy(m_v, acc_sh.at[di_v], add=True)

        plsc.subcore_barrier()
        pltpu.sync_copy(acc_sh.at[pl.ds(sid * 624, 624)],
                        out_hbm.at[pl.ds(sid * 624, 624),
                                   pl.ds(cc * 128, 128)])

        @pl.when(sid < 2)
        def _():
            base = 9984 + sid * 8
            pltpu.sync_copy(acc_sh.at[pl.ds(base, 8)],
                            out_hbm.at[pl.ds(base, 8), pl.ds(cc * 128, 128)])

    return kern(msg, dst, zeros128)


def kernel(x, edge_index, edge_attr, node_time_emb, edge_time_emb, params):
    p = params
    src = edge_index[0]
    dst = edge_index[1]

    q, k, v, ntr = _t1(x, node_time_emb, p)
    et, eam = _t2(edge_time_emb, edge_attr, p)
    qd, ks, vs = _sc_gather3(q, k, v, dst, src)
    alpha, bm = _t3(qd, ks, eam, p)
    zeros128 = jnp.zeros((N, 128), jnp.float32)
    ex, msg = _t4(vs, eam, alpha, bm, p)
    s = _sc_segsum_ex(ex, dst, zeros128)
    agg = _sc_segsum_msg(msg, dst, zeros128)
    h_out, ab_tab = _t5(agg, s[0], s[1], x, ntr, p)
    a_src, b_dst = _sc_gather_ab(ab_tab, src, dst)
    e_out = _t6(edge_attr, et, a_src, b_dst, p)
    return h_out, e_out

# --- scband reference (transcript-rebuilt; emitter-appended) ---
"""Pipeline reference for scband-dmt-wo-eq-87445534146585 (READ-ONLY COPY).

The authoritative reference and input builder live on the scoring server;
editing this copy changes nothing except your own understanding.
"""

import jax, jax.numpy as jnp
import numpy as np

N = 10000
E = 160000
ND = 256
ED = 16
TD = 256
H = 8
C = ND // H
MLP = 4


def _linear_params(key, din, dout, bias=True):
    k1, k2 = jax.random.split(key)
    lim = 1.0 / np.sqrt(din)
    W = jax.random.uniform(k1, (din, dout), minval=-lim, maxval=lim, dtype=jnp.float32)
    if bias:
        b = jax.random.uniform(k2, (dout,), minval=-lim, maxval=lim, dtype=jnp.float32)
        return W, b
    return W, None


def make_params(key):
    ks = jax.random.split(key, 16)
    p = {}
    p['Wq'], p['bq'] = _linear_params(ks[0], ND, ND)
    p['Wk'], p['bk'] = _linear_params(ks[1], ND, ND)
    p['Wv'], p['bv'] = _linear_params(ks[2], ND, ND)
    p['We0'], _ = _linear_params(ks[3], ED, ND, bias=False)
    p['We1'], _ = _linear_params(ks[4], ED, ND, bias=False)
    p['Wp'], p['bp'] = _linear_params(ks[5], ND, ND)
    p['W1'], p['b1'] = _linear_params(ks[6], ND, ND * MLP)
    p['W2'], p['b2'] = _linear_params(ks[7], ND * MLP, ND)
    p['Wn2e'], p['bn2e'] = _linear_params(ks[8], 2 * ND, ED)
    p['W3'], p['b3'] = _linear_params(ks[9], ED, ED * MLP)
    p['W4'], p['b4'] = _linear_params(ks[10], ED * MLP, ED)
    p['Wnt'], p['bnt'] = _linear_params(ks[11], TD, ND * 6)
    p['Wet'], p['bet'] = _linear_params(ks[12], TD, ED * 6)
    return p


def setup_inputs(seed: int = 0):
    key = jax.random.key(seed)
    ks = jax.random.split(key, 8)
    x = jax.random.normal(ks[0], (N, ND), dtype=jnp.float32)
    edge_index = jax.random.randint(ks[1], (2, E), 0, N, dtype=jnp.int32)
    edge_attr = jax.random.normal(ks[2], (E, ED), dtype=jnp.float32)
    node_time_emb = jax.random.normal(ks[3], (N, TD), dtype=jnp.float32)
    edge_time_emb = jax.random.normal(ks[4], (E, TD), dtype=jnp.float32)
    params = make_params(ks[5])
    return {'x': x, 'edge_index': edge_index, 'edge_attr': edge_attr, 'node_time_emb': node_time_emb, 'edge_time_emb': edge_time_emb, 'params': params}


def _ln(x, eps=1e-6):
    m = jnp.mean(x, axis=-1, keepdims=True)
    v = jnp.var(x, axis=-1, keepdims=True)
    return (x - m) * jax.lax.rsqrt(v + eps)


def _segment_softmax(alpha, idx, num_segments):
    amax = jax.ops.segment_max(alpha, idx, num_segments=num_segments)
    amax = jnp.where(jnp.isfinite(amax), amax, 0.0)
    ex = jnp.exp(alpha - amax[idx])
    s = jax.ops.segment_sum(ex, idx, num_segments=num_segments)
    return ex / (s[idx] + 1e-16)


def _trans_layer(x, edge_index, edge_attr, p):
    src = edge_index[0]
    dst = edge_index[1]
    q = (x @ p['Wq'] + p['bq']).reshape(-1, H, C)
    k = (x @ p['Wk'] + p['bk']).reshape(-1, H, C)
    v = (x @ p['Wv'] + p['bv']).reshape(-1, H, C)
    q_i = q[dst]
    k_j = k[src]
    v_j = v[src]
    e0 = jnp.tanh((edge_attr @ p['We0']).reshape(-1, H, C))
    alpha = jnp.sum(q_i * k_j * e0, axis=-1) / np.sqrt(C)
    alpha = _segment_softmax(alpha, dst, N)
    msg = v_j * jnp.tanh((edge_attr @ p['We1']).reshape(-1, H, C)) * alpha[:, :, None]
    out = jax.ops.segment_sum(msg, dst, num_segments=N)
    return out.reshape(-1, H * C) @ p['Wp'] + p['bp']


def _block(x, edge_index, edge_attr, node_time_emb, edge_time_emb, p):
    nt = jax.nn.silu(node_time_emb) @ p['Wnt'] + p['bnt']
    ns1, nsc1, ng1, ns2, nsc2, ng2 = jnp.split(nt, 6, axis=1)
    et = jax.nn.silu(edge_time_emb) @ p['Wet'] + p['bet']
    es1, esc1, eg1, es2, esc2, eg2 = jnp.split(et, 6, axis=1)
    h_in = x
    e_in = edge_attr
    h = _ln(x) * (1 + nsc1) + ns1
    ea = _ln(edge_attr) * (1 + esc1) + es1
    h_attn = _trans_layer(h, edge_index, ea, p)
    h_node = h_in + ng1 * h_attn
    hm = _ln(h_node) * (1 + nsc2) + ns2
    h_out = h_node + ng2 * (jax.nn.gelu(hm @ p['W1'] + p['b1']) @ p['W2'] + p['b2'])
    he = jnp.concatenate([h_out[edge_index[0]], h_out[edge_index[1]]], axis=-1) @ p['Wn2e'] + p['bn2e']
    h_edge = e_in + eg1 * he
    em = _ln(h_edge) * (1 + esc2) + es2
    e_out = h_edge + eg2 * (jax.nn.gelu(em @ p['W3'] + p['b3']) @ p['W4'] + p['b4'])
    return h_out, e_out


def reference(x, edge_index, edge_attr, node_time_emb, edge_time_emb, params):
    return _block(x, edge_index, edge_attr, node_time_emb, edge_time_emb, params)

if __name__ == "__main__":
    import jax
    _d = setup_inputs()
    print(jax.jit(kernel)(*tuple(_d.values())))

</pallas_src>

<mosaic_0001>
#map = affine_map<(d0, d1) -> (0, 0)>
#map1 = affine_map<(d0, d1) -> (0)>
module attributes {stable_mosaic.version = 14 : i64} {
  func.func @kern(%arg0: i32, %arg1: i32, %arg2: memref<10000x128xf32, #tpu.memory_space<hbm>>, %arg3: memref<160000xi32, #tpu.memory_space<hbm>>, %arg4: memref<160000xi32, #tpu.memory_space<hbm>>, %arg5: memref<160000x128xf32, #tpu.memory_space<hbm>>, %arg6: memref<160000x128xf32, #tpu.memory_space<hbm>>, %arg7: memref<400xi32, #tpu.memory_space<vmem>>, %arg8: memref<400xi32, #tpu.memory_space<vmem>>, %arg9: memref<400x128xf32, #tpu.memory_space<vmem>>, %arg10: memref<400x128xf32, #tpu.memory_space<vmem>>, %arg11: memref<!tpu.dma_semaphore, #tpu.memory_space<semaphore_mem>>) attributes {dimension_semantics = [#tpu.dimension_semantics<core_parallel>, #tpu.dimension_semantics<subcore_parallel>], iteration_bounds = array<i64: 2, 16>, scalar_prefetch = 0 : i64, scratch_operands = 5 : i64, tpu.core_type = #tpu.core_type<sc_vector_subcore>, window_params = [{transform_indices = #map}, {transform_indices = #map1}, {transform_indices = #map1}, {transform_indices = #map}, {transform_indices = #map}]} {
    %mul3A = arith.constant 2 : i32
    %mul3A_0 = arith.muli %arg1, %mul3A : i32
    %add3A = arith.addi %mul3A_0, %arg0 : i32
    %scan3A = arith.constant 0 : i32
    %scan3A_1 = arith.constant 13 : i32
    %scan3A_2 = arith.addi %scan3A, %scan3A_1 : i32
    %scan3A_3 = arith.constant 1 : i32
    scf.for %scan3A_5 = %scan3A to %scan3A_2 step %scan3A_3  : i32 {
      %mul3A_6 = arith.constant 1 : i32
      %mul3A_7 = arith.muli %scan3A_5, %mul3A_6 : i32
      %add3A_8 = arith.constant 0 : i32
      %add3A_9 = arith.addi %add3A_8, %mul3A_7 : i32
      %mul3A_10 = arith.constant 32 : i32
      %mul3A_11 = arith.muli %mul3A_10, %add3A_9 : i32
      %add3A_12 = arith.addi %add3A, %mul3A_11 : i32
      %lt3A = arith.constant 400 : i32
      %lt3A_13 = arith.cmpi slt, %add3A_12, %lt3A : i32
      %convert_element_type3A = arith.extui %lt3A_13 : i1 to i32
      %cond3A = arith.constant 0 : i32
      %cond3A_14 = arith.cmpi ne, %convert_element_type3A, %cond3A : i32
      scf.if %cond3A_14 {
        %mul3A_15 = arith.constant 400 : i32
        %mul3A_16 = arith.muli %add3A_12, %mul3A_15 : i32
        "tpu.region"() ({
          %run_scoped3A = tpu.sem_alloc : memref<!tpu.dma_semaphore, #tpu.memory_space<semaphore_mem>>
          %dma_start3A_27 = tpu.memref_slice %arg3[%mul3A_16] : memref<160000xi32, #tpu.memory_space<hbm>> -> memref<400xi32, #tpu.memory_space<hbm>>
          %dma_start3A_28 = tpu.memref_slice %arg3[%mul3A_16] : memref<160000xi32, #tpu.memory_space<hbm>> -> memref<400xi32, #tpu.memory_space<hbm>>
          tpu.enqueue_dma source(%dma_start3A_28 : memref<400xi32, #tpu.memory_space<hbm>>) target(%arg7 : memref<400xi32, #tpu.memory_space<vmem>>) target_semaphore(%run_scoped3A : memref<!tpu.dma_semaphore, #tpu.memory_space<semaphore_mem>>)
          %dma_wait3A_29 = tpu.memref_slice %arg3[%mul3A_16] : memref<160000xi32, #tpu.memory_space<hbm>> -> memref<400xi32, #tpu.memory_space<hbm>>
          %dma_wait3A_30 = tpu.memref_slice %arg3[%mul3A_16] : memref<160000xi32, #tpu.memory_space<hbm>> -> memref<400xi32, #tpu.memory_space<hbm>>
          tpu.wait_dma2 semaphore(%run_scoped3A : memref<!tpu.dma_semaphore, #tpu.memory_space<semaphore_mem>>) src(%dma_wait3A_30 : memref<400xi32, #tpu.memory_space<hbm>>) dst(%arg7 : memref<400xi32, #tpu.memory_space<vmem>>)
          tpu.yield
        }) : () -> ()
        "tpu.region"() ({
          %run_scoped3A = tpu.sem_alloc : memref<!tpu.dma_semaphore, #tpu.memory_space<semaphore_mem>>
          %dma_start3A_27 = tpu.memref_slice %arg4[%mul3A_16] : memref<160000xi32, #tpu.memory_space<hbm>> -> memref<400xi32, #tpu.memory_space<hbm>>
          %dma_start3A_28 = tpu.memref_slice %arg4[%mul3A_16] : memref<160000xi32, #tpu.memory_space<hbm>> -> memref<400xi32, #tpu.memory_space<hbm>>
          tpu.enqueue_dma source(%dma_start3A_28 : memref<400xi32, #tpu.memory_space<hbm>>) target(%arg8 : memref<400xi32, #tpu.memory_space<vmem>>) target_semaphore(%run_scoped3A : memref<!tpu.dma_semaphore, #tpu.memory_space<semaphore_mem>>)
          %dma_wait3A_29 = tpu.memref_slice %arg4[%mul3A_16] : memref<160000xi32, #tpu.memory_space<hbm>> -> memref<400xi32, #tpu.memory_space<hbm>>
          %dma_wait3A_30 = tpu.memref_slice %arg4[%mul3A_16] : memref<160000xi32, #tpu.memory_space<hbm>> -> memref<400xi32, #tpu.memory_space<hbm>>
          tpu.wait_dma2 semaphore(%run_scoped3A : memref<!tpu.dma_semaphore, #tpu.memory_space<semaphore_mem>>) src(%dma_wait3A_30 : memref<400xi32, #tpu.memory_space<hbm>>) dst(%arg8 : memref<400xi32, #tpu.memory_space<vmem>>)
          tpu.yield
        }) : () -> ()
        %dma_start3A = arith.constant 0 : i32
        %dma_start3A_17 = arith.constant 0 : i32
        %dma_start3A_18 = tpu.memref_slice %arg2[%dma_start3A, %dma_start3A_17] : memref<10000x128xf32, #tpu.memory_space<hbm>> -> memref<10000x128xf32, #tpu.memory_space<hbm>>
        tpu.enqueue_indirect_dma source(%dma_start3A_18 : memref<10000x128xf32, #tpu.memory_space<hbm>>) target(%arg9 : memref<400x128xf32, #tpu.memory_space<vmem>>) offsets(%arg7 : memref<400xi32, #tpu.memory_space<vmem>>) semaphore(%arg11 : memref<!tpu.dma_semaphore, #tpu.memory_space<semaphore_mem>>)
        %dma_start3A_19 = arith.constant 0 : i32
        %dma_start3A_20 = arith.constant 0 : i32
        %dma_start3A_21 = tpu.memref_slice %arg2[%dma_start3A_19, %dma_start3A_20] : memref<10000x128xf32, #tpu.memory_space<hbm>> -> memref<10000x128xf32, #tpu.memory_space<hbm>>
        tpu.enqueue_indirect_dma source(%dma_start3A_21 : memref<10000x128xf32, #tpu.memory_space<hbm>>) target(%arg10 : memref<400x128xf32, #tpu.memory_space<vmem>>) offsets(%arg8 : memref<400xi32, #tpu.memory_space<vmem>>) semaphore(%arg11 : memref<!tpu.dma_semaphore, #tpu.memory_space<semaphore_mem>>)
        %dma_wait3A = arith.constant 0 : i32
        %dma_wait3A_22 = arith.constant 0 : i32
        %dma_wait3A_23 = tpu.memref_slice %arg2[%dma_wait3A, %dma_wait3A_22] : memref<10000x128xf32, #tpu.memory_space<hbm>> -> memref<10000x128xf32, #tpu.memory_space<hbm>>
        tpu.wait_indirect_dma semaphore(%arg11 : memref<!tpu.dma_semaphore, #tpu.memory_space<semaphore_mem>>) src(%dma_wait3A_23 : memref<10000x128xf32, #tpu.memory_space<hbm>>) dst(%arg9 : memref<400x128xf32, #tpu.memory_space<vmem>>)
        %dma_wait3A_24 = arith.constant 0 : i32
        %dma_wait3A_25 = arith.constant 0 : i32
        %dma_wait3A_26 = tpu.memref_slice %arg2[%dma_wait3A_24, %dma_wait3A_25] : memref<10000x128xf32, #tpu.memory_space<hbm>> -> memref<10000x128xf32, #tpu.memory_space<hbm>>
        tpu.wait_indirect_dma semaphore(%arg11 : memref<!tpu.dma_semaphore, #tpu.memory_space<semaphore_mem>>) src(%dma_wait3A_26 : memref<10000x128xf32, #tpu.memory_space<hbm>>) dst(%arg10 : memref<400x128xf32, #tpu.memory_space<vmem>>)
        "tpu.region"() ({
          %run_scoped3A = tpu.sem_alloc : memref<!tpu.dma_semaphore, #tpu.memory_space<semaphore_mem>>
          %dma_start3A_27 = arith.constant 0 : i32
          %dma_start3A_28 = tpu.memref_slice %arg5[%mul3A_16, %dma_start3A_27] : memref<160000x128xf32, #tpu.memory_space<hbm>> -> memref<400x128xf32, #tpu.memory_space<hbm>>
          %dma_start3A_29 = arith.constant 0 : i32
          %dma_start3A_30 = tpu.memref_slice %arg5[%mul3A_16, %dma_start3A_29] : memref<160000x128xf32, #tpu.memory_space<hbm>> -> memref<400x128xf32, #tpu.memory_space<hbm>>
          tpu.enqueue_dma source(%arg9 : memref<400x128xf32, #tpu.memory_space<vmem>>) target(%dma_start3A_30 : memref<400x128xf32, #tpu.memory_space<hbm>>) target_semaphore(%run_scoped3A : memref<!tpu.dma_semaphore, #tpu.memory_space<semaphore_mem>>)
          %dma_wait3A_31 = arith.constant 0 : i32
          %dma_wait3A_32 = tpu.memref_slice %arg5[%mul3A_16, %dma_wait3A_31] : memref<160000x128xf32, #tpu.memory_space<hbm>> -> memref<400x128xf32, #tpu.memory_space<hbm>>
          %dma_wait3A_33 = arith.constant 0 : i32
          %dma_wait3A_34 = tpu.memref_slice %arg5[%mul3A_16, %dma_wait3A_33] : memref<160000x128xf32, #tpu.memory_space<hbm>> -> memref<400x128xf32, #tpu.memory_space<hbm>>
          tpu.wait_dma2 semaphore(%run_scoped3A : memref<!tpu.dma_semaphore, #tpu.memory_space<semaphore_mem>>) src(%arg9 : memref<400x128xf32, #tpu.memory_space<vmem>>) dst(%dma_wait3A_34 : memref<400x128xf32, #tpu.memory_space<hbm>>)
          tpu.yield
        }) : () -> ()
        "tpu.region"() ({
          %run_scoped3A = tpu.sem_alloc : memref<!tpu.dma_semaphore, #tpu.memory_space<semaphore_mem>>
          %dma_start3A_27 = arith.constant 0 : i32
          %dma_start3A_28 = tpu.memref_slice %arg6[%mul3A_16, %dma_start3A_27] : memref<160000x128xf32, #tpu.memory_space<hbm>> -> memref<400x128xf32, #tpu.memory_space<hbm>>
          %dma_start3A_29 = arith.constant 0 : i32
          %dma_start3A_30 = tpu.memref_slice %arg6[%mul3A_16, %dma_start3A_29] : memref<160000x128xf32, #tpu.memory_space<hbm>> -> memref<400x128xf32, #tpu.memory_space<hbm>>
          tpu.enqueue_dma source(%arg10 : memref<400x128xf32, #tpu.memory_space<vmem>>) target(%dma_start3A_30 : memref<400x128xf32, #tpu.memory_space<hbm>>) target_semaphore(%run_scoped3A : memref<!tpu.dma_semaphore, #tpu.memory_space<semaphore_mem>>)
          %dma_wait3A_31 = arith.constant 0 : i32
          %dma_wait3A_32 = tpu.memref_slice %arg6[%mul3A_16, %dma_wait3A_31] : memref<160000x128xf32, #tpu.memory_space<hbm>> -> memref<400x128xf32, #tpu.memory_space<hbm>>
          %dma_wait3A_33 = arith.constant 0 : i32
          %dma_wait3A_34 = tpu.memref_slice %arg6[%mul3A_16, %dma_wait3A_33] : memref<160000x128xf32, #tpu.memory_space<hbm>> -> memref<400x128xf32, #tpu.memory_space<hbm>>
          tpu.wait_dma2 semaphore(%run_scoped3A : memref<!tpu.dma_semaphore, #tpu.memory_space<semaphore_mem>>) src(%arg10 : memref<400x128xf32, #tpu.memory_space<vmem>>) dst(%dma_wait3A_34 : memref<400x128xf32, #tpu.memory_space<hbm>>)
          tpu.yield
        }) : () -> ()
      } else {
      }
    }
    %scan3A_4 = arith.constant 13 : i32
    return
  }
}

#map = affine_map<(d0, d1) -> (0, 0)>
#map1 = affine_map<(d0, d1) -> (0)>
module attributes {stable_mosaic.version = 14 : i64} {
  func.func @kern(%arg0: i32, %arg1: i32, %arg2: memref<10000x256xf32, #tpu.memory_space<hbm>>, %arg3: memref<10000x256xf32, #tpu.memory_space<hbm>>, %arg4: memref<10000x256xf32, #tpu.memory_space<hbm>>, %arg5: memref<160000xi32, #tpu.memory_space<hbm>>, %arg6: memref<160000xi32, #tpu.memory_space<hbm>>, %arg7: memref<160000x256xf32, #tpu.memory_space<hbm>>, %arg8: memref<160000x256xf32, #tpu.memory_space<hbm>>, %arg9: memref<160000x256xf32, #tpu.memory_space<hbm>>, %arg10: memref<160xi32, #tpu.memory_space<vmem>>, %arg11: memref<160xi32, #tpu.memory_space<vmem>>, %arg12: memref<160x256xf32, #tpu.memory_space<vmem>>, %arg13: memref<160x256xf32, #tpu.memory_space<vmem>>, %arg14: memref<160x256xf32, #tpu.memory_space<vmem>>, %arg15: memref<!tpu.dma_semaphore, #tpu.memory_space<semaphore_mem>>) attributes {dimension_semantics = [#tpu.dimension_semantics<core_parallel>, #tpu.dimension_semantics<subcore_parallel>], iteration_bounds = array<i64: 2, 16>, scalar_prefetch = 0 : i64, scratch_operands = 6 : i64, tpu.core_type = #tpu.core_type<sc_vector_subcore>, window_params = [{transform_indices = #map}, {transform_indices = #map}, {transform_indices = #map}, {transform_indices = #map1}, {transform_indices = #map1}, {transform_indices = #map}, {transform_indices = #map}, {transform_indices = #map}]} {
    %mul3A = arith.constant 2 : i32
    %mul3A_0 = arith.muli %arg1, %mul3A : i32
    %add3A = arith.addi %mul3A_0, %arg0 : i32
    %scan3A = arith.constant 0 : i32
    %scan3A_1 = arith.constant 32 : i32
    %scan3A_2 = arith.addi %scan3A, %scan3A_1 : i32
    %scan3A_3 = arith.constant 1 : i32
    scf.for %scan3A_5 = %scan3A to %scan3A_2 step %scan3A_3  : i32 {
      %mul3A_6 = arith.constant 1 : i32
      %mul3A_7 = arith.muli %scan3A_5, %mul3A_6 : i32
      %add3A_8 = arith.constant 0 : i32
      %add3A_9 = arith.addi %add3A_8, %mul3A_7 : i32
      %mul3A_10 = arith.constant 32 : i32
      %mul3A_11 = arith.muli %mul3A_10, %add3A_9 : i32
      %add3A_12 = arith.addi %add3A, %mul3A_11 : i32
      %lt3A = arith.constant 1000 : i32
      %lt3A_13 = arith.cmpi slt, %add3A_12, %lt3A : i32
      %convert_element_type3A = arith.extui %lt3A_13 : i1 to i32
      %cond3A = arith.constant 0 : i32
      %cond3A_14 = arith.cmpi ne, %convert_element_type3A, %cond3A : i32
      scf.if %cond3A_14 {
        %mul3A_15 = arith.constant 160 : i32
        %mul3A_16 = arith.muli %add3A_12, %mul3A_15 : i32
        "tpu.region"() ({
          %run_scoped3A = tpu.sem_alloc : memref<!tpu.dma_semaphore, #tpu.memory_space<semaphore_mem>>
          %dma_start3A_33 = tpu.memref_slice %arg5[%mul3A_16] : memref<160000xi32, #tpu.memory_space<hbm>> -> memref<160xi32, #tpu.memory_space<hbm>>
          %dma_start3A_34 = tpu.memref_slice %arg5[%mul3A_16] : memref<160000xi32, #tpu.memory_space<hbm>> -> memref<160xi32, #tpu.memory_space<hbm>>
          tpu.enqueue_dma source(%dma_start3A_34 : memref<160xi32, #tpu.memory_space<hbm>>) target(%arg10 : memref<160xi32, #tpu.memory_space<vmem>>) target_semaphore(%run_scoped3A : memref<!tpu.dma_semaphore, #tpu.memory_space<semaphore_mem>>)
          %dma_wait3A_35 = tpu.memref_slice %arg5[%mul3A_16] : memref<160000xi32, #tpu.memory_space<hbm>> -> memref<160xi32, #tpu.memory_space<hbm>>
          %dma_wait3A_36 = tpu.memref_slice %arg5[%mul3A_16] : memref<160000xi32, #tpu.memory_space<hbm>> -> memref<160xi32, #tpu.memory_space<hbm>>
          tpu.wait_dma2 semaphore(%run_scoped3A : memref<!tpu.dma_semaphore, #tpu.memory_space<semaphore_mem>>) src(%dma_wait3A_36 : memref<160xi32, #tpu.memory_space<hbm>>) dst(%arg10 : memref<160xi32, #tpu.memory_space<vmem>>)
          tpu.yield
        }) : () -> ()
        "tpu.region"() ({
          %run_scoped3A = tpu.sem_alloc : memref<!tpu.dma_semaphore, #tpu.memory_space<semaphore_mem>>
          %dma_start3A_33 = tpu.memref_slice %arg6[%mul3A_16] : memref<160000xi32, #tpu.memory_space<hbm>> -> memref<160xi32, #tpu.memory_space<hbm>>
          %dma_start3A_34 = tpu.memref_slice %arg6[%mul3A_16] : memref<160000xi32, #tpu.memory_space<hbm>> -> memref<160xi32, #tpu.memory_space<hbm>>
          tpu.enqueue_dma source(%dma_start3A_34 : memref<160xi32, #tpu.memory_space<hbm>>) target(%arg11 : memref<160xi32, #tpu.memory_space<vmem>>) target_semaphore(%run_scoped3A : memref<!tpu.dma_semaphore, #tpu.memory_space<semaphore_mem>>)
          %dma_wait3A_35 = tpu.memref_slice %arg6[%mul3A_16] : memref<160000xi32, #tpu.memory_space<hbm>> -> memref<160xi32, #tpu.memory_space<hbm>>
          %dma_wait3A_36 = tpu.memref_slice %arg6[%mul3A_16] : memref<160000xi32, #tpu.memory_space<hbm>> -> memref<160xi32, #tpu.memory_space<hbm>>
          tpu.wait_dma2 semaphore(%run_scoped3A : memref<!tpu.dma_semaphore, #tpu.memory_space<semaphore_mem>>) src(%dma_wait3A_36 : memref<160xi32, #tpu.memory_space<hbm>>) dst(%arg11 : memref<160xi32, #tpu.memory_space<vmem>>)
          tpu.yield
        }) : () -> ()
        %dma_start3A = arith.constant 0 : i32
        %dma_start3A_17 = arith.constant 0 : i32
        %dma_start3A_18 = tpu.memref_slice %arg2[%dma_start3A, %dma_start3A_17] : memref<10000x256xf32, #tpu.memory_space<hbm>> -> memref<10000x256xf32, #tpu.memory_space<hbm>>
        tpu.enqueue_indirect_dma source(%dma_start3A_18 : memref<10000x256xf32, #tpu.memory_space<hbm>>) target(%arg12 : memref<160x256xf32, #tpu.memory_space<vmem>>) offsets(%arg10 : memref<160xi32, #tpu.memory_space<vmem>>) semaphore(%arg15 : memref<!tpu.dma_semaphore, #tpu.memory_space<semaphore_mem>>)
        %dma_start3A_19 = arith.constant 0 : i32
        %dma_start3A_20 = arith.constant 0 : i32
        %dma_start3A_21 = tpu.memref_slice %arg3[%dma_start3A_19, %dma_start3A_20] : memref<10000x256xf32, #tpu.memory_space<hbm>> -> memref<10000x256xf32, #tpu.memory_space<hbm>>
        tpu.enqueue_indirect_dma source(%dma_start3A_21 : memref<10000x256xf32, #tpu.memory_space<hbm>>) target(%arg13 : memref<160x256xf32, #tpu.memory_space<vmem>>) offsets(%arg11 : memref<160xi32, #tpu.memory_space<vmem>>) semaphore(%arg15 : memref<!tpu.dma_semaphore, #tpu.memory_space<semaphore_mem>>)
        %dma_start3A_22 = arith.constant 0 : i32
        %dma_start3A_23 = arith.constant 0 : i32
        %dma_start3A_24 = tpu.memref_slice %arg4[%dma_start3A_22, %dma_start3A_23] : memref<10000x256xf32, #tpu.memory_space<hbm>> -> memref<10000x256xf32, #tpu.memory_space<hbm>>
        tpu.enqueue_indirect_dma source(%dma_start3A_24 : memref<10000x256xf32, #tpu.memory_space<hbm>>) target(%arg14 : memref<160x256xf32, #tpu.memory_space<vmem>>) offsets(%arg11 : memref<160xi32, #tpu.memory_space<vmem>>) semaphore(%arg15 : memref<!tpu.dma_semaphore, #tpu.memory_space<semaphore_mem>>)
        %dma_wait3A = arith.constant 0 : i32
        %dma_wait3A_25 = arith.constant 0 : i32
        %dma_wait3A_26 = tpu.memref_slice %arg2[%dma_wait3A, %dma_wait3A_25] : memref<10000x256xf32, #tpu.memory_space<hbm>> -> memref<10000x256xf32, #tpu.memory_space<hbm>>
        tpu.wait_indirect_dma semaphore(%arg15 : memref<!tpu.dma_semaphore, #tpu.memory_space<semaphore_mem>>) src(%dma_wait3A_26 : memref<10000x256xf32, #tpu.memory_space<hbm>>) dst(%arg12 : memref<160x256xf32, #tpu.memory_space<vmem>>)
        %dma_wait3A_27 = arith.constant 0 : i32
        %dma_wait3A_28 = arith.constant 0 : i32
        %dma_wait3A_29 = tpu.memref_slice %arg3[%dma_wait3A_27, %dma_wait3A_28] : memref<10000x256xf32, #tpu.memory_space<hbm>> -> memref<10000x256xf32, #tpu.memory_space<hbm>>
        tpu.wait_indirect_dma semaphore(%arg15 : memref<!tpu.dma_semaphore, #tpu.memory_space<semaphore_mem>>) src(%dma_wait3A_29 : memref<10000x256xf32, #tpu.memory_space<hbm>>) dst(%arg13 : memref<160x256xf32, #tpu.memory_space<vmem>>)
        %dma_wait3A_30 = arith.constant 0 : i32
        %dma_wait3A_31 = arith.constant 0 : i32
        %dma_wait3A_32 = tpu.memref_slice %arg4[%dma_wait3A_30, %dma_wait3A_31] : memref<10000x256xf32, #tpu.memory_space<hbm>> -> memref<10000x256xf32, #tpu.memory_space<hbm>>
        tpu.wait_indirect_dma semaphore(%arg15 : memref<!tpu.dma_semaphore, #tpu.memory_space<semaphore_mem>>) src(%dma_wait3A_32 : memref<10000x256xf32, #tpu.memory_space<hbm>>) dst(%arg14 : memref<160x256xf32, #tpu.memory_space<vmem>>)
        "tpu.region"() ({
          %run_scoped3A = tpu.sem_alloc : memref<!tpu.dma_semaphore, #tpu.memory_space<semaphore_mem>>
          %dma_start3A_33 = arith.constant 0 : i32
          %dma_start3A_34 = tpu.memref_slice %arg7[%mul3A_16, %dma_start3A_33] : memref<160000x256xf32, #tpu.memory_space<hbm>> -> memref<160x256xf32, #tpu.memory_space<hbm>>
          %dma_start3A_35 = arith.constant 0 : i32
          %dma_start3A_36 = tpu.memref_slice %arg7[%mul3A_16, %dma_start3A_35] : memref<160000x256xf32, #tpu.memory_space<hbm>> -> memref<160x256xf32, #tpu.memory_space<hbm>>
          tpu.enqueue_dma source(%arg12 : memref<160x256xf32, #tpu.memory_space<vmem>>) target(%dma_start3A_36 : memref<160x256xf32, #tpu.memory_space<hbm>>) target_semaphore(%run_scoped3A : memref<!tpu.dma_semaphore, #tpu.memory_space<semaphore_mem>>)
          %dma_wait3A_37 = arith.constant 0 : i32
          %dma_wait3A_38 = tpu.memref_slice %arg7[%mul3A_16, %dma_wait3A_37] : memref<160000x256xf32, #tpu.memory_space<hbm>> -> memref<160x256xf32, #tpu.memory_space<hbm>>
          %dma_wait3A_39 = arith.constant 0 : i32
          %dma_wait3A_40 = tpu.memref_slice %arg7[%mul3A_16, %dma_wait3A_39] : memref<160000x256xf32, #tpu.memory_space<hbm>> -> memref<160x256xf32, #tpu.memory_space<hbm>>
          tpu.wait_dma2 semaphore(%run_scoped3A : memref<!tpu.dma_semaphore, #tpu.memory_space<semaphore_mem>>) src(%arg12 : memref<160x256xf32, #tpu.memory_space<vmem>>) dst(%dma_wait3A_40 : memref<160x256xf32, #tpu.memory_space<hbm>>)
          tpu.yield
        }) : () -> ()
        "tpu.region"() ({
          %run_scoped3A = tpu.sem_alloc : memref<!tpu.dma_semaphore, #tpu.memory_space<semaphore_mem>>
          %dma_start3A_33 = arith.constant 0 : i32
          %dma_start3A_34 = tpu.memref_slice %arg8[%mul3A_16, %dma_start3A_33] : memref<160000x256xf32, #tpu.memory_space<hbm>> -> memref<160x256xf32, #tpu.memory_space<hbm>>
          %dma_start3A_35 = arith.constant 0 : i32
          %dma_start3A_36 = tpu.memref_slice %arg8[%mul3A_16, %dma_start3A_35] : memref<160000x256xf32, #tpu.memory_space<hbm>> -> memref<160x256xf32, #tpu.memory_space<hbm>>
          tpu.enqueue_dma source(%arg13 : memref<160x256xf32, #tpu.memory_space<vmem>>) target(%dma_start3A_36 : memref<160x256xf32, #tpu.memory_space<hbm>>) target_semaphore(%run_scoped3A : memref<!tpu.dma_semaphore, #tpu.memory_space<semaphore_mem>>)
          %dma_wait3A_37 = arith.constant 0 : i32
          %dma_wait3A_38 = tpu.memref_slice %arg8[%mul3A_16, %dma_wait3A_37] : memref<160000x256xf32, #tpu.memory_space<hbm>> -> memref<160x256xf32, #tpu.memory_space<hbm>>
          %dma_wait3A_39 = arith.constant 0 : i32
          %dma_wait3A_40 = tpu.memref_slice %arg8[%mul3A_16, %dma_wait3A_39] : memref<160000x256xf32, #tpu.memory_space<hbm>> -> memref<160x256xf32, #tpu.memory_space<hbm>>
          tpu.wait_dma2 semaphore(%run_scoped3A : memref<!tpu.dma_semaphore, #tpu.memory_space<semaphore_mem>>) src(%arg13 : memref<160x256xf32, #tpu.memory_space<vmem>>) dst(%dma_wait3A_40 : memref<160x256xf32, #tpu.memory_space<hbm>>)
          tpu.yield
        }) : () -> ()
        "tpu.region"() ({
          %run_scoped3A = tpu.sem_alloc : memref<!tpu.dma_semaphore, #tpu.memory_space<semaphore_mem>>
          %dma_start3A_33 = arith.constant 0 : i32
          %dma_start3A_34 = tpu.memref_slice %arg9[%mul3A_16, %dma_start3A_33] : memref<160000x256xf32, #tpu.memory_space<hbm>> -> memref<160x256xf32, #tpu.memory_space<hbm>>
          %dma_start3A_35 = arith.constant 0 : i32
          %dma_start3A_36 = tpu.memref_slice %arg9[%mul3A_16, %dma_start3A_35] : memref<160000x256xf32, #tpu.memory_space<hbm>> -> memref<160x256xf32, #tpu.memory_space<hbm>>
          tpu.enqueue_dma source(%arg14 : memref<160x256xf32, #tpu.memory_space<vmem>>) target(%dma_start3A_36 : memref<160x256xf32, #tpu.memory_space<hbm>>) target_semaphore(%run_scoped3A : memref<!tpu.dma_semaphore, #tpu.memory_space<semaphore_mem>>)
          %dma_wait3A_37 = arith.constant 0 : i32
          %dma_wait3A_38 = tpu.memref_slice %arg9[%mul3A_16, %dma_wait3A_37] : memref<160000x256xf32, #tpu.memory_space<hbm>> -> memref<160x256xf32, #tpu.memory_space<hbm>>
          %dma_wait3A_39 = arith.constant 0 : i32
          %dma_wait3A_40 = tpu.memref_slice %arg9[%mul3A_16, %dma_wait3A_39] : memref<160000x256xf32, #tpu.memory_space<hbm>> -> memref<160x256xf32, #tpu.memory_space<hbm>>
          tpu.wait_dma2 semaphore(%run_scoped3A : memref<!tpu.dma_semaphore, #tpu.memory_space<semaphore_mem>>) src(%arg14 : memref<160x256xf32, #tpu.memory_space<vmem>>) dst(%dma_wait3A_40 : memref<160x256xf32, #tpu.memory_space<hbm>>)
          tpu.yield
        }) : () -> ()
      } else {
      }
    }
    %scan3A_4 = arith.constant 32 : i32
    return
  }
}

#map = affine_map<(d0, d1) -> (0, 0)>
#map1 = affine_map<(d0, d1) -> (0)>
#map2 = affine_map<(d0, d1) -> (0, 0, 0)>
module attributes {stable_mosaic.version = 14 : i64} {
  func.func @kern(%arg0: i32, %arg1: i32, %arg2: memref<160000x128xf32, #tpu.memory_space<hbm>>, %arg3: memref<160000xi32, #tpu.memory_space<hbm>>, %arg4: memref<10000x128xf32, #tpu.memory_space<hbm>>, %arg5: memref<2x10000x128xf32, #tpu.memory_space<hbm>>, %arg6: memref<320xi32, #tpu.memory_space<vmem>>, %arg7: memref<320x128xf32, #tpu.memory_space<vmem>>, %arg8: memref<10000x128xf32, #tpu.memory_space<vmem_shared>>) attributes {dimension_semantics = [#tpu.dimension_semantics<core_parallel>, #tpu.dimension_semantics<subcore_parallel>], iteration_bounds = array<i64: 2, 16>, scalar_prefetch = 0 : i64, scratch_operands = 3 : i64, tpu.core_type = #tpu.core_type<sc_vector_subcore>, window_params = [{transform_indices = #map}, {transform_indices = #map1}, {transform_indices = #map}, {transform_indices = #map2}]} {
    %eq3A = arith.constant 0 : i32
    %eq3A_0 = arith.cmpi eq, %arg1, %eq3A : i32
    %convert_element_type3A = arith.extui %eq3A_0 : i1 to i32
    %cond3A = arith.constant 0 : i32
    %cond3A_1 = arith.cmpi ne, %convert_element_type3A, %cond3A : i32
    scf.if %cond3A_1 {
      "tpu.region"() ({
        %run_scoped3A = tpu.sem_alloc : memref<!tpu.dma_semaphore, #tpu.memory_space<semaphore_mem>>
        tpu.enqueue_dma source(%arg4 : memref<10000x128xf32, #tpu.memory_space<hbm>>) target(%arg8 : memref<10000x128xf32, #tpu.memory_space<vmem_shared>>) target_semaphore(%run_scoped3A : memref<!tpu.dma_semaphore, #tpu.memory_space<semaphore_mem>>)
        tpu.wait_dma2 semaphore(%run_scoped3A : memref<!tpu.dma_semaphore, #tpu.memory_space<semaphore_mem>>) src(%arg4 : memref<10000x128xf32, #tpu.memory_space<hbm>>) dst(%arg8 : memref<10000x128xf32, #tpu.memory_space<vmem_shared>>)
        tpu.yield
      }) : () -> ()
    } else {
    }
    %barrier3A = arith.constant 0 : index
    tpu.barrier barrier_id(%barrier3A)
    %scan3A = arith.constant 0 : i32
    %scan3A_2 = arith.constant 16 : i32
    %scan3A_3 = arith.addi %scan3A, %scan3A_2 : i32
    %scan3A_4 = arith.constant 1 : i32
    scf.for %scan3A_14 = %scan3A to %scan3A_3 step %scan3A_4  : i32 {
      %mul3A_15 = arith.constant 1 : i32
      %mul3A_16 = arith.muli %scan3A_14, %mul3A_15 : i32
      %add3A = arith.constant 0 : i32
      %add3A_17 = arith.addi %add3A, %mul3A_16 : i32
      %mul3A_18 = arith.constant 2 : i32
      %mul3A_19 = arith.muli %arg1, %mul3A_18 : i32
      %add3A_20 = arith.addi %mul3A_19, %arg0 : i32
      %mul3A_21 = arith.constant 32 : i32
      %mul3A_22 = arith.muli %mul3A_21, %add3A_17 : i32
      %add3A_23 = arith.addi %add3A_20, %mul3A_22 : i32
      %lt3A_24 = arith.constant 500 : i32
      %lt3A_25 = arith.cmpi slt, %add3A_23, %lt3A_24 : i32
      %convert_element_type3A_26 = arith.extui %lt3A_25 : i1 to i32
      %cond3A_27 = arith.constant 0 : i32
      %cond3A_28 = arith.cmpi ne, %convert_element_type3A_26, %cond3A_27 : i32
      scf.if %cond3A_28 {
        %mul3A_29 = arith.constant 320 : i32
        %mul3A_30 = arith.muli %add3A_23, %mul3A_29 : i32
        "tpu.region"() ({
          %run_scoped3A = tpu.sem_alloc : memref<!tpu.dma_semaphore, #tpu.memory_space<semaphore_mem>>
          %dma_start3A = tpu.memref_slice %arg3[%mul3A_30] : memref<160000xi32, #tpu.memory_space<hbm>> -> memref<320xi32, #tpu.memory_space<hbm>>
          %dma_start3A_31 = tpu.memref_slice %arg3[%mul3A_30] : memref<160000xi32, #tpu.memory_space<hbm>> -> memref<320xi32, #tpu.memory_space<hbm>>
          tpu.enqueue_dma source(%dma_start3A_31 : memref<320xi32, #tpu.memory_space<hbm>>) target(%arg6 : memref<320xi32, #tpu.memory_space<vmem>>) target_semaphore(%run_scoped3A : memref<!tpu.dma_semaphore, #tpu.memory_space<semaphore_mem>>)
          %dma_wait3A = tpu.memref_slice %arg3[%mul3A_30] : memref<160000xi32, #tpu.memory_space<hbm>> -> memref<320xi32, #tpu.memory_space<hbm>>
          %dma_wait3A_32 = tpu.memref_slice %arg3[%mul3A_30] : memref<160000xi32, #tpu.memory_space<hbm>> -> memref<320xi32, #tpu.memory_space<hbm>>
          tpu.wait_dma2 semaphore(%run_scoped3A : memref<!tpu.dma_semaphore, #tpu.memory_space<semaphore_mem>>) src(%dma_wait3A_32 : memref<320xi32, #tpu.memory_space<hbm>>) dst(%arg6 : memref<320xi32, #tpu.memory_space<vmem>>)
          tpu.yield
        }) : () -> ()
        "tpu.region"() ({
          %run_scoped3A = tpu.sem_alloc : memref<!tpu.dma_semaphore, #tpu.memory_space<semaphore_mem>>
          %dma_start3A = arith.constant 0 : i32
          %dma_start3A_31 = tpu.memref_slice %arg2[%mul3A_30, %dma_start3A] : memref<160000x128xf32, #tpu.memory_space<hbm>> -> memref<320x128xf32, #tpu.memory_space<hbm>>
          %dma_start3A_32 = arith.constant 0 : i32
          %dma_start3A_33 = tpu.memref_slice %arg2[%mul3A_30, %dma_start3A_32] : memref<160000x128xf32, #tpu.memory_space<hbm>> -> memref<320x128xf32, #tpu.memory_space<hbm>>
          tpu.enqueue_dma source(%dma_start3A_33 : memref<320x128xf32, #tpu.memory_space<hbm>>) target(%arg7 : memref<320x128xf32, #tpu.memory_space<vmem>>) target_semaphore(%run_scoped3A : memref<!tpu.dma_semaphore, #tpu.memory_space<semaphore_mem>>)
          %dma_wait3A = arith.constant 0 : i32
          %dma_wait3A_34 = tpu.memref_slice %arg2[%mul3A_30, %dma_wait3A] : memref<160000x128xf32, #tpu.memory_space<hbm>> -> memref<320x128xf32, #tpu.memory_space<hbm>>
          %dma_wait3A_35 = arith.constant 0 : i32
          %dma_wait3A_36 = tpu.memref_slice %arg2[%mul3A_30, %dma_wait3A_35] : memref<160000x128xf32, #tpu.memory_space<hbm>> -> memref<320x128xf32, #tpu.memory_space<hbm>>
          tpu.wait_dma2 semaphore(%run_scoped3A : memref<!tpu.dma_semaphore, #tpu.memory_space<semaphore_mem>>) src(%dma_wait3A_36 : memref<320x128xf32, #tpu.memory_space<hbm>>) dst(%arg7 : memref<320x128xf32, #tpu.memory_space<vmem>>)
          tpu.yield
        }) : () -> ()
        "tpu.region"() ({
          %run_scoped3A = tpu.sem_alloc : memref<!tpu.dma_semaphore, #tpu.memory_space<semaphore_mem>>
          %dma_start3A = arith.constant 0 : i32
          %dma_start3A_31 = arith.constant 0 : i32
          %dma_start3A_32 = tpu.memref_slice %arg8[%dma_start3A, %dma_start3A_31] : memref<10000x128xf32, #tpu.memory_space<vmem_shared>> -> memref<10000x128xf32, #tpu.memory_space<vmem_shared>>
          tpu.enqueue_indirect_dma source(%arg7 : memref<320x128xf32, #tpu.memory_space<vmem>>) target(%dma_start3A_32 : memref<10000x128xf32, #tpu.memory_space<vmem_shared>>) offsets(%arg6 : memref<320xi32, #tpu.memory_space<vmem>>) semaphore(%run_scoped3A : memref<!tpu.dma_semaphore, #tpu.memory_space<semaphore_mem>>) {add = true}
          %dma_wait3A = arith.constant 0 : i32
          %dma_wait3A_33 = arith.constant 0 : i32
          %dma_wait3A_34 = tpu.memref_slice %arg8[%dma_wait3A, %dma_wait3A_33] : memref<10000x128xf32, #tpu.memory_space<vmem_shared>> -> memref<10000x128xf32, #tpu.memory_space<vmem_shared>>
          tpu.wait_indirect_dma semaphore(%run_scoped3A : memref<!tpu.dma_semaphore, #tpu.memory_space<semaphore_mem>>) src(%arg7 : memref<320x128xf32, #tpu.memory_space<vmem>>) dst(%dma_wait3A_34 : memref<10000x128xf32, #tpu.memory_space<vmem_shared>>)
          tpu.yield
        }) : () -> ()
      } else {
      }
    }
    %scan3A_5 = arith.constant 16 : i32
    %barrier3A_6 = arith.constant 0 : index
    tpu.barrier barrier_id(%barrier3A_6)
    %mul3A = arith.constant 624 : i32
    %mul3A_7 = arith.muli %arg1, %mul3A : i32
    %mul3A_8 = arith.constant 624 : i32
    %mul3A_9 = arith.muli %arg1, %mul3A_8 : i32
    "tpu.region"() ({
      %run_scoped3A = tpu.sem_alloc : memref<!tpu.dma_semaphore, #tpu.memory_space<semaphore_mem>>
      %dma_start3A = arith.constant 0 : i32
      %dma_start3A_14 = arith.constant 0 : i32
      %dma_start3A_15 = tpu.memref_slice %arg5[%arg0, %dma_start3A, %dma_start3A_14] : memref<2x10000x128xf32, #tpu.memory_space<hbm>> -> memref<1x10000x128xf32, #tpu.memory_space<hbm>>
      %dma_start3A_16 = tpu.memref_squeeze %dma_start3A_15 : memref<1x10000x128xf32, #tpu.memory_space<hbm>> -> memref<10000x128xf32, #tpu.memory_space<hbm>>
      %dma_start3A_17 = arith.constant 0 : i32
      %dma_start3A_18 = tpu.memref_slice %dma_start3A_16[%mul3A_9, %dma_start3A_17] : memref<10000x128xf32, #tpu.memory_space<hbm>> -> memref<624x128xf32, #tpu.memory_space<hbm>>
      %dma_start3A_19 = arith.constant 0 : i32
      %dma_start3A_20 = tpu.memref_slice %arg8[%mul3A_7, %dma_start3A_19] : memref<10000x128xf32, #tpu.memory_space<vmem_shared>> -> memref<624x128xf32, #tpu.memory_space<vmem_shared>>
      tpu.enqueue_dma source(%dma_start3A_20 : memref<624x128xf32, #tpu.memory_space<vmem_shared>>) target(%dma_start3A_18 : memref<624x128xf32, #tpu.memory_space<hbm>>) target_semaphore(%run_scoped3A : memref<!tpu.dma_semaphore, #tpu.memory_space<semaphore_mem>>)
      %dma_wait3A = arith.constant 0 : i32
      %dma_wait3A_21 = arith.constant 0 : i32
      %dma_wait3A_22 = tpu.memref_slice %arg5[%arg0, %dma_wait3A, %dma_wait3A_21] : memref<2x10000x128xf32, #tpu.memory_space<hbm>> -> memref<1x10000x128xf32, #tpu.memory_space<hbm>>
      %dma_wait3A_23 = tpu.memref_squeeze %dma_wait3A_22 : memref<1x10000x128xf32, #tpu.memory_space<hbm>> -> memref<10000x128xf32, #tpu.memory_space<hbm>>
      %dma_wait3A_24 = arith.constant 0 : i32
      %dma_wait3A_25 = tpu.memref_slice %dma_wait3A_23[%mul3A_9, %dma_wait3A_24] : memref<10000x128xf32, #tpu.memory_space<hbm>> -> memref<624x128xf32, #tpu.memory_space<hbm>>
      %dma_wait3A_26 = arith.constant 0 : i32
      %dma_wait3A_27 = tpu.memref_slice %arg8[%mul3A_7, %dma_wait3A_26] : memref<10000x128xf32, #tpu.memory_space<vmem_shared>> -> memref<624x128xf32, #tpu.memory_space<vmem_shared>>
      tpu.wait_dma2 semaphore(%run_scoped3A : memref<!tpu.dma_semaphore, #tpu.memory_space<semaphore_mem>>) src(%dma_wait3A_27 : memref<624x128xf32, #tpu.memory_space<vmem_shared>>) dst(%dma_wait3A_25 : memref<624x128xf32, #tpu.memory_space<hbm>>)
      tpu.yield
    }) : () -> ()
    %lt3A = arith.constant 2 : i32
    %lt3A_10 = arith.cmpi slt, %arg1, %lt3A : i32
    %convert_element_type3A_11 = arith.extui %lt3A_10 : i1 to i32
    %cond3A_12 = arith.constant 0 : i32
    %cond3A_13 = arith.cmpi ne, %convert_element_type3A_11, %cond3A_12 : i32
    scf.if %cond3A_13 {
      %mul3A_14 = arith.constant 8 : i32
      %mul3A_15 = arith.muli %arg1, %mul3A_14 : i32
      %add3A = arith.constant 9984 : i32
      %add3A_16 = arith.addi %add3A, %mul3A_15 : i32
      "tpu.region"() ({
        %run_scoped3A = tpu.sem_alloc : memref<!tpu.dma_semaphore, #tpu.memory_space<semaphore_mem>>
        %dma_start3A = arith.constant 0 : i32
        %dma_start3A_17 = arith.constant 0 : i32
        %dma_start3A_18 = tpu.memref_slice %arg5[%arg0, %dma_start3A, %dma_start3A_17] : memref<2x10000x128xf32, #tpu.memory_space<hbm>> -> memref<1x10000x128xf32, #tpu.memory_space<hbm>>
        %dma_start3A_19 = tpu.memref_squeeze %dma_start3A_18 : memref<1x10000x128xf32, #tpu.memory_space<hbm>> -> memref<10000x128xf32, #tpu.memory_space<hbm>>
        %dma_start3A_20 = arith.constant 0 : i32
        %dma_start3A_21 = tpu.memref_slice %dma_start3A_19[%add3A_16, %dma_start3A_20] : memref<10000x128xf32, #tpu.memory_space<hbm>> -> memref<8x128xf32, #tpu.memory_space<hbm>>
        %dma_start3A_22 = arith.constant 0 : i32
        %dma_start3A_23 = tpu.memref_slice %arg8[%add3A_16, %dma_start3A_22] : memref<10000x128xf32, #tpu.memory_space<vmem_shared>> -> memref<8x128xf32, #tpu.memory_space<vmem_shared>>
        tpu.enqueue_dma source(%dma_start3A_23 : memref<8x128xf32, #tpu.memory_space<vmem_shared>>) target(%dma_start3A_21 : memref<8x128xf32, #tpu.memory_space<hbm>>) target_semaphore(%run_scoped3A : memref<!tpu.dma_semaphore, #tpu.memory_space<semaphore_mem>>)
        %dma_wait3A = arith.constant 0 : i32
        %dma_wait3A_24 = arith.constant 0 : i32
        %dma_wait3A_25 = tpu.memref_slice %arg5[%arg0, %dma_wait3A, %dma_wait3A_24] : memref<2x10000x128xf32, #tpu.memory_space<hbm>> -> memref<1x10000x128xf32, #tpu.memory_space<hbm>>
        %dma_wait3A_26 = tpu.memref_squeeze %dma_wait3A_25 : memref<1x10000x128xf32, #tpu.memory_space<hbm>> -> memref<10000x128xf32, #tpu.memory_space<hbm>>
        %dma_wait3A_27 = arith.constant 0 : i32
        %dma_wait3A_28 = tpu.memref_slice %dma_wait3A_26[%add3A_16, %dma_wait3A_27] : memref<10000x128xf32, #tpu.memory_space<hbm>> -> memref<8x128xf32, #tpu.memory_space<hbm>>
        %dma_wait3A_29 = arith.constant 0 : i32
        %dma_wait3A_30 = tpu.memref_slice %arg8[%add3A_16, %dma_wait3A_29] : memref<10000x128xf32, #tpu.memory_space<vmem_shared>> -> memref<8x128xf32, #tpu.memory_space<vmem_shared>>
        tpu.wait_dma2 semaphore(%run_scoped3A : memref<!tpu.dma_semaphore, #tpu.memory_space<semaphore_mem>>) src(%dma_wait3A_30 : memref<8x128xf32, #tpu.memory_space<vmem_shared>>) dst(%dma_wait3A_28 : memref<8x128xf32, #tpu.memory_space<hbm>>)
        tpu.yield
      }) : () -> ()
    } else {
    }
    return
  }
}

#map = affine_map<(d0, d1) -> (0, 0)>
#map1 = affine_map<(d0, d1) -> (0)>
module attributes {stable_mosaic.version = 14 : i64} {
  func.func @kern(%arg0: i32, %arg1: i32, %arg2: memref<160000x256xf32, #tpu.memory_space<hbm>>, %arg3: memref<160000xi32, #tpu.memory_space<hbm>>, %arg4: memref<10000x128xf32, #tpu.memory_space<hbm>>, %arg5: memref<10000x256xf32, #tpu.memory_space<hbm>>, %arg6: memref<320xi32, #tpu.memory_space<vmem>>, %arg7: memref<320x128xf32, #tpu.memory_space<vmem>>, %arg8: memref<10000x128xf32, #tpu.memory_space<vmem_shared>>) attributes {dimension_semantics = [#tpu.dimension_semantics<core_parallel>, #tpu.dimension_semantics<subcore_parallel>], iteration_bounds = array<i64: 2, 16>, scalar_prefetch = 0 : i64, scratch_operands = 3 : i64, tpu.core_type = #tpu.core_type<sc_vector_subcore>, window_params = [{transform_indices = #map}, {transform_indices = #map1}, {transform_indices = #map}, {transform_indices = #map}]} {
    %eq3A = arith.constant 0 : i32
    %eq3A_0 = arith.cmpi eq, %arg1, %eq3A : i32
    %convert_element_type3A = arith.extui %eq3A_0 : i1 to i32
    %cond3A = arith.constant 0 : i32
    %cond3A_1 = arith.cmpi ne, %convert_element_type3A, %cond3A : i32
    scf.if %cond3A_1 {
      "tpu.region"() ({
        %run_scoped3A = tpu.sem_alloc : memref<!tpu.dma_semaphore, #tpu.memory_space<semaphore_mem>>
        tpu.enqueue_dma source(%arg4 : memref<10000x128xf32, #tpu.memory_space<hbm>>) target(%arg8 : memref<10000x128xf32, #tpu.memory_space<vmem_shared>>) target_semaphore(%run_scoped3A : memref<!tpu.dma_semaphore, #tpu.memory_space<semaphore_mem>>)
        tpu.wait_dma2 semaphore(%run_scoped3A : memref<!tpu.dma_semaphore, #tpu.memory_space<semaphore_mem>>) src(%arg4 : memref<10000x128xf32, #tpu.memory_space<hbm>>) dst(%arg8 : memref<10000x128xf32, #tpu.memory_space<vmem_shared>>)
        tpu.yield
      }) : () -> ()
    } else {
    }
    %barrier3A = arith.constant 0 : index
    tpu.barrier barrier_id(%barrier3A)
    %scan3A = arith.constant 0 : i32
    %scan3A_2 = arith.constant 32 : i32
    %scan3A_3 = arith.addi %scan3A, %scan3A_2 : i32
    %scan3A_4 = arith.constant 1 : i32
    scf.for %scan3A_16 = %scan3A to %scan3A_3 step %scan3A_4  : i32 {
      %mul3A_17 = arith.constant 1 : i32
      %mul3A_18 = arith.muli %scan3A_16, %mul3A_17 : i32
      %add3A = arith.constant 0 : i32
      %add3A_19 = arith.addi %add3A, %mul3A_18 : i32
      %mul3A_20 = arith.constant 16 : i32
      %mul3A_21 = arith.muli %mul3A_20, %add3A_19 : i32
      %add3A_22 = arith.addi %arg1, %mul3A_21 : i32
      %lt3A_23 = arith.constant 500 : i32
      %lt3A_24 = arith.cmpi slt, %add3A_22, %lt3A_23 : i32
      %convert_element_type3A_25 = arith.extui %lt3A_24 : i1 to i32
      %cond3A_26 = arith.constant 0 : i32
      %cond3A_27 = arith.cmpi ne, %convert_element_type3A_25, %cond3A_26 : i32
      scf.if %cond3A_27 {
        %mul3A_28 = arith.constant 320 : i32
        %mul3A_29 = arith.muli %add3A_22, %mul3A_28 : i32
        "tpu.region"() ({
          %run_scoped3A = tpu.sem_alloc : memref<!tpu.dma_semaphore, #tpu.memory_space<semaphore_mem>>
          %dma_start3A = tpu.memref_slice %arg3[%mul3A_29] : memref<160000xi32, #tpu.memory_space<hbm>> -> memref<320xi32, #tpu.memory_space<hbm>>
          %dma_start3A_32 = tpu.memref_slice %arg3[%mul3A_29] : memref<160000xi32, #tpu.memory_space<hbm>> -> memref<320xi32, #tpu.memory_space<hbm>>
          tpu.enqueue_dma source(%dma_start3A_32 : memref<320xi32, #tpu.memory_space<hbm>>) target(%arg6 : memref<320xi32, #tpu.memory_space<vmem>>) target_semaphore(%run_scoped3A : memref<!tpu.dma_semaphore, #tpu.memory_space<semaphore_mem>>)
          %dma_wait3A = tpu.memref_slice %arg3[%mul3A_29] : memref<160000xi32, #tpu.memory_space<hbm>> -> memref<320xi32, #tpu.memory_space<hbm>>
          %dma_wait3A_33 = tpu.memref_slice %arg3[%mul3A_29] : memref<160000xi32, #tpu.memory_space<hbm>> -> memref<320xi32, #tpu.memory_space<hbm>>
          tpu.wait_dma2 semaphore(%run_scoped3A : memref<!tpu.dma_semaphore, #tpu.memory_space<semaphore_mem>>) src(%dma_wait3A_33 : memref<320xi32, #tpu.memory_space<hbm>>) dst(%arg6 : memref<320xi32, #tpu.memory_space<vmem>>)
          tpu.yield
        }) : () -> ()
        %mul3A_30 = arith.constant 128 : i32
        %mul3A_31 = arith.muli %arg0, %mul3A_30 : i32
        "tpu.region"() ({
          %run_scoped3A = tpu.sem_alloc : memref<!tpu.dma_semaphore, #tpu.memory_space<semaphore_mem>>
          %dma_start3A = tpu.memref_slice %arg2[%mul3A_29, %mul3A_31] : memref<160000x256xf32, #tpu.memory_space<hbm>> -> memref<320x128xf32, #tpu.memory_space<hbm>>
          %dma_start3A_32 = tpu.memref_slice %arg2[%mul3A_29, %mul3A_31] : memref<160000x256xf32, #tpu.memory_space<hbm>> -> memref<320x128xf32, #tpu.memory_space<hbm>>
          tpu.enqueue_dma source(%dma_start3A_32 : memref<320x128xf32, #tpu.memory_space<hbm>>) target(%arg7 : memref<320x128xf32, #tpu.memory_space<vmem>>) target_semaphore(%run_scoped3A : memref<!tpu.dma_semaphore, #tpu.memory_space<semaphore_mem>>)
          %dma_wait3A = tpu.memref_slice %arg2[%mul3A_29, %mul3A_31] : memref<160000x256xf32, #tpu.memory_space<hbm>> -> memref<320x128xf32, #tpu.memory_space<hbm>>
          %dma_wait3A_33 = tpu.memref_slice %arg2[%mul3A_29, %mul3A_31] : memref<160000x256xf32, #tpu.memory_space<hbm>> -> memref<320x128xf32, #tpu.memory_space<hbm>>
          tpu.wait_dma2 semaphore(%run_scoped3A : memref<!tpu.dma_semaphore, #tpu.memory_space<semaphore_mem>>) src(%dma_wait3A_33 : memref<320x128xf32, #tpu.memory_space<hbm>>) dst(%arg7 : memref<320x128xf32, #tpu.memory_space<vmem>>)
          tpu.yield
        }) : () -> ()
        "tpu.region"() ({
          %run_scoped3A = tpu.sem_alloc : memref<!tpu.dma_semaphore, #tpu.memory_space<semaphore_mem>>
          %dma_start3A = arith.constant 0 : i32
          %dma_start3A_32 = arith.constant 0 : i32
          %dma_start3A_33 = tpu.memref_slice %arg8[%dma_start3A, %dma_start3A_32] : memref<10000x128xf32, #tpu.memory_space<vmem_shared>> -> memref<10000x128xf32, #tpu.memory_space<vmem_shared>>
          tpu.enqueue_indirect_dma source(%arg7 : memref<320x128xf32, #tpu.memory_space<vmem>>) target(%dma_start3A_33 : memref<10000x128xf32, #tpu.memory_space<vmem_shared>>) offsets(%arg6 : memref<320xi32, #tpu.memory_space<vmem>>) semaphore(%run_scoped3A : memref<!tpu.dma_semaphore, #tpu.memory_space<semaphore_mem>>) {add = true}
          %dma_wait3A = arith.constant 0 : i32
          %dma_wait3A_34 = arith.constant 0 : i32
          %dma_wait3A_35 = tpu.memref_slice %arg8[%dma_wait3A, %dma_wait3A_34] : memref<10000x128xf32, #tpu.memory_space<vmem_shared>> -> memref<10000x128xf32, #tpu.memory_space<vmem_shared>>
          tpu.wait_indirect_dma semaphore(%run_scoped3A : memref<!tpu.dma_semaphore, #tpu.memory_space<semaphore_mem>>) src(%arg7 : memref<320x128xf32, #tpu.memory_space<vmem>>) dst(%dma_wait3A_35 : memref<10000x128xf32, #tpu.memory_space<vmem_shared>>)
          tpu.yield
        }) : () -> ()
      } else {
      }
    }
    %scan3A_5 = arith.constant 32 : i32
    %barrier3A_6 = arith.constant 0 : index
    tpu.barrier barrier_id(%barrier3A_6)
    %mul3A = arith.constant 624 : i32
    %mul3A_7 = arith.muli %arg1, %mul3A : i32
    %mul3A_8 = arith.constant 624 : i32
    %mul3A_9 = arith.muli %arg1, %mul3A_8 : i32
    %mul3A_10 = arith.constant 128 : i32
    %mul3A_11 = arith.muli %arg0, %mul3A_10 : i32
    "tpu.region"() ({
      %run_scoped3A = tpu.sem_alloc : memref<!tpu.dma_semaphore, #tpu.memory_space<semaphore_mem>>
      %dma_start3A = tpu.memref_slice %arg5[%mul3A_9, %mul3A_11] : memref<10000x256xf32, #tpu.memory_space<hbm>> -> memref<624x128xf32, #tpu.memory_space<hbm>>
      %dma_start3A_16 = arith.constant 0 : i32
      %dma_start3A_17 = tpu.memref_slice %arg8[%mul3A_7, %dma_start3A_16] : memref<10000x128xf32, #tpu.memory_space<vmem_shared>> -> memref<624x128xf32, #tpu.memory_space<vmem_shared>>
      tpu.enqueue_dma source(%dma_start3A_17 : memref<624x128xf32, #tpu.memory_space<vmem_shared>>) target(%dma_start3A : memref<624x128xf32, #tpu.memory_space<hbm>>) target_semaphore(%run_scoped3A : memref<!tpu.dma_semaphore, #tpu.memory_space<semaphore_mem>>)
      %dma_wait3A = tpu.memref_slice %arg5[%mul3A_9, %mul3A_11] : memref<10000x256xf32, #tpu.memory_space<hbm>> -> memref<624x128xf32, #tpu.memory_space<hbm>>
      %dma_wait3A_18 = arith.constant 0 : i32
      %dma_wait3A_19 = tpu.memref_slice %arg8[%mul3A_7, %dma_wait3A_18] : memref<10000x128xf32, #tpu.memory_space<vmem_shared>> -> memref<624x128xf32, #tpu.memory_space<vmem_shared>>
      tpu.wait_dma2 semaphore(%run_scoped3A : memref<!tpu.dma_semaphore, #tpu.memory_space<semaphore_mem>>) src(%dma_wait3A_19 : memref<624x128xf32, #tpu.memory_space<vmem_shared>>) dst(%dma_wait3A : memref<624x128xf32, #tpu.memory_space<hbm>>)
      tpu.yield
    }) : () -> ()
    %lt3A = arith.constant 2 : i32
    %lt3A_12 = arith.cmpi slt, %arg1, %lt3A : i32
    %convert_element_type3A_13 = arith.extui %lt3A_12 : i1 to i32
    %cond3A_14 = arith.constant 0 : i32
    %cond3A_15 = arith.cmpi ne, %convert_element_type3A_13, %cond3A_14 : i32
    scf.if %cond3A_15 {
      %mul3A_16 = arith.constant 8 : i32
      %mul3A_17 = arith.muli %arg1, %mul3A_16 : i32
      %add3A = arith.constant 9984 : i32
      %add3A_18 = arith.addi %add3A, %mul3A_17 : i32
      %mul3A_19 = arith.constant 128 : i32
      %mul3A_20 = arith.muli %arg0, %mul3A_19 : i32
      "tpu.region"() ({
        %run_scoped3A = tpu.sem_alloc : memref<!tpu.dma_semaphore, #tpu.memory_space<semaphore_mem>>
        %dma_start3A = tpu.memref_slice %arg5[%add3A_18, %mul3A_20] : memref<10000x256xf32, #tpu.memory_space<hbm>> -> memref<8x128xf32, #tpu.memory_space<hbm>>
        %dma_start3A_21 = arith.constant 0 : i32
        %dma_start3A_22 = tpu.memref_slice %arg8[%add3A_18, %dma_start3A_21] : memref<10000x128xf32, #tpu.memory_space<vmem_shared>> -> memref<8x128xf32, #tpu.memory_space<vmem_shared>>
        tpu.enqueue_dma source(%dma_start3A_22 : memref<8x128xf32, #tpu.memory_space<vmem_shared>>) target(%dma_start3A : memref<8x128xf32, #tpu.memory_space<hbm>>) target_semaphore(%run_scoped3A : memref<!tpu.dma_semaphore, #tpu.memory_space<semaphore_mem>>)
        %dma_wait3A = tpu.memref_slice %arg5[%add3A_18, %mul3A_20] : memref<10000x256xf32, #tpu.memory_space<hbm>> -> memref<8x128xf32, #tpu.memory_space<hbm>>
        %dma_wait3A_23 = arith.constant 0 : i32
        %dma_wait3A_24 = tpu.memref_slice %arg8[%add3A_18, %dma_wait3A_23] : memref<10000x128xf32, #tpu.memory_space<vmem_shared>> -> memref<8x128xf32, #tpu.memory_space<vmem_shared>>
        tpu.wait_dma2 semaphore(%run_scoped3A : memref<!tpu.dma_semaphore, #tpu.memory_space<semaphore_mem>>) src(%dma_wait3A_24 : memref<8x128xf32, #tpu.memory_space<vmem_shared>>) dst(%dma_wait3A : memref<8x128xf32, #tpu.memory_space<hbm>>)
        tpu.yield
      }) : () -> ()
    } else {
    }
    return
  }
}

module attributes {stable_mosaic.version = 14 : i64} {
  func.func @_t1_body(%arg0: i32, %arg1: memref<400x256xf32, #tpu.memory_space<vmem>>, %arg2: memref<400x256xf32, #tpu.memory_space<vmem>>, %arg3: memref<256x1536xf32, #tpu.memory_space<vmem>>, %arg4: memref<1x1536xf32, #tpu.memory_space<vmem>>, %arg5: memref<256x256xf32, #tpu.memory_space<vmem>>, %arg6: memref<1x256xf32, #tpu.memory_space<vmem>>, %arg7: memref<256x256xf32, #tpu.memory_space<vmem>>, %arg8: memref<1x256xf32, #tpu.memory_space<vmem>>, %arg9: memref<256x256xf32, #tpu.memory_space<vmem>>, %arg10: memref<1x256xf32, #tpu.memory_space<vmem>>, %arg11: memref<400x256xf32, #tpu.memory_space<vmem>>, %arg12: memref<400x256xf32, #tpu.memory_space<vmem>>, %arg13: memref<400x256xf32, #tpu.memory_space<vmem>>, %arg14: memref<400x1024xf32, #tpu.memory_space<vmem>>) attributes {dimension_semantics = [#tpu.dimension_semantics<arbitrary>], iteration_bounds = array<i64: 25>, scalar_prefetch = 0 : i64, scratch_operands = 0 : i64, tpu.core_type = #tpu.core_type<tc>, window_params = [{transform_indices = @transform_0, window_bounds = array<i64: 400, 256>}, {transform_indices = @transform_1, window_bounds = array<i64: 400, 256>}, {pipeline_mode = #tpu.pipeline_mode<synchronous>, transform_indices = @transform_2, window_bounds = array<i64: 256, 1536>}, {pipeline_mode = #tpu.pipeline_mode<synchronous>, transform_indices = @transform_3, window_bounds = array<i64: 1, 1536>}, {pipeline_mode = #tpu.pipeline_mode<synchronous>, transform_indices = @transform_4, window_bounds = array<i64: 256, 256>}, {pipeline_mode = #tpu.pipeline_mode<synchronous>, transform_indices = @transform_5, window_bounds = array<i64: 1, 256>}, {pipeline_mode = #tpu.pipeline_mode<synchronous>, transform_indices = @transform_6, window_bounds = array<i64: 256, 256>}, {pipeline_mode = #tpu.pipeline_mode<synchronous>, transform_indices = @transform_7, window_bounds = array<i64: 1, 256>}, {pipeline_mode = #tpu.pipeline_mode<synchronous>, transform_indices = @transform_8, window_bounds = array<i64: 256, 256>}, {pipeline_mode = #tpu.pipeline_mode<synchronous>, transform_indices = @transform_9, window_bounds = array<i64: 1, 256>}, {transform_indices = @transform_10, window_bounds = array<i64: 400, 256>}, {transform_indices = @transform_11, window_bounds = array<i64: 400, 256>}, {transform_indices = @transform_12, window_bounds = array<i64: 400, 256>}, {transform_indices = @transform_13, window_bounds = array<i64: 400, 1024>}]} {
    %get3A = arith.constant 0 : index
    %get3A_0 = arith.constant 0 : index
    %get3A_1 = vector.load %arg2[%get3A, %get3A_0] : memref<400x256xf32, #tpu.memory_space<vmem>>, vector<400x256xf32>
    %logistic3A = arith.negf %get3A_1 : vector<400x256xf32>
    %logistic3A_2 = math.exp %logistic3A : vector<400x256xf32>
    %logistic3A_3 = arith.constant 1.000000e+00 : f32
    %logistic3A_4 = vector.broadcast %logistic3A_3 : f32 to vector<400x256xf32>
    %logistic3A_5 = arith.addf %logistic3A_4, %logistic3A_2 : vector<400x256xf32>
    %logistic3A_6 = arith.divf %logistic3A_4, %logistic3A_5 : vector<400x256xf32>
    %mul3A = arith.mulf %get3A_1, %logistic3A_6 : vector<400x256xf32>
    %get3A_7 = arith.constant 0 : index
    %get3A_8 = arith.constant 0 : index
    %get3A_9 = vector.load %arg3[%get3A_7, %get3A_8] : memref<256x1536xf32, #tpu.memory_space<vmem>>, vector<256x1536xf32>
    %dot_general3A = arith.constant dense<0.000000e+00> : vector<400x1536xf32>
    %dot_general3A_10 = tpu.matmul %mul3A, %get3A_9, %dot_general3A {dimension_numbers = #tpu.dot_dimension_numbers<[1], [0], [0], [1], [0, 0, 1, 1], [], []>, transpose_lhs_hint = false} : vector<400x256xf32>, vector<256x1536xf32>, vector<400x1536xf32> -> vector<400x1536xf32>
    %get3A_11 = arith.constant 0 : index
    %get3A_12 = arith.constant 0 : index
    %get3A_13 = vector.load %arg4[%get3A_11, %get3A_12] : memref<1x1536xf32, #tpu.memory_space<vmem>>, vector<1x1536xf32>
    %add3A = vector.broadcast %get3A_13 : vector<1x1536xf32> to vector<400x1536xf32>
    %add3A_14 = arith.addf %dot_general3A_10, %add3A : vector<400x1536xf32>
    %get3A_15 = arith.constant 0 : index
    %get3A_16 = arith.constant 0 : index
    %get3A_17 = vector.load %arg1[%get3A_15, %get3A_16] : memref<400x256xf32, #tpu.memory_space<vmem>>, vector<400x256xf32>
    %reduce_sum3A = arith.constant dense<0.000000e+00> : vector<400xf32>
    %reduce_sum3A_18 = vector.multi_reduction <add>, %get3A_17, %reduce_sum3A [1] : vector<400x256xf32> to vector<400xf32>
    %broadcast_in_dim3A = vector.shape_cast %reduce_sum3A_18 : vector<400xf32> to vector<400x1xf32>
    %div3A = arith.constant 2.560000e+02 : f32
    %div3A_19 = vector.broadcast %div3A : f32 to vector<400x1xf32>
    %div3A_20 = arith.divf %broadcast_in_dim3A, %div3A_19 : vector<400x1xf32>
    %jit3A = arith.constant 0 : i32
    %reduce_sum3A_21 = arith.constant dense<0.000000e+00> : vector<400xf32>
    %reduce_sum3A_22 = vector.multi_reduction <add>, %get3A_17, %reduce_sum3A_21 [1] : vector<400x256xf32> to vector<400xf32>
    %broadcast_in_dim3A_23 = vector.shape_cast %reduce_sum3A_22 : vector<400xf32> to vector<400x1xf32>
    %div3A_24 = arith.constant 2.560000e+02 : f32
    %div3A_25 = vector.broadcast %div3A_24 : f32 to vector<400x1xf32>
    %div3A_26 = arith.divf %broadcast_in_dim3A_23, %div3A_25 : vector<400x1xf32>
    %sub3A = vector.broadcast %div3A_26 : vector<400x1xf32> to vector<400x256xf32>
    %sub3A_27 = arith.subf %get3A_17, %sub3A : vector<400x256xf32>
    %square3A = arith.mulf %sub3A_27, %sub3A_27 : vector<400x256xf32>
    %convert_element_type3A = arith.sitofp %jit3A : i32 to f32
    %sub3A_28 = arith.constant 2.560000e+02 : f32
    %sub3A_29 = arith.subf %sub3A_28, %convert_element_type3A : f32
    %reduce_sum3A_30 = arith.constant dense<0.000000e+00> : vector<400xf32>
    %reduce_sum3A_31 = vector.multi_reduction <add>, %square3A, %reduce_sum3A_30 [1] : vector<400x256xf32> to vector<400xf32>
    %broadcast_in_dim3A_32 = vector.shape_cast %reduce_sum3A_31 : vector<400xf32> to vector<400x1xf32>
    %div3A_33 = vector.broadcast %sub3A_29 : f32 to vector<400x1xf32>
    %div3A_34 = arith.divf %broadcast_in_dim3A_32, %div3A_33 : vector<400x1xf32>
    %gt3A = arith.constant 0.000000e+00 : f32
    %gt3A_35 = arith.cmpf ogt, %sub3A_29, %gt3A : f32
    %jit3A_36 = arith.constant 0x7FC00000 : f32
    %broadcast_in_dim3A_37 = vector.broadcast %jit3A_36 : f32 to vector<400x1xf32>
    %select_n3A = arith.select %gt3A_35, %div3A_34, %broadcast_in_dim3A_37 : vector<400x1xf32>
    %sub3A_38 = vector.broadcast %div3A_20 : vector<400x1xf32> to vector<400x256xf32>
    %sub3A_39 = arith.subf %get3A_17, %sub3A_38 : vector<400x256xf32>
    %add3A_40 = arith.constant 9.99999997E-7 : f32
    %add3A_41 = vector.broadcast %add3A_40 : f32 to vector<400x1xf32>
    %add3A_42 = arith.addf %select_n3A, %add3A_41 : vector<400x1xf32>
    %rsqrt3A = math.rsqrt %add3A_42 : vector<400x1xf32>
    %mul3A_43 = vector.broadcast %rsqrt3A : vector<400x1xf32> to vector<400x256xf32>
    %mul3A_44 = arith.mulf %sub3A_39, %mul3A_43 : vector<400x256xf32>
    %slice3A = vector.extract_strided_slice %add3A_14 {offsets = [0, 256], sizes = [400, 256], strides = [1, 1]} : vector<400x1536xf32> to vector<400x256xf32>
    %add3A_45 = arith.constant 1.000000e+00 : f32
    %add3A_46 = vector.broadcast %add3A_45 : f32 to vector<400x256xf32>
    %add3A_47 = arith.addf %add3A_46, %slice3A : vector<400x256xf32>
    %mul3A_48 = arith.mulf %mul3A_44, %add3A_47 : vector<400x256xf32>
    %slice3A_49 = vector.extract_strided_slice %add3A_14 {offsets = [0, 0], sizes = [400, 256], strides = [1, 1]} : vector<400x1536xf32> to vector<400x256xf32>
    %add3A_50 = arith.addf %mul3A_48, %slice3A_49 : vector<400x256xf32>
    %get3A_51 = arith.constant 0 : index
    %get3A_52 = arith.constant 0 : index
    %get3A_53 = vector.load %arg5[%get3A_51, %get3A_52] : memref<256x256xf32, #tpu.memory_space<vmem>>, vector<256x256xf32>
    %dot_general3A_54 = arith.constant dense<0.000000e+00> : vector<400x256xf32>
    %dot_general3A_55 = tpu.matmul %add3A_50, %get3A_53, %dot_general3A_54 {dimension_numbers = #tpu.dot_dimension_numbers<[1], [0], [0], [1], [0, 0, 1, 1], [], []>, transpose_lhs_hint = false} : vector<400x256xf32>, vector<256x256xf32>, vector<400x256xf32> -> vector<400x256xf32>
    %get3A_56 = arith.constant 0 : index
    %get3A_57 = arith.constant 0 : index
    %get3A_58 = vector.load %arg6[%get3A_56, %get3A_57] : memref<1x256xf32, #tpu.memory_space<vmem>>, vector<1x256xf32>
    %add3A_59 = vector.broadcast %get3A_58 : vector<1x256xf32> to vector<400x256xf32>
    %add3A_60 = arith.addf %dot_general3A_55, %add3A_59 : vector<400x256xf32>
    %swap3A = arith.constant 0 : index
    %swap3A_61 = arith.constant 0 : index
    %swap3A_62 = vector.load %arg11[%swap3A, %swap3A_61] : memref<400x256xf32, #tpu.memory_space<vmem>>, vector<400x256xf32>
    tpu.vector_store %arg11[%swap3A, %swap3A_61], %add3A_60 {strides = array<i32>} : memref<400x256xf32, #tpu.memory_space<vmem>>, vector<400x256xf32>,
    %get3A_63 = arith.constant 0 : index
    %get3A_64 = arith.constant 0 : index
    %get3A_65 = vector.load %arg7[%get3A_63, %get3A_64] : memref<256x256xf32, #tpu.memory_space<vmem>>, vector<256x256xf32>
    %dot_general3A_66 = arith.constant dense<0.000000e+00> : vector<400x256xf32>
    %dot_general3A_67 = tpu.matmul %add3A_50, %get3A_65, %dot_general3A_66 {dimension_numbers = #tpu.dot_dimension_numbers<[1], [0], [0], [1], [0, 0, 1, 1], [], []>, transpose_lhs_hint = false} : vector<400x256xf32>, vector<256x256xf32>, vector<400x256xf32> -> vector<400x256xf32>
    %get3A_68 = arith.constant 0 : index
    %get3A_69 = arith.constant 0 : index
    %get3A_70 = vector.load %arg8[%get3A_68, %get3A_69] : memref<1x256xf32, #tpu.memory_space<vmem>>, vector<1x256xf32>
    %add3A_71 = vector.broadcast %get3A_70 : vector<1x256xf32> to vector<400x256xf32>
    %add3A_72 = arith.addf %dot_general3A_67, %add3A_71 : vector<400x256xf32>
    %swap3A_73 = arith.constant 0 : index
    %swap3A_74 = arith.constant 0 : index
    %swap3A_75 = vector.load %arg12[%swap3A_73, %swap3A_74] : memref<400x256xf32, #tpu.memory_space<vmem>>, vector<400x256xf32>
    tpu.vector_store %arg12[%swap3A_73, %swap3A_74], %add3A_72 {strides = array<i32>} : memref<400x256xf32, #tpu.memory_space<vmem>>, vector<400x256xf32>,
    %get3A_76 = arith.constant 0 : index
    %get3A_77 = arith.constant 0 : index
    %get3A_78 = vector.load %arg9[%get3A_76, %get3A_77] : memref<256x256xf32, #tpu.memory_space<vmem>>, vector<256x256xf32>
    %dot_general3A_79 = arith.constant dense<0.000000e+00> : vector<400x256xf32>
    %dot_general3A_80 = tpu.matmul %add3A_50, %get3A_78, %dot_general3A_79 {dimension_numbers = #tpu.dot_dimension_numbers<[1], [0], [0], [1], [0, 0, 1, 1], [], []>, transpose_lhs_hint = false} : vector<400x256xf32>, vector<256x256xf32>, vector<400x256xf32> -> vector<400x256xf32>
    %get3A_81 = arith.constant 0 : index
    %get3A_82 = arith.constant 0 : index
    %get3A_83 = vector.load %arg10[%get3A_81, %get3A_82] : memref<1x256xf32, #tpu.memory_space<vmem>>, vector<1x256xf32>
    %add3A_84 = vector.broadcast %get3A_83 : vector<1x256xf32> to vector<400x256xf32>
    %add3A_85 = arith.addf %dot_general3A_80, %add3A_84 : vector<400x256xf32>
    %swap3A_86 = arith.constant 0 : index
    %swap3A_87 = arith.constant 0 : index
    %swap3A_88 = vector.load %arg13[%swap3A_86, %swap3A_87] : memref<400x256xf32, #tpu.memory_space<vmem>>, vector<400x256xf32>
    tpu.vector_store %arg13[%swap3A_86, %swap3A_87], %add3A_85 {strides = array<i32>} : memref<400x256xf32, #tpu.memory_space<vmem>>, vector<400x256xf32>,
    %slice3A_89 = vector.extract_strided_slice %add3A_14 {offsets = [0, 512], sizes = [400, 1024], strides = [1, 1]} : vector<400x1536xf32> to vector<400x1024xf32>
    %swap3A_90 = arith.constant 0 : index
    %swap3A_91 = arith.constant 0 : index
    %swap3A_92 = vector.load %arg14[%swap3A_90, %swap3A_91] : memref<400x1024xf32, #tpu.memory_space<vmem>>, vector<400x1024xf32>
    tpu.vector_store %arg14[%swap3A_90, %swap3A_91], %slice3A_89 {strides = array<i32>} : memref<400x1024xf32, #tpu.memory_space<vmem>>, vector<400x1024xf32>,
    return
  }
  func.func @transform_0(%arg0: i32) -> (i32, i32) {
    %c0_i32 = arith.constant 0 : i32
    %c0_i32_0 = arith.constant 0 : i32
    return %arg0, %c0_i32 : i32, i32
  }
  func.func @transform_1(%arg0: i32) -> (i32, i32) {
    %c0_i32 = arith.constant 0 : i32
    %c0_i32_0 = arith.constant 0 : i32
    return %arg0, %c0_i32 : i32, i32
  }
  func.func @transform_2(%arg0: i32) -> (i32, i32) {
    %c0_i32 = arith.constant 0 : i32
    %c0_i32_0 = arith.constant 0 : i32
    %c0_i32_1 = arith.constant 0 : i32
    return %c0_i32, %c0_i32_0 : i32, i32
  }
  func.func @transform_3(%arg0: i32) -> (i32, i32) {
    %c0_i32 = arith.constant 0 : i32
    %c0_i32_0 = arith.constant 0 : i32
    %c0_i32_1 = arith.constant 0 : i32
    return %c0_i32, %c0_i32_0 : i32, i32
  }
  func.func @transform_4(%arg0: i32) -> (i32, i32) {
    %c0_i32 = arith.constant 0 : i32
    %c0_i32_0 = arith.constant 0 : i32
    %c0_i32_1 = arith.constant 0 : i32
    return %c0_i32, %c0_i32_0 : i32, i32
  }
  func.func @transform_5(%arg0: i32) -> (i32, i32) {
    %c0_i32 = arith.constant 0 : i32
    %c0_i32_0 = arith.constant 0 : i32
    %c0_i32_1 = arith.constant 0 : i32
    return %c0_i32, %c0_i32_0 : i32, i32
  }
  func.func @transform_6(%arg0: i32) -> (i32, i32) {
    %c0_i32 = arith.constant 0 : i32
    %c0_i32_0 = arith.constant 0 : i32
    %c0_i32_1 = arith.constant 0 : i32
    return %c0_i32, %c0_i32_0 : i32, i32
  }
  func.func @transform_7(%arg0: i32) -> (i32, i32) {
    %c0_i32 = arith.constant 0 : i32
    %c0_i32_0 = arith.constant 0 : i32
    %c0_i32_1 = arith.constant 0 : i32
    return %c0_i32, %c0_i32_0 : i32, i32
  }
  func.func @transform_8(%arg0: i32) -> (i32, i32) {
    %c0_i32 = arith.constant 0 : i32
    %c0_i32_0 = arith.constant 0 : i32
    %c0_i32_1 = arith.constant 0 : i32
    return %c0_i32, %c0_i32_0 : i32, i32
  }
  func.func @transform_9(%arg0: i32) -> (i32, i32) {
    %c0_i32 = arith.constant 0 : i32
    %c0_i32_0 = arith.constant 0 : i32
    %c0_i32_1 = arith.constant 0 : i32
    return %c0_i32, %c0_i32_0 : i32, i32
  }
  func.func @transform_10(%arg0: i32) -> (i32, i32) {
    %c0_i32 = arith.constant 0 : i32
    %c0_i32_0 = arith.constant 0 : i32
    return %arg0, %c0_i32 : i32, i32
  }
  func.func @transform_11(%arg0: i32) -> (i32, i32) {
    %c0_i32 = arith.constant 0 : i32
    %c0_i32_0 = arith.constant 0 : i32
    return %arg0, %c0_i32 : i32, i32
  }
  func.func @transform_12(%arg0: i32) -> (i32, i32) {
    %c0_i32 = arith.constant 0 : i32
    %c0_i32_0 = arith.constant 0 : i32
    return %arg0, %c0_i32 : i32, i32
  }
  func.func @transform_13(%arg0: i32) -> (i32, i32) {
    %c0_i32 = arith.constant 0 : i32
    %c0_i32_0 = arith.constant 0 : i32
    return %arg0, %c0_i32 : i32, i32
  }
}

module attributes {stable_mosaic.version = 14 : i64} {
  func.func @_t2_body(%arg0: i32, %arg1: memref<1000x256xf32, #tpu.memory_space<vmem>>, %arg2: memref<1000x16xf32, #tpu.memory_space<vmem>>, %arg3: memref<256x128xf32, #tpu.memory_space<vmem>>, %arg4: memref<1x128xf32, #tpu.memory_space<vmem>>, %arg5: memref<1000x128xf32, #tpu.memory_space<vmem>>, %arg6: memref<1000x16xf32, #tpu.memory_space<vmem>>) attributes {dimension_semantics = [#tpu.dimension_semantics<arbitrary>], iteration_bounds = array<i64: 160>, scalar_prefetch = 0 : i64, scratch_operands = 0 : i64, tpu.core_type = #tpu.core_type<tc>, window_params = [{transform_indices = @transform_0, window_bounds = array<i64: 1000, 256>}, {transform_indices = @transform_1, window_bounds = array<i64: 1000, 16>}, {pipeline_mode = #tpu.pipeline_mode<synchronous>, transform_indices = @transform_2, window_bounds = array<i64: 256, 128>}, {pipeline_mode = #tpu.pipeline_mode<synchronous>, transform_indices = @transform_3, window_bounds = array<i64: 1, 128>}, {transform_indices = @transform_4, window_bounds = array<i64: 1000, 128>}, {transform_indices = @transform_5, window_bounds = array<i64: 1000, 16>}]} {
    %get3A = arith.constant 0 : index
    %get3A_0 = arith.constant 0 : index
    %get3A_1 = vector.load %arg1[%get3A, %get3A_0] : memref<1000x256xf32, #tpu.memory_space<vmem>>, vector<1000x256xf32>
    %logistic3A = arith.negf %get3A_1 : vector<1000x256xf32>
    %logistic3A_2 = math.exp %logistic3A : vector<1000x256xf32>
    %logistic3A_3 = arith.constant 1.000000e+00 : f32
    %logistic3A_4 = vector.broadcast %logistic3A_3 : f32 to vector<1000x256xf32>
    %logistic3A_5 = arith.addf %logistic3A_4, %logistic3A_2 : vector<1000x256xf32>
    %logistic3A_6 = arith.divf %logistic3A_4, %logistic3A_5 : vector<1000x256xf32>
    %mul3A = arith.mulf %get3A_1, %logistic3A_6 : vector<1000x256xf32>
    %get3A_7 = arith.constant 0 : index
    %get3A_8 = arith.constant 0 : index
    %get3A_9 = vector.load %arg3[%get3A_7, %get3A_8] : memref<256x128xf32, #tpu.memory_space<vmem>>, vector<256x128xf32>
    %dot_general3A = arith.constant dense<0.000000e+00> : vector<1000x128xf32>
    %dot_general3A_10 = tpu.matmul %mul3A, %get3A_9, %dot_general3A {dimension_numbers = #tpu.dot_dimension_numbers<[1], [0], [0], [1], [0, 0, 1, 1], [], []>, transpose_lhs_hint = false} : vector<1000x256xf32>, vector<256x128xf32>, vector<1000x128xf32> -> vector<1000x128xf32>
    %get3A_11 = arith.constant 0 : index
    %get3A_12 = arith.constant 0 : index
    %get3A_13 = vector.load %arg4[%get3A_11, %get3A_12] : memref<1x128xf32, #tpu.memory_space<vmem>>, vector<1x128xf32>
    %add3A = vector.broadcast %get3A_13 : vector<1x128xf32> to vector<1000x128xf32>
    %add3A_14 = arith.addf %dot_general3A_10, %add3A : vector<1000x128xf32>
    %swap3A = arith.constant 0 : index
    %swap3A_15 = arith.constant 0 : index
    %swap3A_16 = vector.load %arg5[%swap3A, %swap3A_15] : memref<1000x128xf32, #tpu.memory_space<vmem>>, vector<1000x128xf32>
    tpu.vector_store %arg5[%swap3A, %swap3A_15], %add3A_14 {strides = array<i32>} : memref<1000x128xf32, #tpu.memory_space<vmem>>, vector<1000x128xf32>,
    %get3A_17 = arith.constant 0 : index
    %get3A_18 = arith.constant 0 : index
    %get3A_19 = vector.load %arg2[%get3A_17, %get3A_18] : memref<1000x16xf32, #tpu.memory_space<vmem>>, vector<1000x16xf32>
    %reduce_sum3A = arith.constant dense<0.000000e+00> : vector<1000xf32>
    %reduce_sum3A_20 = vector.multi_reduction <add>, %get3A_19, %reduce_sum3A [1] : vector<1000x16xf32> to vector<1000xf32>
    %broadcast_in_dim3A = vector.shape_cast %reduce_sum3A_20 : vector<1000xf32> to vector<1000x1xf32>
    %div3A = arith.constant 1.600000e+01 : f32
    %div3A_21 = vector.broadcast %div3A : f32 to vector<1000x1xf32>
    %div3A_22 = arith.divf %broadcast_in_dim3A, %div3A_21 : vector<1000x1xf32>
    %jit3A = arith.constant 0 : i32
    %reduce_sum3A_23 = arith.constant dense<0.000000e+00> : vector<1000xf32>
    %reduce_sum3A_24 = vector.multi_reduction <add>, %get3A_19, %reduce_sum3A_23 [1] : vector<1000x16xf32> to vector<1000xf32>
    %broadcast_in_dim3A_25 = vector.shape_cast %reduce_sum3A_24 : vector<1000xf32> to vector<1000x1xf32>
    %div3A_26 = arith.constant 1.600000e+01 : f32
    %div3A_27 = vector.broadcast %div3A_26 : f32 to vector<1000x1xf32>
    %div3A_28 = arith.divf %broadcast_in_dim3A_25, %div3A_27 : vector<1000x1xf32>
    %sub3A = vector.broadcast %div3A_28 : vector<1000x1xf32> to vector<1000x16xf32>
    %sub3A_29 = arith.subf %get3A_19, %sub3A : vector<1000x16xf32>
    %square3A = arith.mulf %sub3A_29, %sub3A_29 : vector<1000x16xf32>
    %convert_element_type3A = arith.sitofp %jit3A : i32 to f32
    %sub3A_30 = arith.constant 1.600000e+01 : f32
    %sub3A_31 = arith.subf %sub3A_30, %convert_element_type3A : f32
    %reduce_sum3A_32 = arith.constant dense<0.000000e+00> : vector<1000xf32>
    %reduce_sum3A_33 = vector.multi_reduction <add>, %square3A, %reduce_sum3A_32 [1] : vector<1000x16xf32> to vector<1000xf32>
    %broadcast_in_dim3A_34 = vector.shape_cast %reduce_sum3A_33 : vector<1000xf32> to vector<1000x1xf32>
    %div3A_35 = vector.broadcast %sub3A_31 : f32 to vector<1000x1xf32>
    %div3A_36 = arith.divf %broadcast_in_dim3A_34, %div3A_35 : vector<1000x1xf32>
    %gt3A = arith.constant 0.000000e+00 : f32
    %gt3A_37 = arith.cmpf ogt, %sub3A_31, %gt3A : f32
    %jit3A_38 = arith.constant 0x7FC00000 : f32
    %broadcast_in_dim3A_39 = vector.broadcast %jit3A_38 : f32 to vector<1000x1xf32>
    %select_n3A = arith.select %gt3A_37, %div3A_36, %broadcast_in_dim3A_39 : vector<1000x1xf32>
    %sub3A_40 = vector.broadcast %div3A_22 : vector<1000x1xf32> to vector<1000x16xf32>
    %sub3A_41 = arith.subf %get3A_19, %sub3A_40 : vector<1000x16xf32>
    %add3A_42 = arith.constant 9.99999997E-7 : f32
    %add3A_43 = vector.broadcast %add3A_42 : f32 to vector<1000x1xf32>
    %add3A_44 = arith.addf %select_n3A, %add3A_43 : vector<1000x1xf32>
    %rsqrt3A = math.rsqrt %add3A_44 : vector<1000x1xf32>
    %mul3A_45 = vector.broadcast %rsqrt3A : vector<1000x1xf32> to vector<1000x16xf32>
    %mul3A_46 = arith.mulf %sub3A_41, %mul3A_45 : vector<1000x16xf32>
    %slice3A = vector.extract_strided_slice %add3A_14 {offsets = [0, 16], sizes = [1000, 16], strides = [1, 1]} : vector<1000x128xf32> to vector<1000x16xf32>
    %add3A_47 = arith.constant 1.000000e+00 : f32
    %add3A_48 = vector.broadcast %add3A_47 : f32 to vector<1000x16xf32>
    %add3A_49 = arith.addf %add3A_48, %slice3A : vector<1000x16xf32>
    %mul3A_50 = arith.mulf %mul3A_46, %add3A_49 : vector<1000x16xf32>
    %slice3A_51 = vector.extract_strided_slice %add3A_14 {offsets = [0, 0], sizes = [1000, 16], strides = [1, 1]} : vector<1000x128xf32> to vector<1000x16xf32>
    %add3A_52 = arith.addf %mul3A_50, %slice3A_51 : vector<1000x16xf32>
    %swap3A_53 = arith.constant 0 : index
    %swap3A_54 = arith.constant 0 : index
    %swap3A_55 = vector.load %arg6[%swap3A_53, %swap3A_54] : memref<1000x16xf32, #tpu.memory_space<vmem>>, vector<1000x16xf32>
    tpu.vector_store %arg6[%swap3A_53, %swap3A_54], %add3A_52 {strides = array<i32>} : memref<1000x16xf32, #tpu.memory_space<vmem>>, vector<1000x16xf32>,
    return
  }
  func.func @transform_0(%arg0: i32) -> (i32, i32) {
    %c0_i32 = arith.constant 0 : i32
    %c0_i32_0 = arith.constant 0 : i32
    return %arg0, %c0_i32 : i32, i32
  }
  func.func @transform_1(%arg0: i32) -> (i32, i32) {
    %c0_i32 = arith.constant 0 : i32
    %c0_i32_0 = arith.constant 0 : i32
    return %arg0, %c0_i32 : i32, i32
  }
  func.func @transform_2(%arg0: i32) -> (i32, i32) {
    %c0_i32 = arith.constant 0 : i32
    %c0_i32_0 = arith.constant 0 : i32
    %c0_i32_1 = arith.constant 0 : i32
    return %c0_i32, %c0_i32_0 : i32, i32
  }
  func.func @transform_3(%arg0: i32) -> (i32, i32) {
    %c0_i32 = arith.constant 0 : i32
    %c0_i32_0 = arith.constant 0 : i32
    %c0_i32_1 = arith.constant 0 : i32
    return %c0_i32, %c0_i32_0 : i32, i32
  }
  func.func @transform_4(%arg0: i32) -> (i32, i32) {
    %c0_i32 = arith.constant 0 : i32
    %c0_i32_0 = arith.constant 0 : i32
    return %arg0, %c0_i32 : i32, i32
  }
  func.func @transform_5(%arg0: i32) -> (i32, i32) {
    %c0_i32 = arith.constant 0 : i32
    %c0_i32_0 = arith.constant 0 : i32
    return %arg0, %c0_i32 : i32, i32
  }
}

module attributes {stable_mosaic.version = 14 : i64} {
  func.func @_t3_body(%arg0: i32, %arg1: memref<1000x256xf32, #tpu.memory_space<vmem>>, %arg2: memref<1000x256xf32, #tpu.memory_space<vmem>>, %arg3: memref<1000x16xf32, #tpu.memory_space<vmem>>, %arg4: memref<16x256xf32, #tpu.memory_space<vmem>>, %arg5: memref<1000x8xf32, #tpu.memory_space<vmem>>, %arg6: memref<1x1x8xf32, #tpu.memory_space<vmem>>) attributes {dimension_semantics = [#tpu.dimension_semantics<arbitrary>], iteration_bounds = array<i64: 160>, scalar_prefetch = 0 : i64, scratch_operands = 0 : i64, tpu.core_type = #tpu.core_type<tc>, window_params = [{transform_indices = @transform_0, window_bounds = array<i64: 1000, 256>}, {transform_indices = @transform_1, window_bounds = array<i64: 1000, 256>}, {transform_indices = @transform_2, window_bounds = array<i64: 1000, 16>}, {pipeline_mode = #tpu.pipeline_mode<synchronous>, transform_indices = @transform_3, window_bounds = array<i64: 16, 256>}, {transform_indices = @transform_4, window_bounds = array<i64: 1000, 8>}, {transform_indices = @transform_5, window_bounds = array<i64: 1, 1, 8>}]} {
    %get3A = arith.constant 0 : index
    %get3A_0 = arith.constant 0 : index
    %get3A_1 = vector.load %arg3[%get3A, %get3A_0] : memref<1000x16xf32, #tpu.memory_space<vmem>>, vector<1000x16xf32>
    %get3A_2 = arith.constant 0 : index
    %get3A_3 = arith.constant 0 : index
    %get3A_4 = vector.load %arg4[%get3A_2, %get3A_3] : memref<16x256xf32, #tpu.memory_space<vmem>>, vector<16x256xf32>
    %dot_general3A = arith.constant dense<0.000000e+00> : vector<1000x256xf32>
    %dot_general3A_5 = tpu.matmul %get3A_1, %get3A_4, %dot_general3A {dimension_numbers = #tpu.dot_dimension_numbers<[1], [0], [0], [1], [0, 0, 1, 1], [], []>, precision = #tpu.contract_precision<fp32>, transpose_lhs_hint = false} : vector<1000x16xf32>, vector<16x256xf32>, vector<1000x256xf32> -> vector<1000x256xf32>
    %tanh3A = math.tanh %dot_general3A_5 : vector<1000x256xf32>
    %get3A_6 = arith.constant 0 : index
    %get3A_7 = arith.constant 0 : index
    %get3A_8 = vector.load %arg1[%get3A_6, %get3A_7] : memref<1000x256xf32, #tpu.memory_space<vmem>>, vector<1000x256xf32>
    %get3A_9 = arith.constant 0 : index
    %get3A_10 = arith.constant 0 : index
    %get3A_11 = vector.load %arg2[%get3A_9, %get3A_10] : memref<1000x256xf32, #tpu.memory_space<vmem>>, vector<1000x256xf32>
    %mul3A = arith.mulf %get3A_8, %get3A_11 : vector<1000x256xf32>
    %mul3A_12 = arith.mulf %mul3A, %tanh3A : vector<1000x256xf32>
    %iota3A = tpu.iota {dimensions = array<i32: 0>} : vector<256x8xi32>
    %iota3A_13 = tpu.iota {dimensions = array<i32: 1>} : vector<256x8xi32>
    %jit3A = arith.constant 32 : i32
    %div3A = vector.broadcast %jit3A : i32 to vector<256x8xi32>
    %div3A_14 = arith.divsi %iota3A, %div3A : vector<256x8xi32>
    %sign3A = arith.constant 0 : i32
    %sign3A_15 = vector.broadcast %sign3A : i32 to vector<256x8xi32>
    %sign3A_16 = arith.cmpi sgt, %iota3A, %sign3A_15 : vector<256x8xi32>
    %sign3A_17 = arith.extui %sign3A_16 : vector<256x8xi1> to vector<256x8xi32>
    %sign3A_18 = arith.constant 0 : i32
    %sign3A_19 = vector.broadcast %sign3A_18 : i32 to vector<256x8xi32>
    %sign3A_20 = arith.cmpi slt, %iota3A, %sign3A_19 : vector<256x8xi32>
    %sign3A_21 = arith.extui %sign3A_20 : vector<256x8xi1> to vector<256x8xi32>
    %sign3A_22 = arith.subi %sign3A_17, %sign3A_21 : vector<256x8xi32>
    %sign3A_23 = arith.constant 0 : i32
    %sign3A_24 = arith.cmpi sgt, %jit3A, %sign3A_23 : i32
    %sign3A_25 = arith.extui %sign3A_24 : i1 to i32
    %sign3A_26 = arith.constant 0 : i32
    %sign3A_27 = arith.cmpi slt, %jit3A, %sign3A_26 : i32
    %sign3A_28 = arith.extui %sign3A_27 : i1 to i32
    %sign3A_29 = arith.subi %sign3A_25, %sign3A_28 : i32
    %ne3A = vector.broadcast %sign3A_29 : i32 to vector<256x8xi32>
    %ne3A_30 = arith.cmpi ne, %sign3A_22, %ne3A : vector<256x8xi32>
    %rem3A = vector.broadcast %jit3A : i32 to vector<256x8xi32>
    %rem3A_31 = arith.remsi %iota3A, %rem3A : vector<256x8xi32>
    %ne3A_32 = arith.constant 0 : i32
    %ne3A_33 = vector.broadcast %ne3A_32 : i32 to vector<256x8xi32>
    %ne3A_34 = arith.cmpi ne, %rem3A_31, %ne3A_33 : vector<256x8xi32>
    %and3A = arith.andi %ne3A_30, %ne3A_34 : vector<256x8xi1>
    %sub3A = arith.constant 1 : i32
    %sub3A_35 = vector.broadcast %sub3A : i32 to vector<256x8xi32>
    %sub3A_36 = arith.subi %div3A_14, %sub3A_35 : vector<256x8xi32>
    %select_n3A = arith.select %and3A, %sub3A_36, %div3A_14 : vector<256x8xi1>, vector<256x8xi32>
    %eq3A = arith.cmpi eq, %select_n3A, %iota3A_13 : vector<256x8xi32>
    %convert_element_type3A = arith.extui %eq3A : vector<256x8xi1> to vector<256x8xi32>
    %convert_element_type3A_37 = arith.sitofp %convert_element_type3A : vector<256x8xi32> to vector<256x8xf32>
    %dot_general3A_38 = arith.constant dense<0.000000e+00> : vector<1000x8xf32>
    %dot_general3A_39 = tpu.matmul %mul3A_12, %convert_element_type3A_37, %dot_general3A_38 {dimension_numbers = #tpu.dot_dimension_numbers<[1], [0], [0], [1], [0, 0, 1, 1], [], []>, precision = #tpu.contract_precision<fp32>, transpose_lhs_hint = false} : vector<1000x256xf32>, vector<256x8xf32>, vector<1000x8xf32> -> vector<1000x8xf32>
    %mul3A_40 = arith.constant 0.176776692 : f32
    %mul3A_41 = vector.broadcast %mul3A_40 : f32 to vector<1000x8xf32>
    %mul3A_42 = arith.mulf %dot_general3A_39, %mul3A_41 : vector<1000x8xf32>
    %swap3A = arith.constant 0 : index
    %swap3A_43 = arith.constant 0 : index
    %swap3A_44 = vector.load %arg5[%swap3A, %swap3A_43] : memref<1000x8xf32, #tpu.memory_space<vmem>>, vector<1000x8xf32>
    tpu.vector_store %arg5[%swap3A, %swap3A_43], %mul3A_42 {strides = array<i32>} : memref<1000x8xf32, #tpu.memory_space<vmem>>, vector<1000x8xf32>,
    %reduce_max3A = arith.constant dense<0xFF800000> : vector<8xf32>
    %reduce_max3A_45 = vector.multi_reduction <maximumf>, %mul3A_42, %reduce_max3A [0] : vector<1000x8xf32> to vector<8xf32>
    %broadcast_in_dim3A = vector.shape_cast %reduce_max3A_45 : vector<8xf32> to vector<1x1x8xf32>
    %swap3A_46 = arith.constant 0 : index
    %swap3A_47 = arith.constant 0 : index
    %swap3A_48 = arith.constant 0 : index
    %swap3A_49 = vector.load %arg6[%swap3A_46, %swap3A_47, %swap3A_48] : memref<1x1x8xf32, #tpu.memory_space<vmem>>, vector<1x1x8xf32>
    tpu.vector_store %arg6[%swap3A_46, %swap3A_47, %swap3A_48], %broadcast_in_dim3A {strides = array<i32>} : memref<1x1x8xf32, #tpu.memory_space<vmem>>, vector<1x1x8xf32>,
    return
  }
  func.func @transform_0(%arg0: i32) -> (i32, i32) {
    %c0_i32 = arith.constant 0 : i32
    %c0_i32_0 = arith.constant 0 : i32
    return %arg0, %c0_i32 : i32, i32
  }
  func.func @transform_1(%arg0: i32) -> (i32, i32) {
    %c0_i32 = arith.constant 0 : i32
    %c0_i32_0 = arith.constant 0 : i32
    return %arg0, %c0_i32 : i32, i32
  }
  func.func @transform_2(%arg0: i32) -> (i32, i32) {
    %c0_i32 = arith.constant 0 : i32
    %c0_i32_0 = arith.constant 0 : i32
    return %arg0, %c0_i32 : i32, i32
  }
  func.func @transform_3(%arg0: i32) -> (i32, i32) {
    %c0_i32 = arith.constant 0 : i32
    %c0_i32_0 = arith.constant 0 : i32
    %c0_i32_1 = arith.constant 0 : i32
    return %c0_i32, %c0_i32_0 : i32, i32
  }
  func.func @transform_4(%arg0: i32) -> (i32, i32) {
    %c0_i32 = arith.constant 0 : i32
    %c0_i32_0 = arith.constant 0 : i32
    return %arg0, %c0_i32 : i32, i32
  }
  func.func @transform_5(%arg0: i32) -> (i32, i32, i32) {
    %c0_i32 = arith.constant 0 : i32
    %c0_i32_0 = arith.constant 0 : i32
    %c0_i32_1 = arith.constant 0 : i32
    return %arg0, %c0_i32, %c0_i32_0 : i32, i32, i32
  }
}

module attributes {stable_mosaic.version = 14 : i64} {
  func.func @_t4_body(%arg0: i32, %arg1: memref<1000x256xf32, #tpu.memory_space<vmem>>, %arg2: memref<1000x16xf32, #tpu.memory_space<vmem>>, %arg3: memref<16x256xf32, #tpu.memory_space<vmem>>, %arg4: memref<1000x8xf32, #tpu.memory_space<vmem>>, %arg5: memref<160x1x8xf32, #tpu.memory_space<vmem>>, %arg6: memref<1000x128xf32, #tpu.memory_space<vmem>>, %arg7: memref<1000x256xf32, #tpu.memory_space<vmem>>) attributes {dimension_semantics = [#tpu.dimension_semantics<arbitrary>], iteration_bounds = array<i64: 160>, scalar_prefetch = 0 : i64, scratch_operands = 0 : i64, tpu.core_type = #tpu.core_type<tc>, window_params = [{transform_indices = @transform_0, window_bounds = array<i64: 1000, 256>}, {transform_indices = @transform_1, window_bounds = array<i64: 1000, 16>}, {pipeline_mode = #tpu.pipeline_mode<synchronous>, transform_indices = @transform_2, window_bounds = array<i64: 16, 256>}, {transform_indices = @transform_3, window_bounds = array<i64: 1000, 8>}, {pipeline_mode = #tpu.pipeline_mode<synchronous>, transform_indices = @transform_4, window_bounds = array<i64: 160, 1, 8>}, {transform_indices = @transform_5, window_bounds = array<i64: 1000, 128>}, {transform_indices = @transform_6, window_bounds = array<i64: 1000, 256>}]} {
    %get3A = arith.constant 0 : index
    %get3A_0 = arith.constant 0 : index
    %get3A_1 = vector.load %arg2[%get3A, %get3A_0] : memref<1000x16xf32, #tpu.memory_space<vmem>>, vector<1000x16xf32>
    %get3A_2 = arith.constant 0 : index
    %get3A_3 = arith.constant 0 : index
    %get3A_4 = vector.load %arg3[%get3A_2, %get3A_3] : memref<16x256xf32, #tpu.memory_space<vmem>>, vector<16x256xf32>
    %dot_general3A = arith.constant dense<0.000000e+00> : vector<1000x256xf32>
    %dot_general3A_5 = tpu.matmul %get3A_1, %get3A_4, %dot_general3A {dimension_numbers = #tpu.dot_dimension_numbers<[1], [0], [0], [1], [0, 0, 1, 1], [], []>, precision = #tpu.contract_precision<fp32>, transpose_lhs_hint = false} : vector<1000x16xf32>, vector<16x256xf32>, vector<1000x256xf32> -> vector<1000x256xf32>
    %tanh3A = math.tanh %dot_general3A_5 : vector<1000x256xf32>
    %get3A_6 = arith.constant 0 : index
    %get3A_7 = arith.constant 0 : index
    %get3A_8 = arith.constant 0 : index
    %get3A_9 = vector.load %arg5[%get3A_6, %get3A_7, %get3A_8] : memref<160x1x8xf32, #tpu.memory_space<vmem>>, vector<160x1x8xf32>
    %reduce_max3A = vector.shape_cast %get3A_9 : vector<160x1x8xf32> to vector<1x160x1x8xf32>
    %reduce_max3A_10 = arith.constant dense<0xFF800000> : vector<1xf32>
    %reduce_max3A_11 = vector.multi_reduction <maximumf>, %reduce_max3A, %reduce_max3A_10 [1, 2, 3] : vector<1x160x1x8xf32> to vector<1xf32>
    %reduce_max3A_12 = vector.shape_cast %reduce_max3A_11 : vector<1xf32> to vector<1x1x1x1xf32>
    %reduce_max3A_13 = vector.extract %reduce_max3A_12[0, 0, 0, 0] : f32 from vector<1x1x1x1xf32>
    %get3A_14 = arith.constant 0 : index
    %get3A_15 = arith.constant 0 : index
    %get3A_16 = vector.load %arg4[%get3A_14, %get3A_15] : memref<1000x8xf32, #tpu.memory_space<vmem>>, vector<1000x8xf32>
    %sub3A = vector.broadcast %reduce_max3A_13 : f32 to vector<1000x8xf32>
    %sub3A_17 = arith.subf %get3A_16, %sub3A : vector<1000x8xf32>
    %exp3A = math.exp %sub3A_17 : vector<1000x8xf32>
    %broadcast_in_dim3A = arith.constant 0.000000e+00 : f32
    %broadcast_in_dim3A_18 = vector.broadcast %broadcast_in_dim3A : f32 to vector<1000x120xf32>
    %concatenate3A = tpu.concatenate %exp3A, %broadcast_in_dim3A_18 in 1 : vector<1000x8xf32>, vector<1000x120xf32> -> vector<1000x128xf32>
    %swap3A = arith.constant 0 : index
    %swap3A_19 = arith.constant 0 : index
    %swap3A_20 = vector.load %arg6[%swap3A, %swap3A_19] : memref<1000x128xf32, #tpu.memory_space<vmem>>, vector<1000x128xf32>
    tpu.vector_store %arg6[%swap3A, %swap3A_19], %concatenate3A {strides = array<i32>} : memref<1000x128xf32, #tpu.memory_space<vmem>>, vector<1000x128xf32>,
    %iota3A = tpu.iota {dimensions = array<i32: 0>} : vector<8x256xi32>
    %iota3A_21 = tpu.iota {dimensions = array<i32: 1>} : vector<8x256xi32>
    %jit3A = arith.constant 32 : i32
    %div3A = vector.broadcast %jit3A : i32 to vector<8x256xi32>
    %div3A_22 = arith.divsi %iota3A_21, %div3A : vector<8x256xi32>
    %sign3A = arith.constant 0 : i32
    %sign3A_23 = vector.broadcast %sign3A : i32 to vector<8x256xi32>
    %sign3A_24 = arith.cmpi sgt, %iota3A_21, %sign3A_23 : vector<8x256xi32>
    %sign3A_25 = arith.extui %sign3A_24 : vector<8x256xi1> to vector<8x256xi32>
    %sign3A_26 = arith.constant 0 : i32
    %sign3A_27 = vector.broadcast %sign3A_26 : i32 to vector<8x256xi32>
    %sign3A_28 = arith.cmpi slt, %iota3A_21, %sign3A_27 : vector<8x256xi32>
    %sign3A_29 = arith.extui %sign3A_28 : vector<8x256xi1> to vector<8x256xi32>
    %sign3A_30 = arith.subi %sign3A_25, %sign3A_29 : vector<8x256xi32>
    %sign3A_31 = arith.constant 0 : i32
    %sign3A_32 = arith.cmpi sgt, %jit3A, %sign3A_31 : i32
    %sign3A_33 = arith.extui %sign3A_32 : i1 to i32
    %sign3A_34 = arith.constant 0 : i32
    %sign3A_35 = arith.cmpi slt, %jit3A, %sign3A_34 : i32
    %sign3A_36 = arith.extui %sign3A_35 : i1 to i32
    %sign3A_37 = arith.subi %sign3A_33, %sign3A_36 : i32
    %ne3A = vector.broadcast %sign3A_37 : i32 to vector<8x256xi32>
    %ne3A_38 = arith.cmpi ne, %sign3A_30, %ne3A : vector<8x256xi32>
    %rem3A = vector.broadcast %jit3A : i32 to vector<8x256xi32>
    %rem3A_39 = arith.remsi %iota3A_21, %rem3A : vector<8x256xi32>
    %ne3A_40 = arith.constant 0 : i32
    %ne3A_41 = vector.broadcast %ne3A_40 : i32 to vector<8x256xi32>
    %ne3A_42 = arith.cmpi ne, %rem3A_39, %ne3A_41 : vector<8x256xi32>
    %and3A = arith.andi %ne3A_38, %ne3A_42 : vector<8x256xi1>
    %sub3A_43 = arith.constant 1 : i32
    %sub3A_44 = vector.broadcast %sub3A_43 : i32 to vector<8x256xi32>
    %sub3A_45 = arith.subi %div3A_22, %sub3A_44 : vector<8x256xi32>
    %select_n3A = arith.select %and3A, %sub3A_45, %div3A_22 : vector<8x256xi1>, vector<8x256xi32>
    %eq3A = arith.cmpi eq, %select_n3A, %iota3A : vector<8x256xi32>
    %convert_element_type3A = arith.extui %eq3A : vector<8x256xi1> to vector<8x256xi32>
    %convert_element_type3A_46 = arith.sitofp %convert_element_type3A : vector<8x256xi32> to vector<8x256xf32>
    %dot_general3A_47 = arith.constant dense<0.000000e+00> : vector<1000x256xf32>
    %dot_general3A_48 = tpu.matmul %exp3A, %convert_element_type3A_46, %dot_general3A_47 {dimension_numbers = #tpu.dot_dimension_numbers<[1], [0], [0], [1], [0, 0, 1, 1], [], []>, precision = #tpu.contract_precision<fp32>, transpose_lhs_hint = false} : vector<1000x8xf32>, vector<8x256xf32>, vector<1000x256xf32> -> vector<1000x256xf32>
    %get3A_49 = arith.constant 0 : index
    %get3A_50 = arith.constant 0 : index
    %get3A_51 = vector.load %arg1[%get3A_49, %get3A_50] : memref<1000x256xf32, #tpu.memory_space<vmem>>, vector<1000x256xf32>
    %mul3A = arith.mulf %get3A_51, %tanh3A : vector<1000x256xf32>
    %mul3A_52 = arith.mulf %mul3A, %dot_general3A_48 : vector<1000x256xf32>
    %swap3A_53 = arith.constant 0 : index
    %swap3A_54 = arith.constant 0 : index
    %swap3A_55 = vector.load %arg7[%swap3A_53, %swap3A_54] : memref<1000x256xf32, #tpu.memory_space<vmem>>, vector<1000x256xf32>
    tpu.vector_store %arg7[%swap3A_53, %swap3A_54], %mul3A_52 {strides = array<i32>} : memref<1000x256xf32, #tpu.memory_space<vmem>>, vector<1000x256xf32>,
    return
  }
  func.func @transform_0(%arg0: i32) -> (i32, i32) {
    %c0_i32 = arith.constant 0 : i32
    %c0_i32_0 = arith.constant 0 : i32
    return %arg0, %c0_i32 : i32, i32
  }
  func.func @transform_1(%arg0: i32) -> (i32, i32) {
    %c0_i32 = arith.constant 0 : i32
    %c0_i32_0 = arith.constant 0 : i32
    return %arg0, %c0_i32 : i32, i32
  }
  func.func @transform_2(%arg0: i32) -> (i32, i32) {
    %c0_i32 = arith.constant 0 : i32
    %c0_i32_0 = arith.constant 0 : i32
    %c0_i32_1 = arith.constant 0 : i32
    return %c0_i32, %c0_i32_0 : i32, i32
  }
  func.func @transform_3(%arg0: i32) -> (i32, i32) {
    %c0_i32 = arith.constant 0 : i32
    %c0_i32_0 = arith.constant 0 : i32
    return %arg0, %c0_i32 : i32, i32
  }
  func.func @transform_4(%arg0: i32) -> (i32, i32, i32) {
    %c0_i32 = arith.constant 0 : i32
    %c0_i32_0 = arith.constant 0 : i32
    %c0_i32_1 = arith.constant 0 : i32
    %c0_i32_2 = arith.constant 0 : i32
    return %c0_i32, %c0_i32_0, %c0_i32_1 : i32, i32, i32
  }
  func.func @transform_5(%arg0: i32) -> (i32, i32) {
    %c0_i32 = arith.constant 0 : i32
    %c0_i32_0 = arith.constant 0 : i32
    return %arg0, %c0_i32 : i32, i32
  }
  func.func @transform_6(%arg0: i32) -> (i32, i32) {
    %c0_i32 = arith.constant 0 : i32
    %c0_i32_0 = arith.constant 0 : i32
    return %arg0, %c0_i32 : i32, i32
  }
}

module attributes {stable_mosaic.version = 14 : i64} {
  func.func @_t5_body(%arg0: i32, %arg1: memref<400x256xf32, #tpu.memory_space<vmem>>, %arg2: memref<400x128xf32, #tpu.memory_space<vmem>>, %arg3: memref<400x128xf32, #tpu.memory_space<vmem>>, %arg4: memref<400x256xf32, #tpu.memory_space<vmem>>, %arg5: memref<400x1024xf32, #tpu.memory_space<vmem>>, %arg6: memref<256x256xf32, #tpu.memory_space<vmem>>, %arg7: memref<1x256xf32, #tpu.memory_space<vmem>>, %arg8: memref<256x1024xf32, #tpu.memory_space<vmem>>, %arg9: memref<1x1024xf32, #tpu.memory_space<vmem>>, %arg10: memref<1024x256xf32, #tpu.memory_space<vmem>>, %arg11: memref<1x256xf32, #tpu.memory_space<vmem>>, %arg12: memref<256x16xf32, #tpu.memory_space<vmem>>, %arg13: memref<256x16xf32, #tpu.memory_space<vmem>>, %arg14: memref<1x16xf32, #tpu.memory_space<vmem>>, %arg15: memref<400x256xf32, #tpu.memory_space<vmem>>, %arg16: memref<400x128xf32, #tpu.memory_space<vmem>>) attributes {dimension_semantics = [#tpu.dimension_semantics<arbitrary>], iteration_bounds = array<i64: 25>, scalar_prefetch = 0 : i64, scratch_operands = 0 : i64, tpu.core_type = #tpu.core_type<tc>, window_params = [{transform_indices = @transform_0, window_bounds = array<i64: 400, 256>}, {transform_indices = @transform_1, window_bounds = array<i64: 400, 128>}, {transform_indices = @transform_2, window_bounds = array<i64: 400, 128>}, {transform_indices = @transform_3, window_bounds = array<i64: 400, 256>}, {transform_indices = @transform_4, window_bounds = array<i64: 400, 1024>}, {pipeline_mode = #tpu.pipeline_mode<synchronous>, transform_indices = @transform_5, window_bounds = array<i64: 256, 256>}, {pipeline_mode = #tpu.pipeline_mode<synchronous>, transform_indices = @transform_6, window_bounds = array<i64: 1, 256>}, {pipeline_mode = #tpu.pipeline_mode<synchronous>, transform_indices = @transform_7, window_bounds = array<i64: 256, 1024>}, {pipeline_mode = #tpu.pipeline_mode<synchronous>, transform_indices = @transform_8, window_bounds = array<i64: 1, 1024>}, {pipeline_mode = #tpu.pipeline_mode<synchronous>, transform_indices = @transform_9, window_bounds = array<i64: 1024, 256>}, {pipeline_mode = #tpu.pipeline_mode<synchronous>, transform_indices = @transform_10, window_bounds = array<i64: 1, 256>}, {pipeline_mode = #tpu.pipeline_mode<synchronous>, transform_indices = @transform_11, window_bounds = array<i64: 256, 16>}, {pipeline_mode = #tpu.pipeline_mode<synchronous>, transform_indices = @transform_12, window_bounds = array<i64: 256, 16>}, {pipeline_mode = #tpu.pipeline_mode<synchronous>, transform_indices = @transform_13, window_bounds = array<i64: 1, 16>}, {transform_indices = @transform_14, window_bounds = array<i64: 400, 256>}, {transform_indices = @transform_15, window_bounds = array<i64: 400, 128>}]} {
    %get3A = arith.constant 0 : index
    %get3A_0 = arith.constant 0 : index
    %get3A_1 = vector.load %arg2[%get3A, %get3A_0] : memref<400x128xf32, #tpu.memory_space<vmem>>, vector<400x8xf32>
    %get3A_2 = arith.constant 0 : index
    %get3A_3 = arith.constant 0 : index
    %get3A_4 = vector.load %arg3[%get3A_2, %get3A_3] : memref<400x128xf32, #tpu.memory_space<vmem>>, vector<400x8xf32>
    %add3A = arith.addf %get3A_1, %get3A_4 : vector<400x8xf32>
    %iota3A = tpu.iota {dimensions = array<i32: 0>} : vector<8x256xi32>
    %iota3A_5 = tpu.iota {dimensions = array<i32: 1>} : vector<8x256xi32>
    %jit3A = arith.constant 32 : i32
    %div3A = vector.broadcast %jit3A : i32 to vector<8x256xi32>
    %div3A_6 = arith.divsi %iota3A_5, %div3A : vector<8x256xi32>
    %sign3A = arith.constant 0 : i32
    %sign3A_7 = vector.broadcast %sign3A : i32 to vector<8x256xi32>
    %sign3A_8 = arith.cmpi sgt, %iota3A_5, %sign3A_7 : vector<8x256xi32>
    %sign3A_9 = arith.extui %sign3A_8 : vector<8x256xi1> to vector<8x256xi32>
    %sign3A_10 = arith.constant 0 : i32
    %sign3A_11 = vector.broadcast %sign3A_10 : i32 to vector<8x256xi32>
    %sign3A_12 = arith.cmpi slt, %iota3A_5, %sign3A_11 : vector<8x256xi32>
    %sign3A_13 = arith.extui %sign3A_12 : vector<8x256xi1> to vector<8x256xi32>
    %sign3A_14 = arith.subi %sign3A_9, %sign3A_13 : vector<8x256xi32>
    %sign3A_15 = arith.constant 0 : i32
    %sign3A_16 = arith.cmpi sgt, %jit3A, %sign3A_15 : i32
    %sign3A_17 = arith.extui %sign3A_16 : i1 to i32
    %sign3A_18 = arith.constant 0 : i32
    %sign3A_19 = arith.cmpi slt, %jit3A, %sign3A_18 : i32
    %sign3A_20 = arith.extui %sign3A_19 : i1 to i32
    %sign3A_21 = arith.subi %sign3A_17, %sign3A_20 : i32
    %ne3A = vector.broadcast %sign3A_21 : i32 to vector<8x256xi32>
    %ne3A_22 = arith.cmpi ne, %sign3A_14, %ne3A : vector<8x256xi32>
    %rem3A = vector.broadcast %jit3A : i32 to vector<8x256xi32>
    %rem3A_23 = arith.remsi %iota3A_5, %rem3A : vector<8x256xi32>
    %ne3A_24 = arith.constant 0 : i32
    %ne3A_25 = vector.broadcast %ne3A_24 : i32 to vector<8x256xi32>
    %ne3A_26 = arith.cmpi ne, %rem3A_23, %ne3A_25 : vector<8x256xi32>
    %and3A = arith.andi %ne3A_22, %ne3A_26 : vector<8x256xi1>
    %sub3A = arith.constant 1 : i32
    %sub3A_27 = vector.broadcast %sub3A : i32 to vector<8x256xi32>
    %sub3A_28 = arith.subi %div3A_6, %sub3A_27 : vector<8x256xi32>
    %select_n3A = arith.select %and3A, %sub3A_28, %div3A_6 : vector<8x256xi1>, vector<8x256xi32>
    %eq3A = arith.cmpi eq, %select_n3A, %iota3A : vector<8x256xi32>
    %convert_element_type3A = arith.extui %eq3A : vector<8x256xi1> to vector<8x256xi32>
    %convert_element_type3A_29 = arith.sitofp %convert_element_type3A : vector<8x256xi32> to vector<8x256xf32>
    %dot_general3A = arith.constant dense<0.000000e+00> : vector<400x256xf32>
    %dot_general3A_30 = tpu.matmul %add3A, %convert_element_type3A_29, %dot_general3A {dimension_numbers = #tpu.dot_dimension_numbers<[1], [0], [0], [1], [0, 0, 1, 1], [], []>, transpose_lhs_hint = false} : vector<400x8xf32>, vector<8x256xf32>, vector<400x256xf32> -> vector<400x256xf32>
    %get3A_31 = arith.constant 0 : index
    %get3A_32 = arith.constant 0 : index
    %get3A_33 = vector.load %arg1[%get3A_31, %get3A_32] : memref<400x256xf32, #tpu.memory_space<vmem>>, vector<400x256xf32>
    %add3A_34 = arith.constant 1.000000e-16 : f32
    %add3A_35 = vector.broadcast %add3A_34 : f32 to vector<400x256xf32>
    %add3A_36 = arith.addf %dot_general3A_30, %add3A_35 : vector<400x256xf32>
    %div3A_37 = arith.divf %get3A_33, %add3A_36 : vector<400x256xf32>
    %get3A_38 = arith.constant 0 : index
    %get3A_39 = arith.constant 0 : index
    %get3A_40 = vector.load %arg6[%get3A_38, %get3A_39] : memref<256x256xf32, #tpu.memory_space<vmem>>, vector<256x256xf32>
    %dot_general3A_41 = arith.constant dense<0.000000e+00> : vector<400x256xf32>
    %dot_general3A_42 = tpu.matmul %div3A_37, %get3A_40, %dot_general3A_41 {dimension_numbers = #tpu.dot_dimension_numbers<[1], [0], [0], [1], [0, 0, 1, 1], [], []>, transpose_lhs_hint = false} : vector<400x256xf32>, vector<256x256xf32>, vector<400x256xf32> -> vector<400x256xf32>
    %get3A_43 = arith.constant 0 : index
    %get3A_44 = arith.constant 0 : index
    %get3A_45 = vector.load %arg7[%get3A_43, %get3A_44] : memref<1x256xf32, #tpu.memory_space<vmem>>, vector<1x256xf32>
    %add3A_46 = vector.broadcast %get3A_45 : vector<1x256xf32> to vector<400x256xf32>
    %add3A_47 = arith.addf %dot_general3A_42, %add3A_46 : vector<400x256xf32>
    %get3A_48 = arith.constant 0 : index
    %get3A_49 = arith.constant 0 : index
    %get3A_50 = vector.load %arg5[%get3A_48, %get3A_49] : memref<400x1024xf32, #tpu.memory_space<vmem>>, vector<400x1024xf32>
    %get3A_51 = arith.constant 0 : index
    %get3A_52 = arith.constant 0 : index
    %get3A_53 = vector.load %arg4[%get3A_51, %get3A_52] : memref<400x256xf32, #tpu.memory_space<vmem>>, vector<400x256xf32>
    %slice3A = vector.extract_strided_slice %get3A_50 {offsets = [0, 0], sizes = [400, 256], strides = [1, 1]} : vector<400x1024xf32> to vector<400x256xf32>
    %mul3A = arith.mulf %slice3A, %add3A_47 : vector<400x256xf32>
    %add3A_54 = arith.addf %get3A_53, %mul3A : vector<400x256xf32>
    %reduce_sum3A = arith.constant dense<0.000000e+00> : vector<400xf32>
    %reduce_sum3A_55 = vector.multi_reduction <add>, %add3A_54, %reduce_sum3A [1] : vector<400x256xf32> to vector<400xf32>
    %broadcast_in_dim3A = vector.shape_cast %reduce_sum3A_55 : vector<400xf32> to vector<400x1xf32>
    %div3A_56 = arith.constant 2.560000e+02 : f32
    %div3A_57 = vector.broadcast %div3A_56 : f32 to vector<400x1xf32>
    %div3A_58 = arith.divf %broadcast_in_dim3A, %div3A_57 : vector<400x1xf32>
    %jit3A_59 = arith.constant 0 : i32
    %reduce_sum3A_60 = arith.constant dense<0.000000e+00> : vector<400xf32>
    %reduce_sum3A_61 = vector.multi_reduction <add>, %add3A_54, %reduce_sum3A_60 [1] : vector<400x256xf32> to vector<400xf32>
    %broadcast_in_dim3A_62 = vector.shape_cast %reduce_sum3A_61 : vector<400xf32> to vector<400x1xf32>
    %div3A_63 = arith.constant 2.560000e+02 : f32
    %div3A_64 = vector.broadcast %div3A_63 : f32 to vector<400x1xf32>
    %div3A_65 = arith.divf %broadcast_in_dim3A_62, %div3A_64 : vector<400x1xf32>
    %sub3A_66 = vector.broadcast %div3A_65 : vector<400x1xf32> to vector<400x256xf32>
    %sub3A_67 = arith.subf %add3A_54, %sub3A_66 : vector<400x256xf32>
    %square3A = arith.mulf %sub3A_67, %sub3A_67 : vector<400x256xf32>
    %convert_element_type3A_68 = arith.sitofp %jit3A_59 : i32 to f32
    %sub3A_69 = arith.constant 2.560000e+02 : f32
    %sub3A_70 = arith.subf %sub3A_69, %convert_element_type3A_68 : f32
    %reduce_sum3A_71 = arith.constant dense<0.000000e+00> : vector<400xf32>
    %reduce_sum3A_72 = vector.multi_reduction <add>, %square3A, %reduce_sum3A_71 [1] : vector<400x256xf32> to vector<400xf32>
    %broadcast_in_dim3A_73 = vector.shape_cast %reduce_sum3A_72 : vector<400xf32> to vector<400x1xf32>
    %div3A_74 = vector.broadcast %sub3A_70 : f32 to vector<400x1xf32>
    %div3A_75 = arith.divf %broadcast_in_dim3A_73, %div3A_74 : vector<400x1xf32>
    %gt3A = arith.constant 0.000000e+00 : f32
    %gt3A_76 = arith.cmpf ogt, %sub3A_70, %gt3A : f32
    %jit3A_77 = arith.constant 0x7FC00000 : f32
    %broadcast_in_dim3A_78 = vector.broadcast %jit3A_77 : f32 to vector<400x1xf32>
    %select_n3A_79 = arith.select %gt3A_76, %div3A_75, %broadcast_in_dim3A_78 : vector<400x1xf32>
    %sub3A_80 = vector.broadcast %div3A_58 : vector<400x1xf32> to vector<400x256xf32>
    %sub3A_81 = arith.subf %add3A_54, %sub3A_80 : vector<400x256xf32>
    %add3A_82 = arith.constant 9.99999997E-7 : f32
    %add3A_83 = vector.broadcast %add3A_82 : f32 to vector<400x1xf32>
    %add3A_84 = arith.addf %select_n3A_79, %add3A_83 : vector<400x1xf32>
    %rsqrt3A = math.rsqrt %add3A_84 : vector<400x1xf32>
    %mul3A_85 = vector.broadcast %rsqrt3A : vector<400x1xf32> to vector<400x256xf32>
    %mul3A_86 = arith.mulf %sub3A_81, %mul3A_85 : vector<400x256xf32>
    %slice3A_87 = vector.extract_strided_slice %get3A_50 {offsets = [0, 512], sizes = [400, 256], strides = [1, 1]} : vector<400x1024xf32> to vector<400x256xf32>
    %add3A_88 = arith.constant 1.000000e+00 : f32
    %add3A_89 = vector.broadcast %add3A_88 : f32 to vector<400x256xf32>
    %add3A_90 = arith.addf %add3A_89, %slice3A_87 : vector<400x256xf32>
    %mul3A_91 = arith.mulf %mul3A_86, %add3A_90 : vector<400x256xf32>
    %slice3A_92 = vector.extract_strided_slice %get3A_50 {offsets = [0, 256], sizes = [400, 256], strides = [1, 1]} : vector<400x1024xf32> to vector<400x256xf32>
    %add3A_93 = arith.addf %mul3A_91, %slice3A_92 : vector<400x256xf32>
    %get3A_94 = arith.constant 0 : index
    %get3A_95 = arith.constant 0 : index
    %get3A_96 = vector.load %arg8[%get3A_94, %get3A_95] : memref<256x1024xf32, #tpu.memory_space<vmem>>, vector<256x1024xf32>
    %dot_general3A_97 = arith.constant dense<0.000000e+00> : vector<400x1024xf32>
    %dot_general3A_98 = tpu.matmul %add3A_93, %get3A_96, %dot_general3A_97 {dimension_numbers = #tpu.dot_dimension_numbers<[1], [0], [0], [1], [0, 0, 1, 1], [], []>, transpose_lhs_hint = false} : vector<400x256xf32>, vector<256x1024xf32>, vector<400x1024xf32> -> vector<400x1024xf32>
    %get3A_99 = arith.constant 0 : index
    %get3A_100 = arith.constant 0 : index
    %get3A_101 = vector.load %arg9[%get3A_99, %get3A_100] : memref<1x1024xf32, #tpu.memory_space<vmem>>, vector<1x1024xf32>
    %add3A_102 = vector.broadcast %get3A_101 : vector<1x1024xf32> to vector<400x1024xf32>
    %add3A_103 = arith.addf %dot_general3A_98, %add3A_102 : vector<400x1024xf32>
    %integer_pow3A = arith.mulf %add3A_103, %add3A_103 : vector<400x1024xf32>
    %integer_pow3A_104 = arith.mulf %add3A_103, %integer_pow3A : vector<400x1024xf32>
    %mul3A_105 = arith.constant 4.471500e-02 : f32
    %mul3A_106 = vector.broadcast %mul3A_105 : f32 to vector<400x1024xf32>
    %mul3A_107 = arith.mulf %mul3A_106, %integer_pow3A_104 : vector<400x1024xf32>
    %add3A_108 = arith.addf %add3A_103, %mul3A_107 : vector<400x1024xf32>
    %mul3A_109 = arith.constant 0.797884583 : f32
    %mul3A_110 = vector.broadcast %mul3A_109 : f32 to vector<400x1024xf32>
    %mul3A_111 = arith.mulf %mul3A_110, %add3A_108 : vector<400x1024xf32>
    %tanh3A = math.tanh %mul3A_111 : vector<400x1024xf32>
    %add3A_112 = arith.constant 1.000000e+00 : f32
    %add3A_113 = vector.broadcast %add3A_112 : f32 to vector<400x1024xf32>
    %add3A_114 = arith.addf %add3A_113, %tanh3A : vector<400x1024xf32>
    %mul3A_115 = arith.constant 5.000000e-01 : f32
    %mul3A_116 = vector.broadcast %mul3A_115 : f32 to vector<400x1024xf32>
    %mul3A_117 = arith.mulf %mul3A_116, %add3A_114 : vector<400x1024xf32>
    %mul3A_118 = arith.mulf %add3A_103, %mul3A_117 : vector<400x1024xf32>
    %get3A_119 = arith.constant 0 : index
    %get3A_120 = arith.constant 0 : index
    %get3A_121 = vector.load %arg10[%get3A_119, %get3A_120] : memref<1024x256xf32, #tpu.memory_space<vmem>>, vector<1024x256xf32>
    %dot_general3A_122 = arith.constant dense<0.000000e+00> : vector<400x256xf32>
    %dot_general3A_123 = tpu.matmul %mul3A_118, %get3A_121, %dot_general3A_122 {dimension_numbers = #tpu.dot_dimension_numbers<[1], [0], [0], [1], [0, 0, 1, 1], [], []>, transpose_lhs_hint = false} : vector<400x1024xf32>, vector<1024x256xf32>, vector<400x256xf32> -> vector<400x256xf32>
    %get3A_124 = arith.constant 0 : index
    %get3A_125 = arith.constant 0 : index
    %get3A_126 = vector.load %arg11[%get3A_124, %get3A_125] : memref<1x256xf32, #tpu.memory_space<vmem>>, vector<1x256xf32>
    %add3A_127 = vector.broadcast %get3A_126 : vector<1x256xf32> to vector<400x256xf32>
    %add3A_128 = arith.addf %dot_general3A_123, %add3A_127 : vector<400x256xf32>
    %slice3A_129 = vector.extract_strided_slice %get3A_50 {offsets = [0, 768], sizes = [400, 256], strides = [1, 1]} : vector<400x1024xf32> to vector<400x256xf32>
    %mul3A_130 = arith.mulf %slice3A_129, %add3A_128 : vector<400x256xf32>
    %add3A_131 = arith.addf %add3A_54, %mul3A_130 : vector<400x256xf32>
    %swap3A = arith.constant 0 : index
    %swap3A_132 = arith.constant 0 : index
    %swap3A_133 = vector.load %arg15[%swap3A, %swap3A_132] : memref<400x256xf32, #tpu.memory_space<vmem>>, vector<400x256xf32>
    tpu.vector_store %arg15[%swap3A, %swap3A_132], %add3A_131 {strides = array<i32>} : memref<400x256xf32, #tpu.memory_space<vmem>>, vector<400x256xf32>,
    %get3A_134 = arith.constant 0 : index
    %get3A_135 = arith.constant 0 : index
    %get3A_136 = vector.load %arg12[%get3A_134, %get3A_135] : memref<256x16xf32, #tpu.memory_space<vmem>>, vector<256x16xf32>
    %dot_general3A_137 = arith.constant dense<0.000000e+00> : vector<400x16xf32>
    %dot_general3A_138 = tpu.matmul %add3A_131, %get3A_136, %dot_general3A_137 {dimension_numbers = #tpu.dot_dimension_numbers<[1], [0], [0], [1], [0, 0, 1, 1], [], []>, transpose_lhs_hint = false} : vector<400x256xf32>, vector<256x16xf32>, vector<400x16xf32> -> vector<400x16xf32>
    %get3A_139 = arith.constant 0 : index
    %get3A_140 = arith.constant 0 : index
    %get3A_141 = vector.load %arg14[%get3A_139, %get3A_140] : memref<1x16xf32, #tpu.memory_space<vmem>>, vector<1x16xf32>
    %add3A_142 = vector.broadcast %get3A_141 : vector<1x16xf32> to vector<400x16xf32>
    %add3A_143 = arith.addf %dot_general3A_138, %add3A_142 : vector<400x16xf32>
    %get3A_144 = arith.constant 0 : index
    %get3A_145 = arith.constant 0 : index
    %get3A_146 = vector.load %arg13[%get3A_144, %get3A_145] : memref<256x16xf32, #tpu.memory_space<vmem>>, vector<256x16xf32>
    %dot_general3A_147 = arith.constant dense<0.000000e+00> : vector<400x16xf32>
    %dot_general3A_148 = tpu.matmul %add3A_131, %get3A_146, %dot_general3A_147 {dimension_numbers = #tpu.dot_dimension_numbers<[1], [0], [0], [1], [0, 0, 1, 1], [], []>, transpose_lhs_hint = false} : vector<400x256xf32>, vector<256x16xf32>, vector<400x16xf32> -> vector<400x16xf32>
    %broadcast_in_dim3A_149 = arith.constant 0.000000e+00 : f32
    %broadcast_in_dim3A_150 = vector.broadcast %broadcast_in_dim3A_149 : f32 to vector<400x96xf32>
    %concatenate3A = tpu.concatenate %add3A_143, %dot_general3A_148, %broadcast_in_dim3A_150 in 1 : vector<400x16xf32>, vector<400x16xf32>, vector<400x96xf32> -> vector<400x128xf32>
    %swap3A_151 = arith.constant 0 : index
    %swap3A_152 = arith.constant 0 : index
    %swap3A_153 = vector.load %arg16[%swap3A_151, %swap3A_152] : memref<400x128xf32, #tpu.memory_space<vmem>>, vector<400x128xf32>
    tpu.vector_store %arg16[%swap3A_151, %swap3A_152], %concatenate3A {strides = array<i32>} : memref<400x128xf32, #tpu.memory_space<vmem>>, vector<400x128xf32>,
    return
  }
  func.func @transform_0(%arg0: i32) -> (i32, i32) {
    %c0_i32 = arith.constant 0 : i32
    %c0_i32_0 = arith.constant 0 : i32
    return %arg0, %c0_i32 : i32, i32
  }
  func.func @transform_1(%arg0: i32) -> (i32, i32) {
    %c0_i32 = arith.constant 0 : i32
    %c0_i32_0 = arith.constant 0 : i32
    return %arg0, %c0_i32 : i32, i32
  }
  func.func @transform_2(%arg0: i32) -> (i32, i32) {
    %c0_i32 = arith.constant 0 : i32
    %c0_i32_0 = arith.constant 0 : i32
    return %arg0, %c0_i32 : i32, i32
  }
  func.func @transform_3(%arg0: i32) -> (i32, i32) {
    %c0_i32 = arith.constant 0 : i32
    %c0_i32_0 = arith.constant 0 : i32
    return %arg0, %c0_i32 : i32, i32
  }
  func.func @transform_4(%arg0: i32) -> (i32, i32) {
    %c0_i32 = arith.constant 0 : i32
    %c0_i32_0 = arith.constant 0 : i32
    return %arg0, %c0_i32 : i32, i32
  }
  func.func @transform_5(%arg0: i32) -> (i32, i32) {
    %c0_i32 = arith.constant 0 : i32
    %c0_i32_0 = arith.constant 0 : i32
    %c0_i32_1 = arith.constant 0 : i32
    return %c0_i32, %c0_i32_0 : i32, i32
  }
  func.func @transform_6(%arg0: i32) -> (i32, i32) {
    %c0_i32 = arith.constant 0 : i32
    %c0_i32_0 = arith.constant 0 : i32
    %c0_i32_1 = arith.constant 0 : i32
    return %c0_i32, %c0_i32_0 : i32, i32
  }
  func.func @transform_7(%arg0: i32) -> (i32, i32) {
    %c0_i32 = arith.constant 0 : i32
    %c0_i32_0 = arith.constant 0 : i32
    %c0_i32_1 = arith.constant 0 : i32
    return %c0_i32, %c0_i32_0 : i32, i32
  }
  func.func @transform_8(%arg0: i32) -> (i32, i32) {
    %c0_i32 = arith.constant 0 : i32
    %c0_i32_0 = arith.constant 0 : i32
    %c0_i32_1 = arith.constant 0 : i32
    return %c0_i32, %c0_i32_0 : i32, i32
  }
  func.func @transform_9(%arg0: i32) -> (i32, i32) {
    %c0_i32 = arith.constant 0 : i32
    %c0_i32_0 = arith.constant 0 : i32
    %c0_i32_1 = arith.constant 0 : i32
    return %c0_i32, %c0_i32_0 : i32, i32
  }
  func.func @transform_10(%arg0: i32) -> (i32, i32) {
    %c0_i32 = arith.constant 0 : i32
    %c0_i32_0 = arith.constant 0 : i32
    %c0_i32_1 = arith.constant 0 : i32
    return %c0_i32, %c0_i32_0 : i32, i32
  }
  func.func @transform_11(%arg0: i32) -> (i32, i32) {
    %c0_i32 = arith.constant 0 : i32
    %c0_i32_0 = arith.constant 0 : i32
    %c0_i32_1 = arith.constant 0 : i32
    return %c0_i32, %c0_i32_0 : i32, i32
  }
  func.func @transform_12(%arg0: i32) -> (i32, i32) {
    %c0_i32 = arith.constant 0 : i32
    %c0_i32_0 = arith.constant 0 : i32
    %c0_i32_1 = arith.constant 0 : i32
    return %c0_i32, %c0_i32_0 : i32, i32
  }
  func.func @transform_13(%arg0: i32) -> (i32, i32) {
    %c0_i32 = arith.constant 0 : i32
    %c0_i32_0 = arith.constant 0 : i32
    %c0_i32_1 = arith.constant 0 : i32
    return %c0_i32, %c0_i32_0 : i32, i32
  }
  func.func @transform_14(%arg0: i32) -> (i32, i32) {
    %c0_i32 = arith.constant 0 : i32
    %c0_i32_0 = arith.constant 0 : i32
    return %arg0, %c0_i32 : i32, i32
  }
  func.func @transform_15(%arg0: i32) -> (i32, i32) {
    %c0_i32 = arith.constant 0 : i32
    %c0_i32_0 = arith.constant 0 : i32
    return %arg0, %c0_i32 : i32, i32
  }
}

module attributes {stable_mosaic.version = 14 : i64} {
  func.func @_t6_body(%arg0: i32, %arg1: memref<1000x16xf32, #tpu.memory_space<vmem>>, %arg2: memref<1000x128xf32, #tpu.memory_space<vmem>>, %arg3: memref<1000x128xf32, #tpu.memory_space<vmem>>, %arg4: memref<1000x128xf32, #tpu.memory_space<vmem>>, %arg5: memref<16x64xf32, #tpu.memory_space<vmem>>, %arg6: memref<1x64xf32, #tpu.memory_space<vmem>>, %arg7: memref<64x16xf32, #tpu.memory_space<vmem>>, %arg8: memref<1x16xf32, #tpu.memory_space<vmem>>, %arg9: memref<1000x16xf32, #tpu.memory_space<vmem>>) attributes {dimension_semantics = [#tpu.dimension_semantics<arbitrary>], iteration_bounds = array<i64: 160>, scalar_prefetch = 0 : i64, scratch_operands = 0 : i64, tpu.core_type = #tpu.core_type<tc>, window_params = [{transform_indices = @transform_0, window_bounds = array<i64: 1000, 16>}, {transform_indices = @transform_1, window_bounds = array<i64: 1000, 128>}, {transform_indices = @transform_2, window_bounds = array<i64: 1000, 128>}, {transform_indices = @transform_3, window_bounds = array<i64: 1000, 128>}, {pipeline_mode = #tpu.pipeline_mode<synchronous>, transform_indices = @transform_4, window_bounds = array<i64: 16, 64>}, {pipeline_mode = #tpu.pipeline_mode<synchronous>, transform_indices = @transform_5, window_bounds = array<i64: 1, 64>}, {pipeline_mode = #tpu.pipeline_mode<synchronous>, transform_indices = @transform_6, window_bounds = array<i64: 64, 16>}, {pipeline_mode = #tpu.pipeline_mode<synchronous>, transform_indices = @transform_7, window_bounds = array<i64: 1, 16>}, {transform_indices = @transform_8, window_bounds = array<i64: 1000, 16>}]} {
    %get3A = arith.constant 0 : index
    %get3A_0 = arith.constant 0 : index
    %get3A_1 = vector.load %arg2[%get3A, %get3A_0] : memref<1000x128xf32, #tpu.memory_space<vmem>>, vector<1000x128xf32>
    %get3A_2 = arith.constant 0 : index
    %get3A_3 = arith.constant 0 : index
    %get3A_4 = vector.load %arg3[%get3A_2, %get3A_3] : memref<1000x128xf32, #tpu.memory_space<vmem>>, vector<1000x16xf32>
    %get3A_5 = arith.constant 0 : index
    %get3A_6 = arith.constant 16 : index
    %get3A_7 = vector.load %arg4[%get3A_5, %get3A_6] : memref<1000x128xf32, #tpu.memory_space<vmem>>, vector<1000x16xf32>
    %add3A = arith.addf %get3A_4, %get3A_7 : vector<1000x16xf32>
    %get3A_8 = arith.constant 0 : index
    %get3A_9 = arith.constant 0 : index
    %get3A_10 = vector.load %arg1[%get3A_8, %get3A_9] : memref<1000x16xf32, #tpu.memory_space<vmem>>, vector<1000x16xf32>
    %slice3A = vector.extract_strided_slice %get3A_1 {offsets = [0, 32], sizes = [1000, 16], strides = [1, 1]} : vector<1000x128xf32> to vector<1000x16xf32>
    %mul3A = arith.mulf %slice3A, %add3A : vector<1000x16xf32>
    %add3A_11 = arith.addf %get3A_10, %mul3A : vector<1000x16xf32>
    %reduce_sum3A = arith.constant dense<0.000000e+00> : vector<1000xf32>
    %reduce_sum3A_12 = vector.multi_reduction <add>, %add3A_11, %reduce_sum3A [1] : vector<1000x16xf32> to vector<1000xf32>
    %broadcast_in_dim3A = vector.shape_cast %reduce_sum3A_12 : vector<1000xf32> to vector<1000x1xf32>
    %div3A = arith.constant 1.600000e+01 : f32
    %div3A_13 = vector.broadcast %div3A : f32 to vector<1000x1xf32>
    %div3A_14 = arith.divf %broadcast_in_dim3A, %div3A_13 : vector<1000x1xf32>
    %jit3A = arith.constant 0 : i32
    %reduce_sum3A_15 = arith.constant dense<0.000000e+00> : vector<1000xf32>
    %reduce_sum3A_16 = vector.multi_reduction <add>, %add3A_11, %reduce_sum3A_15 [1] : vector<1000x16xf32> to vector<1000xf32>
    %broadcast_in_dim3A_17 = vector.shape_cast %reduce_sum3A_16 : vector<1000xf32> to vector<1000x1xf32>
    %div3A_18 = arith.constant 1.600000e+01 : f32
    %div3A_19 = vector.broadcast %div3A_18 : f32 to vector<1000x1xf32>
    %div3A_20 = arith.divf %broadcast_in_dim3A_17, %div3A_19 : vector<1000x1xf32>
    %sub3A = vector.broadcast %div3A_20 : vector<1000x1xf32> to vector<1000x16xf32>
    %sub3A_21 = arith.subf %add3A_11, %sub3A : vector<1000x16xf32>
    %square3A = arith.mulf %sub3A_21, %sub3A_21 : vector<1000x16xf32>
    %convert_element_type3A = arith.sitofp %jit3A : i32 to f32
    %sub3A_22 = arith.constant 1.600000e+01 : f32
    %sub3A_23 = arith.subf %sub3A_22, %convert_element_type3A : f32
    %reduce_sum3A_24 = arith.constant dense<0.000000e+00> : vector<1000xf32>
    %reduce_sum3A_25 = vector.multi_reduction <add>, %square3A, %reduce_sum3A_24 [1] : vector<1000x16xf32> to vector<1000xf32>
    %broadcast_in_dim3A_26 = vector.shape_cast %reduce_sum3A_25 : vector<1000xf32> to vector<1000x1xf32>
    %div3A_27 = vector.broadcast %sub3A_23 : f32 to vector<1000x1xf32>
    %div3A_28 = arith.divf %broadcast_in_dim3A_26, %div3A_27 : vector<1000x1xf32>
    %gt3A = arith.constant 0.000000e+00 : f32
    %gt3A_29 = arith.cmpf ogt, %sub3A_23, %gt3A : f32
    %jit3A_30 = arith.constant 0x7FC00000 : f32
    %broadcast_in_dim3A_31 = vector.broadcast %jit3A_30 : f32 to vector<1000x1xf32>
    %select_n3A = arith.select %gt3A_29, %div3A_28, %broadcast_in_dim3A_31 : vector<1000x1xf32>
    %sub3A_32 = vector.broadcast %div3A_14 : vector<1000x1xf32> to vector<1000x16xf32>
    %sub3A_33 = arith.subf %add3A_11, %sub3A_32 : vector<1000x16xf32>
    %add3A_34 = arith.constant 9.99999997E-7 : f32
    %add3A_35 = vector.broadcast %add3A_34 : f32 to vector<1000x1xf32>
    %add3A_36 = arith.addf %select_n3A, %add3A_35 : vector<1000x1xf32>
    %rsqrt3A = math.rsqrt %add3A_36 : vector<1000x1xf32>
    %mul3A_37 = vector.broadcast %rsqrt3A : vector<1000x1xf32> to vector<1000x16xf32>
    %mul3A_38 = arith.mulf %sub3A_33, %mul3A_37 : vector<1000x16xf32>
    %slice3A_39 = vector.extract_strided_slice %get3A_1 {offsets = [0, 64], sizes = [1000, 16], strides = [1, 1]} : vector<1000x128xf32> to vector<1000x16xf32>
    %add3A_40 = arith.constant 1.000000e+00 : f32
    %add3A_41 = vector.broadcast %add3A_40 : f32 to vector<1000x16xf32>
    %add3A_42 = arith.addf %add3A_41, %slice3A_39 : vector<1000x16xf32>
    %mul3A_43 = arith.mulf %mul3A_38, %add3A_42 : vector<1000x16xf32>
    %slice3A_44 = vector.extract_strided_slice %get3A_1 {offsets = [0, 48], sizes = [1000, 16], strides = [1, 1]} : vector<1000x128xf32> to vector<1000x16xf32>
    %add3A_45 = arith.addf %mul3A_43, %slice3A_44 : vector<1000x16xf32>
    %get3A_46 = arith.constant 0 : index
    %get3A_47 = arith.constant 0 : index
    %get3A_48 = vector.load %arg5[%get3A_46, %get3A_47] : memref<16x64xf32, #tpu.memory_space<vmem>>, vector<16x64xf32>
    %dot_general3A = arith.constant dense<0.000000e+00> : vector<1000x64xf32>
    %dot_general3A_49 = tpu.matmul %add3A_45, %get3A_48, %dot_general3A {dimension_numbers = #tpu.dot_dimension_numbers<[1], [0], [0], [1], [0, 0, 1, 1], [], []>, transpose_lhs_hint = false} : vector<1000x16xf32>, vector<16x64xf32>, vector<1000x64xf32> -> vector<1000x64xf32>
    %get3A_50 = arith.constant 0 : index
    %get3A_51 = arith.constant 0 : index
    %get3A_52 = vector.load %arg6[%get3A_50, %get3A_51] : memref<1x64xf32, #tpu.memory_space<vmem>>, vector<1x64xf32>
    %add3A_53 = vector.broadcast %get3A_52 : vector<1x64xf32> to vector<1000x64xf32>
    %add3A_54 = arith.addf %dot_general3A_49, %add3A_53 : vector<1000x64xf32>
    %integer_pow3A = arith.mulf %add3A_54, %add3A_54 : vector<1000x64xf32>
    %integer_pow3A_55 = arith.mulf %add3A_54, %integer_pow3A : vector<1000x64xf32>
    %mul3A_56 = arith.constant 4.471500e-02 : f32
    %mul3A_57 = vector.broadcast %mul3A_56 : f32 to vector<1000x64xf32>
    %mul3A_58 = arith.mulf %mul3A_57, %integer_pow3A_55 : vector<1000x64xf32>
    %add3A_59 = arith.addf %add3A_54, %mul3A_58 : vector<1000x64xf32>
    %mul3A_60 = arith.constant 0.797884583 : f32
    %mul3A_61 = vector.broadcast %mul3A_60 : f32 to vector<1000x64xf32>
    %mul3A_62 = arith.mulf %mul3A_61, %add3A_59 : vector<1000x64xf32>
    %tanh3A = math.tanh %mul3A_62 : vector<1000x64xf32>
    %add3A_63 = arith.constant 1.000000e+00 : f32
    %add3A_64 = vector.broadcast %add3A_63 : f32 to vector<1000x64xf32>
    %add3A_65 = arith.addf %add3A_64, %tanh3A : vector<1000x64xf32>
    %mul3A_66 = arith.constant 5.000000e-01 : f32
    %mul3A_67 = vector.broadcast %mul3A_66 : f32 to vector<1000x64xf32>
    %mul3A_68 = arith.mulf %mul3A_67, %add3A_65 : vector<1000x64xf32>
    %mul3A_69 = arith.mulf %add3A_54, %mul3A_68 : vector<1000x64xf32>
    %get3A_70 = arith.constant 0 : index
    %get3A_71 = arith.constant 0 : index
    %get3A_72 = vector.load %arg7[%get3A_70, %get3A_71] : memref<64x16xf32, #tpu.memory_space<vmem>>, vector<64x16xf32>
    %dot_general3A_73 = arith.constant dense<0.000000e+00> : vector<1000x16xf32>
    %dot_general3A_74 = tpu.matmul %mul3A_69, %get3A_72, %dot_general3A_73 {dimension_numbers = #tpu.dot_dimension_numbers<[1], [0], [0], [1], [0, 0, 1, 1], [], []>, transpose_lhs_hint = false} : vector<1000x64xf32>, vector<64x16xf32>, vector<1000x16xf32> -> vector<1000x16xf32>
    %get3A_75 = arith.constant 0 : index
    %get3A_76 = arith.constant 0 : index
    %get3A_77 = vector.load %arg8[%get3A_75, %get3A_76] : memref<1x16xf32, #tpu.memory_space<vmem>>, vector<1x16xf32>
    %add3A_78 = vector.broadcast %get3A_77 : vector<1x16xf32> to vector<1000x16xf32>
    %add3A_79 = arith.addf %dot_general3A_74, %add3A_78 : vector<1000x16xf32>
    %slice3A_80 = vector.extract_strided_slice %get3A_1 {offsets = [0, 80], sizes = [1000, 16], strides = [1, 1]} : vector<1000x128xf32> to vector<1000x16xf32>
    %mul3A_81 = arith.mulf %slice3A_80, %add3A_79 : vector<1000x16xf32>
    %add3A_82 = arith.addf %add3A_11, %mul3A_81 : vector<1000x16xf32>
    %swap3A = arith.constant 0 : index
    %swap3A_83 = arith.constant 0 : index
    %swap3A_84 = vector.load %arg9[%swap3A, %swap3A_83] : memref<1000x16xf32, #tpu.memory_space<vmem>>, vector<1000x16xf32>
    tpu.vector_store %arg9[%swap3A, %swap3A_83], %add3A_82 {strides = array<i32>} : memref<1000x16xf32, #tpu.memory_space<vmem>>, vector<1000x16xf32>,
    return
  }
  func.func @transform_0(%arg0: i32) -> (i32, i32) {
    %c0_i32 = arith.constant 0 : i32
    %c0_i32_0 = arith.constant 0 : i32
    return %arg0, %c0_i32 : i32, i32
  }
  func.func @transform_1(%arg0: i32) -> (i32, i32) {
    %c0_i32 = arith.constant 0 : i32
    %c0_i32_0 = arith.constant 0 : i32
    return %arg0, %c0_i32 : i32, i32
  }
  func.func @transform_2(%arg0: i32) -> (i32, i32) {
    %c0_i32 = arith.constant 0 : i32
    %c0_i32_0 = arith.constant 0 : i32
    return %arg0, %c0_i32 : i32, i32
  }
  func.func @transform_3(%arg0: i32) -> (i32, i32) {
    %c0_i32 = arith.constant 0 : i32
    %c0_i32_0 = arith.constant 0 : i32
    return %arg0, %c0_i32 : i32, i32
  }
  func.func @transform_4(%arg0: i32) -> (i32, i32) {
    %c0_i32 = arith.constant 0 : i32
    %c0_i32_0 = arith.constant 0 : i32
    %c0_i32_1 = arith.constant 0 : i32
    return %c0_i32, %c0_i32_0 : i32, i32
  }
  func.func @transform_5(%arg0: i32) -> (i32, i32) {
    %c0_i32 = arith.constant 0 : i32
    %c0_i32_0 = arith.constant 0 : i32
    %c0_i32_1 = arith.constant 0 : i32
    return %c0_i32, %c0_i32_0 : i32, i32
  }
  func.func @transform_6(%arg0: i32) -> (i32, i32) {
    %c0_i32 = arith.constant 0 : i32
    %c0_i32_0 = arith.constant 0 : i32
    %c0_i32_1 = arith.constant 0 : i32
    return %c0_i32, %c0_i32_0 : i32, i32
  }
  func.func @transform_7(%arg0: i32) -> (i32, i32) {
    %c0_i32 = arith.constant 0 : i32
    %c0_i32_0 = arith.constant 0 : i32
    %c0_i32_1 = arith.constant 0 : i32
    return %c0_i32, %c0_i32_0 : i32, i32
  }
  func.func @transform_8(%arg0: i32) -> (i32, i32) {
    %c0_i32 = arith.constant 0 : i32
    %c0_i32_0 = arith.constant 0 : i32
    return %arg0, %c0_i32 : i32, i32
  }
}

</mosaic_0001>

<sc_bundles>
// kernel: kernel.12.cloned.1.call-start
scs
__scs_entry_jumppad:
0x0: {  	(pc) =	sbr.rel $0x88, $3  }
0x1: {  	(tag) =	ssettag $0x0;
	lr =	simm.s32 $0x1  }
0x2: {  	[smem:$0x3F84] =	sst lr;
	_ =	strace $0xD0000000  }
0x3: {  	_ = 	snop  }
0x4: {  	_ = 	snop  }
0x5: {  	_ = 	snop  }
0x6: {  	_ = 	snop  }
0x7: {  	_ = 	snop  }
__scs_overlays_trampoline_lowered:
0x8: {  	[smem:$0x3F93] =	sst s0  }
0x9: {  	[smem:$0x3F94] =	sst s1  }
0xa: {  	[smem:$0x3F95] =	sst s2  }
0xb: {  	[smem:$0x3F96] =	sst s3  }
0xc: {  	[smem:$0x3F97] =	sst s4  }
0xd: {  	[smem:$0x3F98] =	sst s5  }
0xe: {  	[smem:$0x3F99] =	sst s6  }
0xf: {  	[smem:$0x3F9A] =	sst s7  }
0x10: {  	[smem:$0x3F9B] =	sst s8  }
0x11: {  	[smem:$0x3F9C] =	sst s9;
	s0 =	simm.s32 @!p0 $0x0  }
0x12: {  	s1 =	sld [smem:$0x3F82];
	s0 =	simm.s32 @p0 $0x1  }
0x13: {  	[smem:$0x3F9D] =	sst s0;
	s0 =	simm.s32 @!p1 $0x0  }
0x14: {  	s2 =	sld [smem:$0x3F81];
	s0 =	simm.s32 @p1 $0x1  }
0x15: {  	[smem:$0x3F9E] =	sst s0;
	s0 =	simm.s32 @!p2 $0x0  }
0x16: {  	s3 =	sld [smem:$0x3FDB];
	s0 =	simm.s32 @p2 $0x1  }
0x17: {  	s4 =	simm.s32 $0x1BF5;
	[smem:$0x3FA0] =	sst s0  }
0x18: {  	s0 =	sld [smem:$0x3F83];
	_ =	swait.ge [sflag:s4], $0x0  }
0x19: {  	s7 =	sld [smem:$0x3F84]  }
0x1a: {  	s8 =	sadd.s32 $0xFFFFE003, lr  }
0x1b: {  	s9 =	sadd.s32 $0xFFFFFEF7, lr;
	s5 =	simm.s32 $0xFFFFFFFF;
	p2 =	slt.u32 s8, $0xFFFFF086  }
0x1c: {  	p1 =	slt.u32 s9, $0xF7A;
	s5 =	simm.s32 @!p2 $0x0  }
0x1d: {  	s5 =	simm.s32 @p1 $0x1;
	p0 =	seq.s32 s7, s2  }
0x1e: {  	s7 =	smul.u32 @!p0 $0xF7A, s2;
	p2 =	seq.s32 @!p0 s5, $0x0  }
0x1f: {  	s9 =	smul.u32 $0xF7A, s1;
	s8 =	simm.s32 @!p0 $0x1BF5;
	p2 =	por !p2, p0  }
0x20: {  	[sflag:s8] =	ssyncset.s32 @!p0 $0xFFFFF086;
	s6 =	sadd.s32 @!p0 s3, s7;
	s7 =	simm.s32 @!p0 $0x108  }
0x21: {  	s3 =	sadd.s32 s3, s9;
	s6 =	sadd.s32 @!p0 $0x88, s6;
	s7 =	simm.s32 @p2 $0x1082  }
0x22: {  	[simem:s7], [sflag:s8] =	dma.local @!p0 [hbm:s6], $0xF7A  }
0x23: {  	s9 =	sor.u32 $0xD0000000, s2;
	s6 =	simm.s32 $0x108;
	_ =	swait.ge @!p0 [sflag:s8], $0x0  }
0x24: {  	s3 =	sadd.s32 $0x88, s3;
	s6 =	simm.s32 @!p1 $0x1082;
	[sflag:s4] =	ssyncset.s32 $0xFFFFF086  }
0x25: {  	[simem:s6], [sflag:s4] =	dma.local [hbm:s3], $0xF7A  }
0x26: {  	[smem:$0x3F84] =	sst s1;
	(tag) =	ssettag s2;
	_ =	strace s9  }
0x27: {  	s1 =	sld [smem:$0x3F94]  }
0x28: {  	s2 =	sld [smem:$0x3F95]  }
0x29: {  	s4 =	sld [smem:$0x3F97]  }
0x2a: {  	p0 =	seq.s32 s5, $0x0;
	s5 =	sld [smem:$0x3F98]  }
0x2b: {  	s6 =	sld [smem:$0x3F99]  }
0x2c: {  	s7 =	sld [smem:$0x3F9A]  }
0x2d: {  	s3 =	simm.s32 $0x108;
	s8 =	sld [smem:$0x3F9B]  }
0x2e: {  	s3 =	simm.s32 @!p0 $0x1082;
	s9 =	sld [smem:$0x3F9C]  }
0x2f: {  	lr =	sadd.s32 s0, s3;
	s0 =	sld [smem:$0x3F93]  }
0x30: {  	s3 =	sld [smem:$0x3F96]  }
0x31: {  	[smem:$0x3F9F] =	sst s10  }
0x32: {  	s10 =	sld [smem:$0x3F9D];
	_ =	sdelay $0x3  }
0x33: {  	p0 =	seq.s32 s10, $0x1;
	s10 =	sld [smem:$0x3F9F];
	_ =	sdelay $0x3  }
0x34: {  	[smem:$0x3F9F] =	sst s10  }
0x35: {  	s10 =	sld [smem:$0x3F9E];
	_ =	sdelay $0x3  }
0x36: {  	p1 =	seq.s32 s10, $0x1;
	s10 =	sld [smem:$0x3F9F];
	_ =	sdelay $0x3  }
0x37: {  	[smem:$0x3F9F] =	sst s10  }
0x38: {  	s10 =	sld [smem:$0x3FA0]  }
0x39: {  	_ = 	snop;
	(pc) =	sbr.ind lr, $3  }
0x3a: {  	_ = 	snop  }
0x3b: {  	_ = 	snop  }
0x3c: {  	p2 =	seq.s32 s10, $0x1;
	s10 =	sld [smem:$0x3F9F]  }
0x3d: {  	_ =	shalt  }
0x3e: {  	_ =	shalt  }
0x3f: {  	_ =	shalt  }
0x40: {  	_ =	shalt  }
0x41: {  	_ =	shalt  }
0x42: {  	_ =	shalt  }
0x43: {  	_ =	shalt  }
0x44: {  	_ =	shalt  }
0x45: {  	_ =	shalt  }
0x46: {  	_ =	shalt  }
0x47: {  	_ =	shalt  }
0x48: {  	_ =	shalt  }
0x49: {  	_ =	shalt  }
0x4a: {  	_ =	shalt  }
0x4b: {  	_ =	shalt  }
0x4c: {  	_ =	shalt  }
0x4d: {  	_ =	shalt  }
0x4e: {  	_ =	shalt  }
0x4f: {  	_ =	shalt  }
0x50: {  	_ =	shalt  }
0x51: {  	_ =	shalt  }
0x52: {  	_ =	shalt  }
0x53: {  	_ =	shalt  }
0x54: {  	_ =	shalt  }
0x55: {  	_ =	shalt  }
0x56: {  	_ =	shalt  }
0x57: {  	_ =	shalt  }
0x58: {  	_ =	shalt  }
0x59: {  	_ =	shalt  }
0x5a: {  	_ =	shalt  }
0x5b: {  	_ =	shalt  }
0x5c: {  	_ =	shalt  }
0x5d: {  	_ =	shalt  }
0x5e: {  	_ =	shalt  }
0x5f: {  	_ =	shalt  }
0x60: {  	_ =	shalt  }
0x61: {  	_ =	shalt  }
0x62: {  	_ =	shalt  }
0x63: {  	_ =	shalt  }
0x64: {  	_ =	shalt  }
0x65: {  	_ =	shalt  }
0x66: {  	_ =	shalt  }
0x67: {  	_ =	shalt  }
0x68: {  	_ =	shalt  }
0x69: {  	_ =	shalt  }
0x6a: {  	_ =	shalt  }
0x6b: {  	_ =	shalt  }
0x6c: {  	_ =	shalt  }
0x6d: {  	_ =	shalt  }
0x6e: {  	_ =	shalt  }
0x6f: {  	_ =	shalt  }
0x70: {  	_ =	shalt  }
0x71: {  	_ =	shalt  }
0x72: {  	_ =	shalt  }
0x73: {  	_ =	shalt  }
0x74: {  	_ =	shalt  }
0x75: {  	_ =	shalt  }
0x76: {  	_ =	shalt  }
0x77: {  	_ =	shalt  }
0x78: {  	_ =	shalt  }
0x79: {  	_ =	shalt  }
0x7a: {  	_ =	shalt  }
0x7b: {  	_ =	shalt  }
0x7c: {  	_ =	shalt  }
0x7d: {  	_ =	shalt  }
0x7e: {  	_ =	shalt  }
0x7f: {  	_ =	shalt  }
0x80: {  	_ =	shalt  }
0x81: {  	_ =	shalt  }
0x82: {  	_ =	shalt  }
0x83: {  	_ =	shalt  }
0x84: {  	_ =	shalt  }
0x85: {  	_ =	shalt  }
0x86: {  	_ =	shalt  }
0x87: {  	_ =	shalt  }
.Lfunc_end0:
.L_simem_size_0:
called_computation_lowered:
.L_overlay_start_0:
0x88: {  	s2 =	sld [smem:$0x3FD9]  }
0x89: {  	s3 =	sld [smem:$0x3FFE];
	_ =	sdelay $0x1  }
0x8a: {  	s1 =	srdreg.scid  }
0x8b: {  	s0 =	sand.u32 $0x1, s1  }
0x8c: {  	s14 =	sshll.u32 s0, $0xA;
	s2 =	sadd.s32 s3, s2  }
0x8d: {  	s2 =	sadd.s32 s2, s14  }
0x8e: {  	[smem:$0x3FAB] =	sst s2  }
0x8f: {  	_ = 	snop  }
0x90: {  	s2 =	sld [smem:$0x3FD0];
	_ =	sdelay $0x2  }
0x91: {  	s15 =	simm.s32 $0xB;
	s4 =	simm.s32 $0x10  }
0x92: {  	[smem:s4], [sflag:s15] =	dma.local [hbm:s2], $0x1  }
0x93: {  	_ =	swait.eq [sflag:s15], $0x1  }
0x94: {  	[sflag:s15] =	ssyncset.done $0x0  }
0x95: {  	s16 =	sld [smem:$0x10];
	[sflag:s15] =	ssyncadd.s32 $0xFFFFFFFF  }
0x96: {  	s17 =	sld [smem:$0x11];
	(tm) =	ssettm $0x1  }
0x97: {  	s18 =	sld [smem:$0x3FFB];
	_ =	sdelay $0x3  }
0x98: {  	_ =	strace s18  }
0x99: {  	s4 =	sld [smem:$0x3FFC];
	_ =	sdelay $0x3  }
0x9a: {  	_ =	strace s4  }
0x9b: {  	s4 =	sld [smem:$0x3FFD];
	_ =	sdelay $0x3  }
0x9c: {  	_ =	strace s4  }
0x9d: {  	_ =	strace $0x8FFFFFFF  }
0x9e: {  	s19 =	sld [smem:$0x3FDB];
	_ =	sdelay $0x1  }
0x9f: {  	s5 =	simm.s32 $_scs_section_size  }
0xa0: {  	s6 =	simm.s32 $_size__tile_overlayer_lowered;
	s7 =	simm.s32 $_tile_overlayer_lowered  }
0xa1: {  	s22 =	simm.s32 $0x1BFF;
	s21 =	sshll.u32 s7, $0x1;
	s4 =	sadd.s32 s5, s19  }
0xa2: {  	s8 =	simm.s32 $0x0;
	s20 =	sshll.u32 s6, $0x1;
	s6 =	sadd.s32 s21, s4  }
0xa3: {  	[timem:s8], [sflag:s22] =	dma.local [hbm:s6], s20  }
0xa4: {  	_ =	swait.ge [sflag:s22], s20  }
0xa5: {  	s5 =	ssub.s32 $0x0, s20;
	[sflag:s22] =	ssyncset.done $0x0  }
0xa6: {  	[sflag:s22] =	ssyncadd.s32 s5;
	_ =	sdelay $0x1  }
0xa7: {  	s23 =	simm.s32 $0x1B8B  }
0xa8: {  	_ =	swait.ge [sflag:s23], $0x1  }
0xa9: {  	[sflag:s23] =	ssyncset.done $0x0  }
0xaa: {  	s25 =	simm.s32 $0x1B8E;
	s24 =	sld [smem:$0x3FFE];
	[sflag:s23] =	ssyncadd.s32 $0xFFFFFFFF  }
0xab: {  	s26 =	simm.s32 $execute0_lowered;
	[smem:$0x3FD2] =	sst s25  }
0xac: {  	s6 =	sshll.u32 s26, $0x1;
	_ =	strace $0x80000046;
	[dreg:$0x1] =	wrdreg $0xFFFFFFFF  }
0xad: {  	s28 =	simm.s32 $_size_execute0_lowered;
	s4 =	sadd.s32 s4, s6;
	[dreg:$0x0] =	wrdreg $0x0  }
0xae: {  	s6 =	sshll.u32 s28, $0x1;
	[dreg:$0x2] =	wrdreg s4  }
0xaf: {  	[dreg:$0x3] =	wrdreg s6  }
0xb0: {  	[dreg:$0x4] =	wrdreg $0xC0  }
0xb1: {  	_ =	task [dreg:s8], $0x5FFFF  }
0xb2: {  	[dreg:$0x1] =	wrdreg $0xFFFFFFFF  }
0xb3: {  	[dreg:$0x0] =	wrdreg $0x60  }
0xb4: {  	[dreg:$0x2] =	wrdreg s16  }
0xb5: {  	[dreg:$0x3] =	wrdreg s24  }
0xb6: {  	[dreg:$0x4] =	wrdreg s17  }
0xb7: {  	[dreg:$0x5] =	wrdreg $0x9  }
0xb8: {  	_ =	task.clear_ibuf [dreg:s8], $0x6FFFF;
	_ =	strace $0x90000046  }
0xb9: {  	s29 =	simm.s32 $0x9;
	_ =	strace $0x80000048  }
0xba: {  	_ =	swait.ge [sflag:s29], $0x1  }
0xbb: {  	[sflag:s29] =	ssyncadd.s32 $0xFFFFFFFF  }
0xbc: {  	_ =	strace $0x90000048  }
0xbd: {  	_ =	sfence  }
0xbe: {  	s30 =	sld [smem:$0x0];
	_ =	sdelay $0x2  }
0xbf: {  	s31 =	sshll.u32 s1, $0xD;
	s1 =	sshrl.u32 s1, $0x2  }
0xc0: {  	s3 =	sand.u32 $0x4000, s31;
	s1 =	sadd.s32 s1, s30  }
0xc1: {  	s0 =	sor.u32 s3, s0;
	s1 =	sshll.u32 s1, $0x11  }
0xc2: {  	s0 =	sor.u32 s1, s0  }
0xc3: {  	s0 =	sadd.s32 $0x8F2B, s0  }
0xc4: {  	[sflag:s0] =	ssyncadd.remote.s32 $0x1  }
0xc5: {  	_ =	sfence.sel $0xFFFF  }
0xc6: {  	[dreg:$0x0] =	wrdreg $0xFFFFFFFF;
	(pc) =	sbr.abs _section_cstart, $3  }
0xc7: {  	[dreg:$0x1] =	wrdreg $0xFFFFFFFF  }
0xc8: {  	_ =	task.clear_ibuf [dreg:s8], $0x2FFFF;
	_ =	strace $0x9FFFFFFF  }
0xc9: {  	(tm) =	ssettm $0x7FFFFFFF  }
tec
execute0_lowered:
.L_overlay_start_1:
0x0: {  	(tag) =	ssettag $0x1  }
0x1: {  	s1 =	rddreg [dreg:$0x0]  }
0x2: {  	s0 =	rddreg [dreg:$0x1]  }
0x3: {  	s3 =	rddreg [dreg:$0x2];
	s4 =	simm.s32 $0x0;
	s11 =	stileid.u32  }
0x4: {  	s6 =	srdreg.scid;
	s13 =	simm.s32 $0x3;
	s15 =	simm.s32 $0x200  }
0x5: {  	s19 =	simm.s32 $0x17A00;
	s20 =	simm.s32 $0x18200;
	s21 =	simm.s32 $0x18A00  }
0x6: {  	s28 =	simm.s32 $0x1BA00;
	s29 =	simm.s32 $0x1C200;
	s30 =	simm.s32 $0x1CA00  }
0x7: {  	s31 =	simm.s32 $0x1D200;
	s14 =	simm.s32 $0x0;
	s2 =	smul.u32 $0x28, s11  }
0x8: {  	[smem:$0x7FF] =	sst s4;
	s5 =	sadd.s32 $0x148000, s0;
	s7 =	smul.u32 $0x2800, s11  }
0x9: {  	s6 =	sand.u32 $0x1, s6;
	s23 =	sshll.u32 s11, $0x1;
	s11 =	simm.s32 $0xA200  }
0xa: {  	_ =	strace $0x80000047;
	s8 =	ssub.s32 $0x2, s6;
	s9 =	smul.u32 $0x1400, s6  }
0xb: {  	s6 =	smul.u32 $0x14, s6;
	[dreg:$0x4] =	wrdreg s23;
	s23 =	simm.s32 $0x19A00  }
0xc: {  	s2 =	sadd.s32 s2, s0;
	s0 =	sadd.s32 s7, s0;
	s22 =	sshrl.u32 s8, $0x1  }
0xd: {  	s10 =	ssub.s32 s8, s22;
	s0 =	sadd.s32 s9, s0;
	s2 =	sadd.s32 s6, s2  }
0xe: {  	s6 =	simm.s32 $0x14200;
	s22 =	simm.s32 $0x19200;
	s9 =	simm.s32 $0x2  }
.Ltmp0:
0xf: {  	s7 =	sadd.s32 $0x196200, s0;
	s24 =	smax.u32 s10, $0x1;
	(pc) =	sbr.rel .LBB2_1-.Ltmp0, $4  }
0x10: {  	s8 =	sadd.s32 $0x678200, s0;
	s25 =	sadd.s32 $0xA800, s2;
	[dreg:$0x5] =	wrdreg s24  }
0x11: {  	v2 =	vlaneseq.u32;
	s10 =	sadd.s32 $0xB5A200, s0;
	s26 =	sadd.s32 $0x5800, s2;
	[dreg:$0x6] =	wrdreg s25  }
0x12: {  	vm0 =	vmmov $0xffff;
	v1 =	vshrl.u32 v2, $0x3;
	s0 =	simm.s32 $0x1DA00;
	s2 =	simm.s32 $0x1;
	[dreg:$0x7] =	wrdreg s26  }
0x13: {  	v0 =	vand.u32 $0x7, v2;
	v2 =	vor.u32 $0x8, v2;
	v1 =	vmul.u32 $0x8, v1;
	s24 =	simm.s32 $0x1A200;
	s25 =	simm.s32 $0x1AA00;
	s26 =	simm.s32 $0x1B200  }
.LBB2_5:
0x14: {  	s14 =	rddreg [dreg:$0x8]  }
0x15: {  	s12 =	rddreg [dreg:$0x5];
	s14 =	sadd.s32 $0x1, s14  }
0x16: {  	p0 =	sne.s32 s14, s12  }
.Ltmp1:
0x17: {  	_ = 	snop;
	(pc) =	sbr.rel @!p0 .LBB2_6-.Ltmp1, $1  }
0x18: {  	_ =	sdelay $0x3  }
.LBB2_1:
.Ltmp2:
0x19: {  	(pc) =	sbr.rel .LBB2_2-.Ltmp2, $4  }
0x1a: {  	[dreg:$0x8] =	wrdreg s14  }
0x1b: {  	s12 =	rddreg [dreg:$0x4]  }
0x1c: {  	s14 =	rddreg [dreg:$0x7]  }
0x1d: {  	s16 =	rddreg [dreg:$0x6];
	s17 =	simm.s32 $0x0  }
.LBB2_4:
0x1e: {  	s17 =	sadd.s32 $0x28000, s17  }
0x1f: {  	p0 =	sne.s32 s17, $0x500000  }
.Ltmp3:
0x20: {  	_ = 	snop;
	(pc) =	sbr.rel @!p0 .LBB2_5-.Ltmp3, $2  }
0x21: {  	_ =	sdelay $0x2  }
0x22: {  	s16 =	sadd.s32 $0x280, s16;
	s14 =	sadd.s32 $0x280, s14;
	s12 =	sadd.s32 $0x20, s12  }
.LBB2_2:
0x23: {  	p0 =	sgt.u32 s12, $0x3E7  }
.Ltmp4:
0x24: {  	_ = 	snop;
	(pc) =	sbr.rel @p0 .LBB2_4-.Ltmp4, $1  }
0x25: {  	_ =	sdelay $0x3  }
0x26: {  	[tilespmem:s4], [sflag:$0x3] =	stream.linear.gather [hbm4b:s16+s4], $0xA0, $0x38;
	[tilespmem:$0x1E200] =	vst v63  }
0x27: {  	_ =	swait.ge [sflag:s13], $0xA0  }
0x28: {  	[sflag:s13] =	ssyncset.done $0x0  }
0x29: {  	s18 =	simm.s32 $0x100;
	[sflag:s13] =	ssyncadd.s32 $0xFFFFFF60  }
0x2a: {  	[tilespmem:s18], [sflag:$0x3] =	stream.linear.gather [hbm4b:s14+s4], $0xA0, $0x38;
	[tilespmem:$0x1E200] =	vst v63  }
0x2b: {  	_ =	swait.ge [sflag:s13], $0xA0  }
0x2c: {  	[sflag:s13] =	ssyncset.done $0x0  }
0x2d: {  	[sflag:s13] =	ssyncadd.s32 $0xFFFFFF60  }
0x2e: {  	v3 =	vld [tilespmem:$0x0];
	_ =	sdelay $0x4  }
0x2f: {  	v4 =	vshll.u32 v3, $0x1  }
0x30: {  	v3 =	vand.u32 $0x7, v3;
	v4 =	vand.u32 $0xFFFFFFF0, v4  }
0x31: {  	v3 =	vor.u32 v3, v4  }
0x32: {  	v4 =	vperm.xlane v3, v0;
	_ =	sdelay $0x1  }
0x33: {  	v3 =	vperm.xlane v3, v2;
	v4 =	vadd.s32 v1, v4;
	_ =	sdelay $0x1  }
0x34: {  	v3 =	vadd.s32 v1, v3;
	_ =	sdelay $0x2  }
0x35: {  	[tilespmem:s15], [sflag:$0x1] =	stream.indirect_vreg.gather [hbm4b:s1+s4], $0x80, v4, vm0, $0xb8;
	[tilespmem:$0x1E200] =	vst v63  }
0x36: {  	s18 =	simm.s32 $0xA00  }
0x37: {  	[tilespmem:s18], [sflag:$0x1] =	stream.indirect_vreg.gather [hbm4b:s1+s4], $0x80, v3, vm0, $0xb8;
	[tilespmem:$0x1E200] =	vst v63  }
0x38: {  	v3 =	vld [tilespmem:$0x10];
	_ =	sdelay $0x4  }
0x39: {  	v35 =	vshll.u32 v3, $0x1  }
0x3a: {  	v3 =	vand.u32 $0x7, v3;
	v4 =	vand.u32 $0xFFFFFFF0, v35  }
0x3b: {  	v3 =	vor.u32 v3, v4  }
0x3c: {  	v4 =	vperm.xlane v3, v0;
	_ =	sdelay $0x1  }
0x3d: {  	v3 =	vperm.xlane v3, v2;
	v4 =	vadd.s32 v1, v4;
	_ =	sdelay $0x1  }
0x3e: {  	v3 =	vadd.s32 v1, v3;
	_ =	sdelay $0x1  }
0x3f: {  	s18 =	simm.s32 $0x1200  }
0x40: {  	[tilespmem:s18], [sflag:$0x1] =	stream.indirect_vreg.gather [hbm4b:s1+s4], $0x80, v4, vm0, $0xb8;
	[tilespmem:$0x1E200] =	vst v63  }
0x41: {  	s18 =	simm.s32 $0x1A00  }
0x42: {  	[tilespmem:s18], [sflag:$0x1] =	stream.indirect_vreg.gather [hbm4b:s1+s4], $0x80, v3, vm0, $0xb8;
	[tilespmem:$0x1E200] =	vst v63  }
0x43: {  	v3 =	vld [tilespmem:$0x20];
	_ =	sdelay $0x4  }
0x44: {  	v36 =	vshll.u32 v3, $0x1  }
0x45: {  	v3 =	vand.u32 $0x7, v3;
	v4 =	vand.u32 $0xFFFFFFF0, v36  }
0x46: {  	v3 =	vor.u32 v3, v4  }
0x47: {  	v4 =	vperm.xlane v3, v0;
	_ =	sdelay $0x1  }
0x48: {  	v3 =	vperm.xlane v3, v2;
	v4 =	vadd.s32 v1, v4;
	_ =	sdelay $0x1  }
0x49: {  	v3 =	vadd.s32 v1, v3;
	_ =	sdelay $0x1  }
0x4a: {  	s18 =	simm.s32 $0x2200  }
0x4b: {  	[tilespmem:s18], [sflag:$0x1] =	stream.indirect_vreg.gather [hbm4b:s1+s4], $0x80, v4, vm0, $0xb8;
	[tilespmem:$0x1E200] =	vst v63  }
0x4c: {  	s18 =	simm.s32 $0x2A00  }
0x4d: {  	[tilespmem:s18], [sflag:$0x1] =	stream.indirect_vreg.gather [hbm4b:s1+s4], $0x80, v3, vm0, $0xb8;
	[tilespmem:$0x1E200] =	vst v63  }
0x4e: {  	v3 =	vld [tilespmem:$0x30];
	_ =	sdelay $0x4  }
0x4f: {  	v37 =	vshll.u32 v3, $0x1  }
0x50: {  	v3 =	vand.u32 $0x7, v3;
	v4 =	vand.u32 $0xFFFFFFF0, v37  }
0x51: {  	v3 =	vor.u32 v3, v4  }
0x52: {  	v4 =	vperm.xlane v3, v0;
	_ =	sdelay $0x1  }
0x53: {  	v3 =	vperm.xlane v3, v2;
	v4 =	vadd.s32 v1, v4;
	_ =	sdelay $0x1  }
0x54: {  	v3 =	vadd.s32 v1, v3;
	_ =	sdelay $0x1  }
0x55: {  	s18 =	simm.s32 $0x3200  }
0x56: {  	[tilespmem:s18], [sflag:$0x1] =	stream.indirect_vreg.gather [hbm4b:s1+s4], $0x80, v4, vm0, $0xb8;
	[tilespmem:$0x1E200] =	vst v63  }
0x57: {  	s18 =	simm.s32 $0x3A00  }
0x58: {  	[tilespmem:s18], [sflag:$0x1] =	stream.indirect_vreg.gather [hbm4b:s1+s4], $0x80, v3, vm0, $0xb8;
	[tilespmem:$0x1E200] =	vst v63  }
0x59: {  	v3 =	vld [tilespmem:$0x40];
	_ =	sdelay $0x4  }
0x5a: {  	v38 =	vshll.u32 v3, $0x1  }
0x5b: {  	v3 =	vand.u32 $0x7, v3;
	v4 =	vand.u32 $0xFFFFFFF0, v38  }
0x5c: {  	v3 =	vor.u32 v3, v4  }
0x5d: {  	v4 =	vperm.xlane v3, v0;
	_ =	sdelay $0x1  }
0x5e: {  	v3 =	vperm.xlane v3, v2;
	v4 =	vadd.s32 v1, v4;
	_ =	sdelay $0x1  }
0x5f: {  	v3 =	vadd.s32 v1, v3;
	_ =	sdelay $0x1  }
0x60: {  	s18 =	simm.s32 $0x4200  }
0x61: {  	[tilespmem:s18], [sflag:$0x1] =	stream.indirect_vreg.gather [hbm4b:s1+s4], $0x80, v4, vm0, $0xb8;
	[tilespmem:$0x1E200] =	vst v63  }
0x62: {  	s18 =	simm.s32 $0x4A00  }
0x63: {  	[tilespmem:s18], [sflag:$0x1] =	stream.indirect_vreg.gather [hbm4b:s1+s4], $0x80, v3, vm0, $0xb8;
	[tilespmem:$0x1E200] =	vst v63  }
0x64: {  	v3 =	vld [tilespmem:$0x50];
	_ =	sdelay $0x4  }
0x65: {  	v39 =	vshll.u32 v3, $0x1  }
0x66: {  	v3 =	vand.u32 $0x7, v3;
	v4 =	vand.u32 $0xFFFFFFF0, v39  }
0x67: {  	v3 =	vor.u32 v3, v4  }
0x68: {  	v4 =	vperm.xlane v3, v0;
	_ =	sdelay $0x1  }
0x69: {  	v3 =	vperm.xlane v3, v2;
	v4 =	vadd.s32 v1, v4;
	_ =	sdelay $0x1  }
0x6a: {  	v3 =	vadd.s32 v1, v3;
	_ =	sdelay $0x1  }
0x6b: {  	s18 =	simm.s32 $0x5200  }
0x6c: {  	[tilespmem:s18], [sflag:$0x1] =	stream.indirect_vreg.gather [hbm4b:s1+s4], $0x80, v4, vm0, $0xb8;
	[tilespmem:$0x1E200] =	vst v63  }
0x6d: {  	s18 =	simm.s32 $0x5A00  }
0x6e: {  	[tilespmem:s18], [sflag:$0x1] =	stream.indirect_vreg.gather [hbm4b:s1+s4], $0x80, v3, vm0, $0xb8;
	[tilespmem:$0x1E200] =	vst v63  }
0x6f: {  	v3 =	vld [tilespmem:$0x60];
	_ =	sdelay $0x4  }
0x70: {  	v40 =	vshll.u32 v3, $0x1  }
0x71: {  	v3 =	vand.u32 $0x7, v3;
	v4 =	vand.u32 $0xFFFFFFF0, v40  }
0x72: {  	v3 =	vor.u32 v3, v4  }
0x73: {  	v4 =	vperm.xlane v3, v0;
	_ =	sdelay $0x1  }
0x74: {  	v3 =	vperm.xlane v3, v2;
	v4 =	vadd.s32 v1, v4;
	_ =	sdelay $0x1  }
0x75: {  	v3 =	vadd.s32 v1, v3;
	_ =	sdelay $0x1  }
0x76: {  	s18 =	simm.s32 $0x6200  }
0x77: {  	[tilespmem:s18], [sflag:$0x1] =	stream.indirect_vreg.gather [hbm4b:s1+s4], $0x80, v4, vm0, $0xb8;
	[tilespmem:$0x1E200] =	vst v63  }
0x78: {  	s18 =	simm.s32 $0x6A00  }
0x79: {  	[tilespmem:s18], [sflag:$0x1] =	stream.indirect_vreg.gather [hbm4b:s1+s4], $0x80, v3, vm0, $0xb8;
	[tilespmem:$0x1E200] =	vst v63  }
0x7a: {  	v3 =	vld [tilespmem:$0x70];
	_ =	sdelay $0x4  }
0x7b: {  	v41 =	vshll.u32 v3, $0x1  }
0x7c: {  	v3 =	vand.u32 $0x7, v3;
	v4 =	vand.u32 $0xFFFFFFF0, v41  }
0x7d: {  	v3 =	vor.u32 v3, v4  }
0x7e: {  	v4 =	vperm.xlane v3, v0;
	_ =	sdelay $0x1  }
0x7f: {  	v3 =	vperm.xlane v3, v2;
	v4 =	vadd.s32 v1, v4;
	_ =	sdelay $0x1  }
0x80: {  	v3 =	vadd.s32 v1, v3;
	_ =	sdelay $0x1  }
0x81: {  	s18 =	simm.s32 $0x7200  }
0x82: {  	[tilespmem:s18], [sflag:$0x1] =	stream.indirect_vreg.gather [hbm4b:s1+s4], $0x80, v4, vm0, $0xb8;
	[tilespmem:$0x1E200] =	vst v63  }
0x83: {  	s18 =	simm.s32 $0x7A00  }
0x84: {  	[tilespmem:s18], [sflag:$0x1] =	stream.indirect_vreg.gather [hbm4b:s1+s4], $0x80, v3, vm0, $0xb8;
	[tilespmem:$0x1E200] =	vst v63  }
0x85: {  	v3 =	vld [tilespmem:$0x80];
	_ =	sdelay $0x4  }
0x86: {  	v42 =	vshll.u32 v3, $0x1  }
0x87: {  	v3 =	vand.u32 $0x7, v3;
	v4 =	vand.u32 $0xFFFFFFF0, v42  }
0x88: {  	v3 =	vor.u32 v3, v4  }
0x89: {  	v4 =	vperm.xlane v3, v0;
	_ =	sdelay $0x1  }
0x8a: {  	v3 =	vperm.xlane v3, v2;
	v4 =	vadd.s32 v1, v4;
	_ =	sdelay $0x1  }
0x8b: {  	v3 =	vadd.s32 v1, v3;
	_ =	sdelay $0x1  }
0x8c: {  	s18 =	simm.s32 $0x8200  }
0x8d: {  	[tilespmem:s18], [sflag:$0x1] =	stream.indirect_vreg.gather [hbm4b:s1+s4], $0x80, v4, vm0, $0xb8;
	[tilespmem:$0x1E200] =	vst v63  }
0x8e: {  	s18 =	simm.s32 $0x8A00  }
0x8f: {  	[tilespmem:s18], [sflag:$0x1] =	stream.indirect_vreg.gather [hbm4b:s1+s4], $0x80, v3, vm0, $0xb8;
	[tilespmem:$0x1E200] =	vst v63  }
0x90: {  	v3 =	vld [tilespmem:$0x90];
	_ =	sdelay $0x4  }
0x91: {  	v43 =	vshll.u32 v3, $0x1  }
0x92: {  	v3 =	vand.u32 $0x7, v3;
	v4 =	vand.u32 $0xFFFFFFF0, v43  }
0x93: {  	v3 =	vor.u32 v3, v4  }
0x94: {  	v4 =	vperm.xlane v3, v0;
	_ =	sdelay $0x1  }
0x95: {  	v3 =	vperm.xlane v3, v2;
	v4 =	vadd.s32 v1, v4;
	_ =	sdelay $0x1  }
0x96: {  	v3 =	vadd.s32 v1, v3;
	_ =	sdelay $0x1  }
0x97: {  	s18 =	simm.s32 $0x9200  }
0x98: {  	[tilespmem:s18], [sflag:$0x1] =	stream.indirect_vreg.gather [hbm4b:s1+s4], $0x80, v4, vm0, $0xb8;
	[tilespmem:$0x1E200] =	vst v63  }
0x99: {  	s18 =	simm.s32 $0x9A00  }
0x9a: {  	[tilespmem:s18], [sflag:$0x1] =	stream.indirect_vreg.gather [hbm4b:s1+s4], $0x80, v3, vm0, $0xb8;
	[tilespmem:$0x1E200] =	vst v63  }
0x9b: {  	v3 =	vld [tilespmem:$0x100];
	_ =	sdelay $0x4  }
0x9c: {  	v44 =	vshll.u32 v3, $0x1  }
0x9d: {  	v3 =	vand.u32 $0x7, v3;
	v4 =	vand.u32 $0xFFFFFFF0, v44  }
0x9e: {  	v3 =	vor.u32 v3, v4  }
0x9f: {  	v4 =	vperm.xlane v3, v0;
	_ =	sdelay $0x1  }
0xa0: {  	v3 =	vperm.xlane v3, v2;
	v4 =	vadd.s32 v1, v4;
	_ =	sdelay $0x1  }
0xa1: {  	v3 =	vadd.s32 v1, v3;
	_ =	sdelay $0x2  }
0xa2: {  	[tilespmem:s11], [sflag:$0x1] =	stream.indirect_vreg.gather [hbm4b:s5+s4], $0x80, v4, vm0, $0xb8;
	[tilespmem:$0x1E200] =	vst v63  }
0xa3: {  	s18 =	simm.s32 $0xAA00  }
0xa4: {  	[tilespmem:s18], [sflag:$0x1] =	stream.indirect_vreg.gather [hbm4b:s5+s4], $0x80, v3, vm0, $0xb8;
	[tilespmem:$0x1E200] =	vst v63  }
0xa5: {  	v3 =	vld [tilespmem:$0x110];
	_ =	sdelay $0x4  }
0xa6: {  	v45 =	vshll.u32 v3, $0x1  }
0xa7: {  	v3 =	vand.u32 $0x7, v3;
	v4 =	vand.u32 $0xFFFFFFF0, v45  }
0xa8: {  	v3 =	vor.u32 v3, v4  }
0xa9: {  	v4 =	vperm.xlane v3, v0;
	_ =	sdelay $0x1  }
0xaa: {  	v3 =	vperm.xlane v3, v2;
	v4 =	vadd.s32 v1, v4;
	_ =	sdelay $0x1  }
0xab: {  	v3 =	vadd.s32 v1, v3;
	_ =	sdelay $0x1  }
0xac: {  	s18 =	simm.s32 $0xB200  }
0xad: {  	[tilespmem:s18], [sflag:$0x1] =	stream.indirect_vreg.gather [hbm4b:s5+s4], $0x80, v4, vm0, $0xb8;
	[tilespmem:$0x1E200] =	vst v63  }
0xae: {  	s18 =	simm.s32 $0xBA00  }
0xaf: {  	[tilespmem:s18], [sflag:$0x1] =	stream.indirect_vreg.gather [hbm4b:s5+s4], $0x80, v3, vm0, $0xb8;
	[tilespmem:$0x1E200] =	vst v63  }
0xb0: {  	v3 =	vld [tilespmem:$0x120];
	_ =	sdelay $0x4  }
0xb1: {  	v46 =	vshll.u32 v3, $0x1  }
0xb2: {  	v3 =	vand.u32 $0x7, v3;
	v4 =	vand.u32 $0xFFFFFFF0, v46  }
0xb3: {  	v3 =	vor.u32 v3, v4  }
0xb4: {  	v4 =	vperm.xlane v3, v0;
	_ =	sdelay $0x1  }
0xb5: {  	v3 =	vperm.xlane v3, v2;
	v4 =	vadd.s32 v1, v4;
	_ =	sdelay $0x1  }
0xb6: {  	v3 =	vadd.s32 v1, v3;
	_ =	sdelay $0x1  }
0xb7: {  	s18 =	simm.s32 $0xC200  }
0xb8: {  	[tilespmem:s18], [sflag:$0x1] =	stream.indirect_vreg.gather [hbm4b:s5+s4], $0x80, v4, vm0, $0xb8;
	[tilespmem:$0x1E200] =	vst v63  }
0xb9: {  	s18 =	simm.s32 $0xCA00  }
0xba: {  	[tilespmem:s18], [sflag:$0x1] =	stream.indirect_vreg.gather [hbm4b:s5+s4], $0x80, v3, vm0, $0xb8;
	[tilespmem:$0x1E200] =	vst v63  }
0xbb: {  	v3 =	vld [tilespmem:$0x130];
	_ =	sdelay $0x4  }
0xbc: {  	v47 =	vshll.u32 v3, $0x1  }
0xbd: {  	v3 =	vand.u32 $0x7, v3;
	v4 =	vand.u32 $0xFFFFFFF0, v47  }
0xbe: {  	v3 =	vor.u32 v3, v4  }
0xbf: {  	v4 =	vperm.xlane v3, v0;
	_ =	sdelay $0x1  }
0xc0: {  	v3 =	vperm.xlane v3, v2;
	v4 =	vadd.s32 v1, v4;
	_ =	sdelay $0x1  }
0xc1: {  	v3 =	vadd.s32 v1, v3;
	_ =	sdelay $0x1  }
0xc2: {  	s18 =	simm.s32 $0xD200  }
0xc3: {  	[tilespmem:s18], [sflag:$0x1] =	stream.indirect_vreg.gather [hbm4b:s5+s4], $0x80, v4, vm0, $0xb8;
	[tilespmem:$0x1E200] =	vst v63  }
0xc4: {  	s18 =	simm.s32 $0xDA00  }
0xc5: {  	[tilespmem:s18], [sflag:$0x1] =	stream.indirect_vreg.gather [hbm4b:s5+s4], $0x80, v3, vm0, $0xb8;
	[tilespmem:$0x1E200] =	vst v63  }
0xc6: {  	v3 =	vld [tilespmem:$0x140];
	_ =	sdelay $0x4  }
0xc7: {  	v48 =	vshll.u32 v3, $0x1  }
0xc8: {  	v3 =	vand.u32 $0x7, v3;
	v4 =	vand.u32 $0xFFFFFFF0, v48  }
0xc9: {  	v3 =	vor.u32 v3, v4  }
0xca: {  	v4 =	vperm.xlane v3, v0;
	_ =	sdelay $0x1  }
0xcb: {  	v3 =	vperm.xlane v3, v2;
	v4 =	vadd.s32 v1, v4;
	_ =	sdelay $0x1  }
0xcc: {  	v3 =	vadd.s32 v1, v3;
	_ =	sdelay $0x1  }
0xcd: {  	s18 =	simm.s32 $0xE200  }
0xce: {  	[tilespmem:s18], [sflag:$0x1] =	stream.indirect_vreg.gather [hbm4b:s5+s4], $0x80, v4, vm0, $0xb8;
	[tilespmem:$0x1E200] =	vst v63  }
0xcf: {  	s18 =	simm.s32 $0xEA00  }
0xd0: {  	[tilespmem:s18], [sflag:$0x1] =	stream.indirect_vreg.gather [hbm4b:s5+s4], $0x80, v3, vm0, $0xb8;
	[tilespmem:$0x1E200] =	vst v63  }
0xd1: {  	v3 =	vld [tilespmem:$0x150];
	_ =	sdelay $0x4  }
0xd2: {  	v49 =	vshll.u32 v3, $0x1  }
0xd3: {  	v3 =	vand.u32 $0x7, v3;
	v4 =	vand.u32 $0xFFFFFFF0, v49  }
0xd4: {  	v3 =	vor.u32 v3, v4  }
0xd5: {  	v4 =	vperm.xlane v3, v0;
	_ =	sdelay $0x1  }
0xd6: {  	v3 =	vperm.xlane v3, v2;
	v4 =	vadd.s32 v1, v4;
	_ =	sdelay $0x1  }
0xd7: {  	v3 =	vadd.s32 v1, v3;
	_ =	sdelay $0x1  }
0xd8: {  	s18 =	simm.s32 $0xF200  }
0xd9: {  	[tilespmem:s18], [sflag:$0x1] =	stream.indirect_vreg.gather [hbm4b:s5+s4], $0x80, v4, vm0, $0xb8;
	[tilespmem:$0x1E200] =	vst v63  }
0xda: {  	s18 =	simm.s32 $0xFA00  }
0xdb: {  	[tilespmem:s18], [sflag:$0x1] =	stream.indirect_vreg.gather [hbm4b:s5+s4], $0x80, v3, vm0, $0xb8;
	[tilespmem:$0x1E200] =	vst v63  }
0xdc: {  	v3 =	vld [tilespmem:$0x160];
	_ =	sdelay $0x4  }
0xdd: {  	v50 =	vshll.u32 v3, $0x1  }
0xde: {  	v3 =	vand.u32 $0x7, v3;
	v4 =	vand.u32 $0xFFFFFFF0, v50  }
0xdf: {  	v3 =	vor.u32 v3, v4  }
0xe0: {  	v4 =	vperm.xlane v3, v0;
	_ =	sdelay $0x1  }
0xe1: {  	v3 =	vperm.xlane v3, v2;
	v4 =	vadd.s32 v1, v4;
	_ =	sdelay $0x1  }
0xe2: {  	v3 =	vadd.s32 v1, v3;
	_ =	sdelay $0x1  }
0xe3: {  	s18 =	simm.s32 $0x10200  }
0xe4: {  	[tilespmem:s18], [sflag:$0x1] =	stream.indirect_vreg.gather [hbm4b:s5+s4], $0x80, v4, vm0, $0xb8;
	[tilespmem:$0x1E200] =	vst v63  }
0xe5: {  	s18 =	simm.s32 $0x10A00  }
0xe6: {  	[tilespmem:s18], [sflag:$0x1] =	stream.indirect_vreg.gather [hbm4b:s5+s4], $0x80, v3, vm0, $0xb8;
	[tilespmem:$0x1E200] =	vst v63  }
0xe7: {  	v3 =	vld [tilespmem:$0x170];
	_ =	sdelay $0x4  }
0xe8: {  	v51 =	vshll.u32 v3, $0x1  }
0xe9: {  	v3 =	vand.u32 $0x7, v3;
	v4 =	vand.u32 $0xFFFFFFF0, v51  }
0xea: {  	v3 =	vor.u32 v3, v4  }
0xeb: {  	v4 =	vperm.xlane v3, v0;
	_ =	sdelay $0x1  }
0xec: {  	v3 =	vperm.xlane v3, v2;
	v4 =	vadd.s32 v1, v4;
	_ =	sdelay $0x1  }
0xed: {  	v3 =	vadd.s32 v1, v3;
	_ =	sdelay $0x1  }
0xee: {  	s18 =	simm.s32 $0x11200  }
0xef: {  	[tilespmem:s18], [sflag:$0x1] =	stream.indirect_vreg.gather [hbm4b:s5+s4], $0x80, v4, vm0, $0xb8;
	[tilespmem:$0x1E200] =	vst v63  }
0xf0: {  	s18 =	simm.s32 $0x11A00  }
0xf1: {  	[tilespmem:s18], [sflag:$0x1] =	stream.indirect_vreg.gather [hbm4b:s5+s4], $0x80, v3, vm0, $0xb8;
	[tilespmem:$0x1E200] =	vst v63  }
0xf2: {  	v3 =	vld [tilespmem:$0x180];
	_ =	sdelay $0x4  }
0xf3: {  	v52 =	vshll.u32 v3, $0x1  }
0xf4: {  	v3 =	vand.u32 $0x7, v3;
	v4 =	vand.u32 $0xFFFFFFF0, v52  }
0xf5: {  	v3 =	vor.u32 v3, v4  }
0xf6: {  	v4 =	vperm.xlane v3, v0;
	_ =	sdelay $0x1  }
0xf7: {  	v3 =	vperm.xlane v3, v2;
	v4 =	vadd.s32 v1, v4;
	_ =	sdelay $0x1  }
0xf8: {  	v3 =	vadd.s32 v1, v3;
	_ =	sdelay $0x1  }
0xf9: {  	s18 =	simm.s32 $0x12200  }
0xfa: {  	[tilespmem:s18], [sflag:$0x1] =	stream.indirect_vreg.gather [hbm4b:s5+s4], $0x80, v4, vm0, $0xb8;
	[tilespmem:$0x1E200] =	vst v63  }
0xfb: {  	s18 =	simm.s32 $0x12A00  }
0xfc: {  	[tilespmem:s18], [sflag:$0x1] =	stream.indirect_vreg.gather [hbm4b:s5+s4], $0x80, v3, vm0, $0xb8;
	[tilespmem:$0x1E200] =	vst v63  }
0xfd: {  	v3 =	vld [tilespmem:$0x190];
	_ =	sdelay $0x4  }
0xfe: {  	v53 =	vshll.u32 v3, $0x1  }
0xff: {  	v3 =	vand.u32 $0x7, v3;
	v4 =	vand.u32 $0xFFFFFFF0, v53  }
0x100: {  	v3 =	vor.u32 v3, v4  }
0x101: {  	v4 =	vperm.xlane v3, v0;
	_ =	sdelay $0x1  }
0x102: {  	v3 =	vperm.xlane v3, v2;
	v4 =	vadd.s32 v1, v4;
	_ =	sdelay $0x1  }
0x103: {  	v3 =	vadd.s32 v1, v3;
	_ =	sdelay $0x1  }
0x104: {  	s18 =	simm.s32 $0x13200  }
0x105: {  	[tilespmem:s18], [sflag:$0x1] =	stream.indirect_vreg.gather [hbm4b:s5+s4], $0x80, v4, vm0, $0xb8;
	[tilespmem:$0x1E200] =	vst v63  }
0x106: {  	s18 =	simm.s32 $0x13A00  }
0x107: {  	[tilespmem:s18], [sflag:$0x1] =	stream.indirect_vreg.gather [hbm4b:s5+s4], $0x80, v3, vm0, $0xb8;
	[tilespmem:$0x1E200] =	vst v63  }
0x108: {  	v3 =	vld [tilespmem:$0x100];
	_ =	sdelay $0x4  }
0x109: {  	v54 =	vshll.u32 v3, $0x1  }
0x10a: {  	v3 =	vand.u32 $0x7, v3;
	v4 =	vand.u32 $0xFFFFFFF0, v54  }
0x10b: {  	v3 =	vor.u32 v3, v4  }
0x10c: {  	v4 =	vperm.xlane v3, v0;
	_ =	sdelay $0x1  }
0x10d: {  	v3 =	vperm.xlane v3, v2;
	v4 =	vadd.s32 v1, v4;
	_ =	sdelay $0x1  }
0x10e: {  	v3 =	vadd.s32 v1, v3;
	_ =	sdelay $0x2  }
0x10f: {  	[tilespmem:s6], [sflag:$0x1] =	stream.indirect_vreg.gather [hbm4b:s3+s4], $0x80, v4, vm0, $0xb8;
	[tilespmem:$0x1E200] =	vst v63  }
0x110: {  	s18 =	simm.s32 $0x14A00  }
0x111: {  	[tilespmem:s18], [sflag:$0x1] =	stream.indirect_vreg.gather [hbm4b:s3+s4], $0x80, v3, vm0, $0xb8;
	[tilespmem:$0x1E200] =	vst v63  }
0x112: {  	v3 =	vld [tilespmem:$0x110];
	_ =	sdelay $0x4  }
0x113: {  	v55 =	vshll.u32 v3, $0x1  }
0x114: {  	v3 =	vand.u32 $0x7, v3;
	v4 =	vand.u32 $0xFFFFFFF0, v55  }
0x115: {  	v3 =	vor.u32 v3, v4  }
0x116: {  	v4 =	vperm.xlane v3, v0;
	_ =	sdelay $0x1  }
0x117: {  	v3 =	vperm.xlane v3, v2;
	v4 =	vadd.s32 v1, v4;
	_ =	sdelay $0x1  }
0x118: {  	v3 =	vadd.s32 v1, v3;
	_ =	sdelay $0x1  }
0x119: {  	s18 =	simm.s32 $0x15200  }
0x11a: {  	[tilespmem:s18], [sflag:$0x1] =	stream.indirect_vreg.gather [hbm4b:s3+s4], $0x80, v4, vm0, $0xb8;
	[tilespmem:$0x1E200] =	vst v63  }
0x11b: {  	s18 =	simm.s32 $0x15A00  }
0x11c: {  	[tilespmem:s18], [sflag:$0x1] =	stream.indirect_vreg.gather [hbm4b:s3+s4], $0x80, v3, vm0, $0xb8;
	[tilespmem:$0x1E200] =	vst v63  }
0x11d: {  	v3 =	vld [tilespmem:$0x120];
	_ =	sdelay $0x4  }
0x11e: {  	v56 =	vshll.u32 v3, $0x1  }
0x11f: {  	v3 =	vand.u32 $0x7, v3;
	v4 =	vand.u32 $0xFFFFFFF0, v56  }
0x120: {  	v3 =	vor.u32 v3, v4  }
0x121: {  	v4 =	vperm.xlane v3, v0;
	_ =	sdelay $0x1  }
0x122: {  	v3 =	vperm.xlane v3, v2;
	v4 =	vadd.s32 v1, v4;
	_ =	sdelay $0x1  }
0x123: {  	v3 =	vadd.s32 v1, v3;
	_ =	sdelay $0x1  }
0x124: {  	s18 =	simm.s32 $0x16200  }
0x125: {  	[tilespmem:s18], [sflag:$0x1] =	stream.indirect_vreg.gather [hbm4b:s3+s4], $0x80, v4, vm0, $0xb8;
	[tilespmem:$0x1E200] =	vst v63  }
0x126: {  	s18 =	simm.s32 $0x16A00  }
0x127: {  	[tilespmem:s18], [sflag:$0x1] =	stream.indirect_vreg.gather [hbm4b:s3+s4], $0x80, v3, vm0, $0xb8;
	[tilespmem:$0x1E200] =	vst v63  }
0x128: {  	v3 =	vld [tilespmem:$0x130];
	_ =	sdelay $0x4  }
0x129: {  	v57 =	vshll.u32 v3, $0x1  }
0x12a: {  	v3 =	vand.u32 $0x7, v3;
	v4 =	vand.u32 $0xFFFFFFF0, v57  }
0x12b: {  	v3 =	vor.u32 v3, v4  }
0x12c: {  	v4 =	vperm.xlane v3, v0;
	_ =	sdelay $0x1  }
0x12d: {  	v3 =	vperm.xlane v3, v2;
	v4 =	vadd.s32 v1, v4;
	_ =	sdelay $0x1  }
0x12e: {  	v3 =	vadd.s32 v1, v3;
	_ =	sdelay $0x1  }
0x12f: {  	s18 =	simm.s32 $0x17200  }
0x130: {  	[tilespmem:s18], [sflag:$0x1] =	stream.indirect_vreg.gather [hbm4b:s3+s4], $0x80, v4, vm0, $0xb8;
	[tilespmem:$0x1E200] =	vst v63  }
0x131: {  	_ = 	snop  }
0x132: {  	[tilespmem:s19], [sflag:$0x1] =	stream.indirect_vreg.gather [hbm4b:s3+s4], $0x80, v3, vm0, $0xb8;
	[tilespmem:$0x1E200] =	vst v63  }
0x133: {  	v3 =	vld [tilespmem:$0x140];
	_ =	sdelay $0x4  }
0x134: {  	v58 =	vshll.u32 v3, $0x1  }
0x135: {  	v3 =	vand.u32 $0x7, v3;
	v4 =	vand.u32 $0xFFFFFFF0, v58  }
0x136: {  	v3 =	vor.u32 v3, v4  }
0x137: {  	v4 =	vperm.xlane v3, v0;
	_ =	sdelay $0x1  }
0x138: {  	v3 =	vperm.xlane v3, v2;
	v4 =	vadd.s32 v1, v4;
	_ =	sdelay $0x1  }
0x139: {  	v3 =	vadd.s32 v1, v3;
	_ =	sdelay $0x2  }
0x13a: {  	[tilespmem:s20], [sflag:$0x1] =	stream.indirect_vreg.gather [hbm4b:s3+s4], $0x80, v4, vm0, $0xb8;
	[tilespmem:$0x1E200] =	vst v63  }
0x13b: {  	_ = 	snop  }
0x13c: {  	[tilespmem:s21], [sflag:$0x1] =	stream.indirect_vreg.gather [hbm4b:s3+s4], $0x80, v3, vm0, $0xb8;
	[tilespmem:$0x1E200] =	vst v63  }
0x13d: {  	v3 =	vld [tilespmem:$0x150];
	_ =	sdelay $0x4  }
0x13e: {  	v59 =	vshll.u32 v3, $0x1  }
0x13f: {  	v3 =	vand.u32 $0x7, v3;
	v4 =	vand.u32 $0xFFFFFFF0, v59  }
0x140: {  	v3 =	vor.u32 v3, v4  }
0x141: {  	v4 =	vperm.xlane v3, v0;
	_ =	sdelay $0x1  }
0x142: {  	v3 =	vperm.xlane v3, v2;
	v4 =	vadd.s32 v1, v4;
	_ =	sdelay $0x1  }
0x143: {  	v3 =	vadd.s32 v1, v3;
	_ =	sdelay $0x2  }
0x144: {  	[tilespmem:s22], [sflag:$0x1] =	stream.indirect_vreg.gather [hbm4b:s3+s4], $0x80, v4, vm0, $0xb8;
	[tilespmem:$0x1E200] =	vst v63  }
0x145: {  	_ = 	snop  }
0x146: {  	[tilespmem:s23], [sflag:$0x1] =	stream.indirect_vreg.gather [hbm4b:s3+s4], $0x80, v3, vm0, $0xb8;
	[tilespmem:$0x1E200] =	vst v63  }
0x147: {  	v3 =	vld [tilespmem:$0x160];
	_ =	sdelay $0x4  }
0x148: {  	v60 =	vshll.u32 v3, $0x1  }
0x149: {  	v3 =	vand.u32 $0x7, v3;
	v4 =	vand.u32 $0xFFFFFFF0, v60  }
0x14a: {  	v3 =	vor.u32 v3, v4  }
0x14b: {  	v4 =	vperm.xlane v3, v0;
	_ =	sdelay $0x1  }
0x14c: {  	v3 =	vperm.xlane v3, v2;
	v4 =	vadd.s32 v1, v4;
	_ =	sdelay $0x1  }
0x14d: {  	v3 =	vadd.s32 v1, v3;
	_ =	sdelay $0x2  }
0x14e: {  	[tilespmem:s24], [sflag:$0x1] =	stream.indirect_vreg.gather [hbm4b:s3+s4], $0x80, v4, vm0, $0xb8;
	[tilespmem:$0x1E200] =	vst v63  }
0x14f: {  	_ = 	snop  }
0x150: {  	[tilespmem:s25], [sflag:$0x1] =	stream.indirect_vreg.gather [hbm4b:s3+s4], $0x80, v3, vm0, $0xb8;
	[tilespmem:$0x1E200] =	vst v63  }
0x151: {  	v3 =	vld [tilespmem:$0x170];
	_ =	sdelay $0x4  }
0x152: {  	v61 =	vshll.u32 v3, $0x1  }
0x153: {  	v3 =	vand.u32 $0x7, v3;
	v4 =	vand.u32 $0xFFFFFFF0, v61  }
0x154: {  	v3 =	vor.u32 v3, v4  }
0x155: {  	v4 =	vperm.xlane v3, v0;
	_ =	sdelay $0x1  }
0x156: {  	v3 =	vperm.xlane v3, v2;
	v4 =	vadd.s32 v1, v4;
	_ =	sdelay $0x1  }
0x157: {  	v3 =	vadd.s32 v1, v3;
	_ =	sdelay $0x2  }
0x158: {  	[tilespmem:s26], [sflag:$0x1] =	stream.indirect_vreg.gather [hbm4b:s3+s4], $0x80, v4, vm0, $0xb8;
	[tilespmem:$0x1E200] =	vst v63  }
0x159: {  	_ = 	snop  }
0x15a: {  	[tilespmem:s28], [sflag:$0x1] =	stream.indirect_vreg.gather [hbm4b:s3+s4], $0x80, v3, vm0, $0xb8;
	[tilespmem:$0x1E200] =	vst v63  }
0x15b: {  	v3 =	vld [tilespmem:$0x180];
	_ =	sdelay $0x4  }
0x15c: {  	v62 =	vshll.u32 v3, $0x1  }
0x15d: {  	v3 =	vand.u32 $0x7, v3;
	v4 =	vand.u32 $0xFFFFFFF0, v62  }
0x15e: {  	v3 =	vor.u32 v3, v4  }
0x15f: {  	v4 =	vperm.xlane v3, v0;
	_ =	sdelay $0x1  }
0x160: {  	v3 =	vperm.xlane v3, v2;
	v4 =	vadd.s32 v1, v4;
	_ =	sdelay $0x1  }
0x161: {  	v3 =	vadd.s32 v1, v3;
	_ =	sdelay $0x2  }
0x162: {  	[tilespmem:s29], [sflag:$0x1] =	stream.indirect_vreg.gather [hbm4b:s3+s4], $0x80, v4, vm0, $0xb8;
	[tilespmem:$0x1E200] =	vst v63  }
0x163: {  	_ = 	snop  }
0x164: {  	[tilespmem:s30], [sflag:$0x1] =	stream.indirect_vreg.gather [hbm4b:s3+s4], $0x80, v3, vm0, $0xb8;
	[tilespmem:$0x1E200] =	vst v63  }
0x165: {  	v3 =	vld [tilespmem:$0x190];
	_ =	sdelay $0x4  }
0x166: {  	v63 =	vshll.u32 v3, $0x1  }
0x167: {  	v3 =	vand.u32 $0x7, v3;
	v4 =	vand.u32 $0xFFFFFFF0, v63  }
0x168: {  	v3 =	vor.u32 v3, v4  }
0x169: {  	v4 =	vperm.xlane v3, v0;
	_ =	sdelay $0x1  }
0x16a: {  	v3 =	vperm.xlane v3, v2;
	v4 =	vadd.s32 v1, v4;
	_ =	sdelay $0x1  }
0x16b: {  	v3 =	vadd.s32 v1, v3;
	_ =	sdelay $0x2  }
0x16c: {  	[tilespmem:s31], [sflag:$0x1] =	stream.indirect_vreg.gather [hbm4b:s3+s4], $0x80, v4, vm0, $0xb8;
	[tilespmem:$0x1E200] =	vst v63  }
0x16d: {  	_ = 	snop  }
0x16e: {  	[tilespmem:s0], [sflag:$0x1] =	stream.indirect_vreg.gather [hbm4b:s3+s4], $0x80, v3, vm0, $0xb8;
	[tilespmem:$0x1E200] =	vst v63  }
0x16f: {  	_ =	swait.ge [sflag:s2], $0xA000  }
0x170: {  	[sflag:s2] =	ssyncset.done $0x0  }
0x171: {  	[sflag:s2] =	ssyncadd.s32 $0xFFFF6000  }
0x172: {  	_ =	swait.ge [sflag:s2], $0xA000  }
0x173: {  	[sflag:s2] =	ssyncset.done $0x0  }
0x174: {  	[sflag:s2] =	ssyncadd.s32 $0xFFFF6000  }
0x175: {  	_ =	swait.ge [sflag:s2], $0xA000  }
0x176: {  	[sflag:s2] =	ssyncset.done $0x0  }
0x177: {  	s18 =	sadd.s32 s17, s7;
	[sflag:s2] =	ssyncadd.s32 $0xFFFF6000  }
0x178: {  	[hbm4b:s18+s4] =	stream.linear.scatter [tilespmem:s15], [sflag:$0x3], $0xA000, $0x38;
	[tilespmem:$0x1E200] =	vst v63  }
0x179: {  	_ =	swait.ge [sflag:s13], $0xA000  }
0x17a: {  	[sflag:s13] =	ssyncset.done $0x0  }
0x17b: {  	s18 =	sadd.s32 s17, s8;
	[sflag:s13] =	ssyncadd.s32 $0xFFFF6000  }
0x17c: {  	[hbm4b:s18+s4] =	stream.linear.scatter [tilespmem:s11], [sflag:$0x3], $0xA000, $0x38;
	[tilespmem:$0x1E200] =	vst v63  }
0x17d: {  	_ =	swait.ge [sflag:s13], $0xA000  }
0x17e: {  	[sflag:s13] =	ssyncset.done $0x0  }
.Ltmp5:
0x17f: {  	s18 =	sadd.s32 s17, s10;
	[sflag:s13] =	ssyncadd.s32 $0xFFFF6000;
	(pc) =	sbr.rel .LBB2_4-.Ltmp5, $4  }
0x180: {  	[hbm4b:s18+s4] =	stream.linear.scatter [tilespmem:s6], [sflag:$0x2], $0xA000, $0x38;
	[tilespmem:$0x1E200] =	vst v63  }
0x181: {  	_ =	swait.ge [sflag:s9], $0xA000  }
0x182: {  	[sflag:s9] =	ssyncset.done $0x0  }
0x183: {  	[sflag:s9] =	ssyncadd.s32 $0xFFFF6000  }
.LBB2_6:
0x184: {  	_ =	sfence.sel $0x180000  }
0x185: {  	[bflag:$0x0] =	sbarrier.arrive $0xFFFF  }
0x186: {  	_ =	strace $0x90000047  }
0x187: {  	s0 =	stileid.u32;
	[bflag:$0x2] =	sbarrier.arrive $0xFFFF  }
0x188: {  	p0 =	sne.s32 s0, $0x0;
	s0 =	rddreg [dreg:$0x3]  }
0x189: {  	s0 =	sadd.s32 @!p0 $0x100000, s0  }
0x18a: {  	[sflag:s0] =	ssyncadd.tile.s32 @!p0 $0x1;
	_ =	shalt  }
.Lfunc_end2:
_tile_overlayer_lowered:
.L_overlay_start_2:
0x18b: {  	(tag) =	ssettag $0x2  }
0x18c: {  	s0 =	rddreg [dreg:$0x0];
	s2 =	stileid.u32  }
0x18d: {  	s1 =	rddreg [dreg:$0x1];
	p0 =	sne.s32 s2, $0x0  }
0x18e: {  	s3 =	rddreg [dreg:$0x2];
	[bflag:$0x3] =	sbarrier.arrive $0xFFFF;
	s2 =	simm.s32 @!p0 $0x1C02  }
0x18f: {  	[timem:s3], [sflag:s2] =	dma.local @!p0 [hbm:s0], s1  }
0x190: {  	s0 =	simm.s32 @!p0 $0x2  }
0x191: {  	_ =	swait.ge @!p0 [sflag:s0], s1  }
0x192: {  	s1 =	ssub.s32 @!p0 $0x0, s1;
	[sflag:s0] =	ssyncset.done @!p0 $0x0  }
0x193: {  	[sflag:s0] =	ssyncadd.s32 @!p0 s1  }
0x194: {  	[bflag:$0x3] =	sbarrier.arrive $0xFFFF  }
0x195: {  	_ =	shalt  }

// kernel: kernel.15.cloned.1.call-start
scs
__scs_entry_jumppad:
0x0: {  	(pc) =	sbr.rel $0x88, $3  }
0x1: {  	(tag) =	ssettag $0x0;
	lr =	simm.s32 $0x1  }
0x2: {  	[smem:$0x3F84] =	sst lr;
	_ =	strace $0xD0000000  }
0x3: {  	_ = 	snop  }
0x4: {  	_ = 	snop  }
0x5: {  	_ = 	snop  }
0x6: {  	_ = 	snop  }
0x7: {  	_ = 	snop  }
__scs_overlays_trampoline_lowered:
0x8: {  	[smem:$0x3F93] =	sst s0  }
0x9: {  	[smem:$0x3F94] =	sst s1  }
0xa: {  	[smem:$0x3F95] =	sst s2  }
0xb: {  	[smem:$0x3F96] =	sst s3  }
0xc: {  	[smem:$0x3F97] =	sst s4  }
0xd: {  	[smem:$0x3F98] =	sst s5  }
0xe: {  	[smem:$0x3F99] =	sst s6  }
0xf: {  	[smem:$0x3F9A] =	sst s7  }
0x10: {  	[smem:$0x3F9B] =	sst s8  }
0x11: {  	[smem:$0x3F9C] =	sst s9;
	s0 =	simm.s32 @!p0 $0x0  }
0x12: {  	s1 =	sld [smem:$0x3F82];
	s0 =	simm.s32 @p0 $0x1  }
0x13: {  	[smem:$0x3F9D] =	sst s0;
	s0 =	simm.s32 @!p1 $0x0  }
0x14: {  	s2 =	sld [smem:$0x3F81];
	s0 =	simm.s32 @p1 $0x1  }
0x15: {  	[smem:$0x3F9E] =	sst s0;
	s0 =	simm.s32 @!p2 $0x0  }
0x16: {  	s3 =	sld [smem:$0x3FDB];
	s0 =	simm.s32 @p2 $0x1  }
0x17: {  	s4 =	simm.s32 $0x1BF5;
	[smem:$0x3FA0] =	sst s0  }
0x18: {  	s0 =	sld [smem:$0x3F83];
	_ =	swait.ge [sflag:s4], $0x0  }
0x19: {  	s7 =	sld [smem:$0x3F84]  }
0x1a: {  	s8 =	sadd.s32 $0xFFFFE003, lr  }
0x1b: {  	s9 =	sadd.s32 $0xFFFFFEF7, lr;
	s5 =	simm.s32 $0xFFFFFFFF;
	p2 =	slt.u32 s8, $0xFFFFF086  }
0x1c: {  	p1 =	slt.u32 s9, $0xF7A;
	s5 =	simm.s32 @!p2 $0x0  }
0x1d: {  	s5 =	simm.s32 @p1 $0x1;
	p0 =	seq.s32 s7, s2  }
0x1e: {  	s7 =	smul.u32 @!p0 $0xF7A, s2;
	p2 =	seq.s32 @!p0 s5, $0x0  }
0x1f: {  	s9 =	smul.u32 $0xF7A, s1;
	s8 =	simm.s32 @!p0 $0x1BF5;
	p2 =	por !p2, p0  }
0x20: {  	[sflag:s8] =	ssyncset.s32 @!p0 $0xFFFFF086;
	s6 =	sadd.s32 @!p0 s3, s7;
	s7 =	simm.s32 @!p0 $0x108  }
0x21: {  	s3 =	sadd.s32 s3, s9;
	s6 =	sadd.s32 @!p0 $0x88, s6;
	s7 =	simm.s32 @p2 $0x1082  }
0x22: {  	[simem:s7], [sflag:s8] =	dma.local @!p0 [hbm:s6], $0xF7A  }
0x23: {  	s9 =	sor.u32 $0xD0000000, s2;
	s6 =	simm.s32 $0x108;
	_ =	swait.ge @!p0 [sflag:s8], $0x0  }
0x24: {  	s3 =	sadd.s32 $0x88, s3;
	s6 =	simm.s32 @!p1 $0x1082;
	[sflag:s4] =	ssyncset.s32 $0xFFFFF086  }
0x25: {  	[simem:s6], [sflag:s4] =	dma.local [hbm:s3], $0xF7A  }
0x26: {  	[smem:$0x3F84] =	sst s1;
	(tag) =	ssettag s2;
	_ =	strace s9  }
0x27: {  	s1 =	sld [smem:$0x3F94]  }
0x28: {  	s2 =	sld [smem:$0x3F95]  }
0x29: {  	s4 =	sld [smem:$0x3F97]  }
0x2a: {  	p0 =	seq.s32 s5, $0x0;
	s5 =	sld [smem:$0x3F98]  }
0x2b: {  	s6 =	sld [smem:$0x3F99]  }
0x2c: {  	s7 =	sld [smem:$0x3F9A]  }
0x2d: {  	s3 =	simm.s32 $0x108;
	s8 =	sld [smem:$0x3F9B]  }
0x2e: {  	s3 =	simm.s32 @!p0 $0x1082;
	s9 =	sld [smem:$0x3F9C]  }
0x2f: {  	lr =	sadd.s32 s0, s3;
	s0 =	sld [smem:$0x3F93]  }
0x30: {  	s3 =	sld [smem:$0x3F96]  }
0x31: {  	[smem:$0x3F9F] =	sst s10  }
0x32: {  	s10 =	sld [smem:$0x3F9D];
	_ =	sdelay $0x3  }
0x33: {  	p0 =	seq.s32 s10, $0x1;
	s10 =	sld [smem:$0x3F9F];
	_ =	sdelay $0x3  }
0x34: {  	[smem:$0x3F9F] =	sst s10  }
0x35: {  	s10 =	sld [smem:$0x3F9E];
	_ =	sdelay $0x3  }
0x36: {  	p1 =	seq.s32 s10, $0x1;
	s10 =	sld [smem:$0x3F9F];
	_ =	sdelay $0x3  }
0x37: {  	[smem:$0x3F9F] =	sst s10  }
0x38: {  	s10 =	sld [smem:$0x3FA0]  }
0x39: {  	_ = 	snop;
	(pc) =	sbr.ind lr, $3  }
0x3a: {  	_ = 	snop  }
0x3b: {  	_ = 	snop  }
0x3c: {  	p2 =	seq.s32 s10, $0x1;
	s10 =	sld [smem:$0x3F9F]  }
0x3d: {  	_ =	shalt  }
0x3e: {  	_ =	shalt  }
0x3f: {  	_ =	shalt  }
0x40: {  	_ =	shalt  }
0x41: {  	_ =	shalt  }
0x42: {  	_ =	shalt  }
0x43: {  	_ =	shalt  }
0x44: {  	_ =	shalt  }
0x45: {  	_ =	shalt  }
0x46: {  	_ =	shalt  }
0x47: {  	_ =	shalt  }
0x48: {  	_ =	shalt  }
0x49: {  	_ =	shalt  }
0x4a: {  	_ =	shalt  }
0x4b: {  	_ =	shalt  }
0x4c: {  	_ =	shalt  }
0x4d: {  	_ =	shalt  }
0x4e: {  	_ =	shalt  }
0x4f: {  	_ =	shalt  }
0x50: {  	_ =	shalt  }
0x51: {  	_ =	shalt  }
0x52: {  	_ =	shalt  }
0x53: {  	_ =	shalt  }
0x54: {  	_ =	shalt  }
0x55: {  	_ =	shalt  }
0x56: {  	_ =	shalt  }
0x57: {  	_ =	shalt  }
0x58: {  	_ =	shalt  }
0x59: {  	_ =	shalt  }
0x5a: {  	_ =	shalt  }
0x5b: {  	_ =	shalt  }
0x5c: {  	_ =	shalt  }
0x5d: {  	_ =	shalt  }
0x5e: {  	_ =	shalt  }
0x5f: {  	_ =	shalt  }
0x60: {  	_ =	shalt  }
0x61: {  	_ =	shalt  }
0x62: {  	_ =	shalt  }
0x63: {  	_ =	shalt  }
0x64: {  	_ =	shalt  }
0x65: {  	_ =	shalt  }
0x66: {  	_ =	shalt  }
0x67: {  	_ =	shalt  }
0x68: {  	_ =	shalt  }
0x69: {  	_ =	shalt  }
0x6a: {  	_ =	shalt  }
0x6b: {  	_ =	shalt  }
0x6c: {  	_ =	shalt  }
0x6d: {  	_ =	shalt  }
0x6e: {  	_ =	shalt  }
0x6f: {  	_ =	shalt  }
0x70: {  	_ =	shalt  }
0x71: {  	_ =	shalt  }
0x72: {  	_ =	shalt  }
0x73: {  	_ =	shalt  }
0x74: {  	_ =	shalt  }
0x75: {  	_ =	shalt  }
0x76: {  	_ =	shalt  }
0x77: {  	_ =	shalt  }
0x78: {  	_ =	shalt  }
0x79: {  	_ =	shalt  }
0x7a: {  	_ =	shalt  }
0x7b: {  	_ =	shalt  }
0x7c: {  	_ =	shalt  }
0x7d: {  	_ =	shalt  }
0x7e: {  	_ =	shalt  }
0x7f: {  	_ =	shalt  }
0x80: {  	_ =	shalt  }
0x81: {  	_ =	shalt  }
0x82: {  	_ =	shalt  }
0x83: {  	_ =	shalt  }
0x84: {  	_ =	shalt  }
0x85: {  	_ =	shalt  }
0x86: {  	_ =	shalt  }
0x87: {  	_ =	shalt  }
.Lfunc_end0:
.L_simem_size_0:
called_computation.1_lowered:
.L_overlay_start_0:
0x88: {  	s2 =	sld [smem:$0x3FD9]  }
0x89: {  	s3 =	sld [smem:$0x3FFE];
	_ =	sdelay $0x1  }
0x8a: {  	s1 =	srdreg.scid  }
0x8b: {  	s0 =	sand.u32 $0x1, s1  }
0x8c: {  	s14 =	sshll.u32 s0, $0xA;
	s2 =	sadd.s32 s3, s2  }
0x8d: {  	s2 =	sadd.s32 s2, s14  }
0x8e: {  	[smem:$0x3FAB] =	sst s2  }
0x8f: {  	_ = 	snop  }
0x90: {  	s2 =	sld [smem:$0x3FD0];
	_ =	sdelay $0x2  }
0x91: {  	s15 =	simm.s32 $0xB;
	s4 =	simm.s32 $0x10  }
0x92: {  	[smem:s4], [sflag:s15] =	dma.local [hbm:s2], $0x1  }
0x93: {  	_ =	swait.eq [sflag:s15], $0x1  }
0x94: {  	[sflag:s15] =	ssyncset.done $0x0  }
0x95: {  	[sflag:s15] =	ssyncadd.s32 $0xFFFFFFFF  }
0x96: {  	s16 =	sld [smem:$0x10];
	(tm) =	ssettm $0x1  }
0x97: {  	s17 =	sld [smem:$0x3FFB];
	_ =	sdelay $0x3  }
0x98: {  	_ =	strace s17  }
0x99: {  	s3 =	sld [smem:$0x3FFC];
	_ =	sdelay $0x3  }
0x9a: {  	_ =	strace s3  }
0x9b: {  	s3 =	sld [smem:$0x3FFD];
	_ =	sdelay $0x3  }
0x9c: {  	_ =	strace s3  }
0x9d: {  	_ =	strace $0x8FFFFFFF  }
0x9e: {  	s18 =	sld [smem:$0x3FDB];
	_ =	sdelay $0x1  }
0x9f: {  	s19 =	simm.s32 $_scs_section_size  }
0xa0: {  	s5 =	simm.s32 $_size__tile_overlayer_lowered;
	s6 =	simm.s32 $_tile_overlayer_lowered  }
0xa1: {  	s22 =	simm.s32 $0x1BFF;
	s21 =	sshll.u32 s6, $0x1;
	s3 =	sadd.s32 s19, s18  }
0xa2: {  	s7 =	simm.s32 $0x0;
	s20 =	sshll.u32 s5, $0x1;
	s5 =	sadd.s32 s21, s3  }
0xa3: {  	[timem:s7], [sflag:s22] =	dma.local [hbm:s5], s20  }
0xa4: {  	_ =	swait.ge [sflag:s22], s20  }
0xa5: {  	s4 =	ssub.s32 $0x0, s20;
	[sflag:s22] =	ssyncset.done $0x0  }
0xa6: {  	[sflag:s22] =	ssyncadd.s32 s4;
	_ =	sdelay $0x1  }
0xa7: {  	s23 =	simm.s32 $0x1B8B  }
0xa8: {  	_ =	swait.ge [sflag:s23], $0x1  }
0xa9: {  	[sflag:s23] =	ssyncset.done $0x0  }
0xaa: {  	s25 =	simm.s32 $0x1B8E;
	s24 =	sld [smem:$0x3FFE];
	[sflag:s23] =	ssyncadd.s32 $0xFFFFFFFF  }
0xab: {  	s26 =	simm.s32 $execute0_lowered;
	[smem:$0x3FD2] =	sst s25  }
0xac: {  	s5 =	sshll.u32 s26, $0x1;
	_ =	strace $0x80000049;
	[dreg:$0x1] =	wrdreg $0xFFFFFFFF  }
0xad: {  	s28 =	simm.s32 $_size_execute0_lowered;
	s3 =	sadd.s32 s3, s5;
	[dreg:$0x0] =	wrdreg $0x0  }
0xae: {  	s5 =	sshll.u32 s28, $0x1;
	[dreg:$0x2] =	wrdreg s3  }
0xaf: {  	[dreg:$0x3] =	wrdreg s5  }
0xb0: {  	[dreg:$0x4] =	wrdreg $0xC0  }
0xb1: {  	_ =	task [dreg:s7], $0x5FFFF  }
0xb2: {  	[dreg:$0x1] =	wrdreg $0xFFFFFFFF  }
0xb3: {  	[dreg:$0x0] =	wrdreg $0x60  }
0xb4: {  	[dreg:$0x2] =	wrdreg s24  }
0xb5: {  	[dreg:$0x3] =	wrdreg s16  }
0xb6: {  	[dreg:$0x4] =	wrdreg $0xA1800  }
0xb7: {  	[dreg:$0x5] =	wrdreg $0x9  }
0xb8: {  	_ =	task.clear_ibuf [dreg:s7], $0x6FFFF;
	_ =	strace $0x90000049  }
0xb9: {  	s29 =	simm.s32 $0x9;
	_ =	strace $0x8000004B  }
0xba: {  	_ =	swait.ge [sflag:s29], $0x1  }
0xbb: {  	[sflag:s29] =	ssyncadd.s32 $0xFFFFFFFF  }
0xbc: {  	_ =	strace $0x9000004B  }
0xbd: {  	_ =	sfence  }
0xbe: {  	s30 =	sld [smem:$0x0];
	_ =	sdelay $0x2  }
0xbf: {  	s31 =	sshll.u32 s1, $0xD;
	s1 =	sshrl.u32 s1, $0x2  }
0xc0: {  	s3 =	sand.u32 $0x4000, s31;
	s1 =	sadd.s32 s1, s30  }
0xc1: {  	s0 =	sor.u32 s3, s0;
	s1 =	sshll.u32 s1, $0x11  }
0xc2: {  	s0 =	sor.u32 s1, s0  }
0xc3: {  	s0 =	sadd.s32 $0x8F2B, s0  }
0xc4: {  	[sflag:s0] =	ssyncadd.remote.s32 $0x1  }
0xc5: {  	_ =	sfence.sel $0xFFFF  }
0xc6: {  	[dreg:$0x0] =	wrdreg $0xFFFFFFFF;
	(pc) =	sbr.abs _section_cstart, $3  }
0xc7: {  	[dreg:$0x1] =	wrdreg $0xFFFFFFFF  }
0xc8: {  	_ =	task.clear_ibuf [dreg:s7], $0x2FFFF;
	_ =	strace $0x9FFFFFFF  }
0xc9: {  	(tm) =	ssettm $0x7FFFFFFF  }
tec
execute0_lowered:
.L_overlay_start_1:
0x0: {  	(tag) =	ssettag $0x1  }
0x1: {  	s3 =	rddreg [dreg:$0x0]  }
0x2: {  	s5 =	rddreg [dreg:$0x1]  }
0x3: {  	s1 =	rddreg [dreg:$0x2];
	s9 =	stileid.u32  }
0x4: {  	s0 =	rddreg [dreg:$0x3];
	s4 =	smul.u32 $0x2800, s9  }
0x5: {  	s2 =	simm.s32 $0x0;
	s6 =	srdreg.scid;
	s7 =	smul.u32 $0x50, s9  }
0x6: {  	[smem:$0x7FF] =	sst s2;
	s12 =	smul.u32 $0x4E000, s9  }
0x7: {  	s6 =	sand.u32 $0x1, s6;
	s28 =	sshll.u32 s9, $0x3;
	s15 =	smul.u32 $0x2700, s9  }
0x8: {  	p0 =	sne.s32 s9, $0x0;
	p1 =	sgt.u32 s9, $0x1;
	s11 =	smul.u32 $0x27100, s6  }
0x9: {  	s31 =	sshll.u32 s9, $0x6;
	_ =	strace $0x8000004A;
	s30 =	smul.u32 $0x1400, s6  }
0xa: {  	s26 =	ssub.s32 $0x2, s6;
	s6 =	smul.u32 $0x28, s6;
	s8 =	sadd.s32 s4, s3  }
0xb: {  	s7 =	sadd.s32 s7, s3;
	s10 =	sshrl.u32 s26, $0x1;
	s3 =	sadd.s32 $0x12AD200, s3  }
0xc: {  	s4 =	sshll.u32 s9, $0x1;
	s29 =	sshrl.u32 s12, $0x2;
	s12 =	simm.s32 $0x1  }
0xd: {  	s10 =	ssub.s32 s26, s10;
	s13 =	sadd.s32 s5, s11;
	s5 =	sor.u32 $0x2700, s28  }
0xe: {  	s11 =	sadd.s32 s29, s1;
	s8 =	sadd.s32 s30, s8;
	s7 =	sadd.s32 s6, s7  }
0xf: {  	s14 =	sshll.u32 s5, $0x7;
	s16 =	sshll.u32 s5, $0x4;
	s5 =	smax.u32 s10, $0x1  }
0x10: {  	s6 =	sadd.s32 $0x148000, s8;
	s7 =	sadd.s32 $0xA800, s7;
	s8 =	sshrl.u32 @!p0 s1, $0x3  }
0x11: {  	s9 =	sadd.s32 s15, s13;
	s10 =	sor.u32 $0x1C01, s31;
	s14 =	sadd.s32 s14, s1  }
0x12: {  	s11 =	sshrl.u32 s11, $0x3;
	s13 =	sadd.s32 @!p1 s16, s13;
	s14 =	sshrl.u32 @!p1 s14, $0x3  }
.LBB2_1:
0x13: {  	s15 =	simm.s32 @!p0 $0x1C01  }
0x14: {  	[spmem:s8], [sflag:s15] =	dma.local @!p0 [hbm:s3], $0x27100  }
0x15: {  	s15 =	simm.s32 @!p0 $0x1  }
0x16: {  	_ =	swait.ge @!p0 [sflag:s15], $0x27100  }
0x17: {  	s16 =	sadd.s32 $0x0, s4;
	[sflag:s15] =	ssyncset.done @!p0 $0x0  }
0x18: {  	p2 =	sgt.u32 s16, $0x1F3;
	[sflag:s15] =	ssyncadd.s32 @!p0 $0xFFFD8F00  }
0x19: {  	s16 =	simm.s32 @!p2 $0x0;
	s17 =	simm.s32 @!p2 $0x2;
	[bflag:$0x0] =	sbarrier.arrive $0xFFFF  }
0x1a: {  	[tilespmem:s16], [sflag:$0x2] =	stream.linear.gather @!p2 [hbm4b:s7+s16], $0x140, $0x38;
	[tilespmem:$0x1DA00] =	vst v63  }
0x1b: {  	_ =	swait.ge @!p2 [sflag:s17], $0x140  }
0x1c: {  	[sflag:s17] =	ssyncset.done @!p2 $0x0;
	p2 =	por p2, p2  }
0x1d: {  	[sflag:s17] =	ssyncadd.s32 @!p2 $0xFFFFFEC0;
	s19 =	simm.s32 @!p2 $0x180  }
0x1e: {  	[tilespmem:s19], [sflag:$0x2] =	stream.linear.gather @!p2 [hbm4b:s6+s16], $0xA000, $0x38;
	[tilespmem:$0x1DA00] =	vst v63  }
0x1f: {  	_ =	swait.ge @!p2 [sflag:s17], $0xA000  }
0x20: {  	s31 =	sadd.s32 $0x20, s4;
	[sflag:s17] =	ssyncset.done @!p2 $0x0  }
0x21: {  	s18 =	simm.s32 @!p2 $0x1;
	[sflag:s17] =	ssyncadd.s32 @!p2 $0xFFFF6000;
	s17 =	simm.s32 @!p2 $0x140  }
0x22: {  	[spmem:s1] =	stream.indirect.scatter.add.f32 @!p2 [tilespmem:s19], [sflag:$0x1], $0x80, s16, s17, $0xb8;
	[tilespmem:$0x1DA00] =	vst v63  }
0x23: {  	p3 =	sgt.u32 s31, $0x1F3;
	s15 =	simm.s32 $0x40;
	_ =	swait.ge @!p2 [sflag:s18], $0xA000  }
0x24: {  	s17 =	sadd.s32 $0x500, s7;
	s16 =	sadd.s32 $0x28000, s6;
	[sflag:s18] =	ssyncset.done @!p2 $0x0  }
.LBB2_2:
0x25: {  	s19 =	simm.s32 @!p3 $0x0;
	s20 =	simm.s32 @!p3 $0x2;
	[sflag:s18] =	ssyncadd.s32 @!p2 $0xFFFF6000  }
0x26: {  	[tilespmem:s19], [sflag:$0x2] =	stream.linear.gather @!p3 [hbm4b:s17+s19], $0x140, $0x38;
	[tilespmem:$0x1DA00] =	vst v63  }
0x27: {  	s21 =	smov.u32 s15;
	s15 =	sadd.s32 $0x20, s15;
	_ =	swait.ge @!p3 [sflag:s20], $0x140  }
0x28: {  	p2 =	por p3, p3;
	p4 =	sne.s32 s15, $0x200;
	[sflag:s20] =	ssyncset.done @!p3 $0x0  }
0x29: {  	s22 =	simm.s32 @!p2 $0x180;
	[sflag:s20] =	ssyncadd.s32 @!p2 $0xFFFFFEC0  }
0x2a: {  	[tilespmem:s22], [sflag:$0x2] =	stream.linear.gather @!p2 [hbm4b:s16+s19], $0xA000, $0x38;
	[tilespmem:$0x1DA00] =	vst v63  }
0x2b: {  	_ =	swait.ge @!p2 [sflag:s20], $0xA000  }
.Ltmp0:
0x2c: {  	[sflag:s20] =	ssyncset.done @!p2 $0x0;
	(pc) =	sbr.rel @p4 .LBB2_2-.Ltmp0, $4  }
0x2d: {  	s18 =	simm.s32 @!p2 $0x1;
	[sflag:s20] =	ssyncadd.s32 @!p2 $0xFFFF6000;
	s20 =	simm.s32 @!p2 $0x140  }
0x2e: {  	[spmem:s1] =	stream.indirect.scatter.add.f32 @!p2 [tilespmem:s22], [sflag:$0x1], $0x80, s19, s20, $0xb8;
	[tilespmem:$0x1DA00] =	vst v63  }
0x2f: {  	s17 =	sadd.s32 $0x500, s17;
	s19 =	sadd.s32 s21, s4;
	_ =	swait.ge @!p2 [sflag:s18], $0xA000  }
0x30: {  	s16 =	sadd.s32 $0x28000, s16;
	p3 =	sgt.u32 s19, $0x1F3;
	[sflag:s18] =	ssyncset.done @!p2 $0x0  }
0x31: {  	s15 =	simm.s32 @!p3 $0x0;
	s19 =	simm.s32 @!p3 $0x2;
	[sflag:s18] =	ssyncadd.s32 @!p2 $0xFFFF6000  }
0x32: {  	[tilespmem:s15], [sflag:$0x2] =	stream.linear.gather @!p3 [hbm4b:s17+s15], $0x140, $0x38;
	[tilespmem:$0x1DA00] =	vst v63  }
0x33: {  	_ =	swait.ge @!p3 [sflag:s19], $0x140  }
0x34: {  	p2 =	por p3, p3;
	[sflag:s19] =	ssyncset.done @!p3 $0x0  }
0x35: {  	s17 =	simm.s32 @!p2 $0x180;
	[sflag:s19] =	ssyncadd.s32 @!p2 $0xFFFFFEC0  }
0x36: {  	[tilespmem:s17], [sflag:$0x2] =	stream.linear.gather @!p2 [hbm4b:s16+s15], $0xA000, $0x38;
	[tilespmem:$0x1DA00] =	vst v63  }
0x37: {  	_ =	swait.ge @!p2 [sflag:s19], $0xA000  }
0x38: {  	[sflag:s19] =	ssyncset.done @!p2 $0x0  }
0x39: {  	s18 =	simm.s32 @!p2 $0x1;
	s16 =	simm.s32 @!p2 $0x140;
	[sflag:s19] =	ssyncadd.s32 @!p2 $0xFFFF6000  }
0x3a: {  	[spmem:s1] =	stream.indirect.scatter.add.f32 @!p2 [tilespmem:s17], [sflag:$0x1], $0x80, s15, s16, $0xb8;
	[tilespmem:$0x1DA00] =	vst v63  }
0x3b: {  	_ =	swait.ge @!p2 [sflag:s18], $0xA000  }
0x3c: {  	[sflag:s18] =	ssyncset.done @!p2 $0x0  }
0x3d: {  	[sflag:s18] =	ssyncadd.s32 @!p2 $0xFFFF6000  }
0x3e: {  	[bflag:$0x0] =	sbarrier.arrive $0xFFFF  }
0x3f: {  	[hbm:s9], [sflag:s10] =	dma.local [spmem:s11], $0x2700  }
0x40: {  	s2 =	sadd.s32 $0x1, s2;
	_ =	swait.ge [sflag:s12], $0x2700  }
0x41: {  	p2 =	sne.s32 s2, s5;
	[sflag:s12] =	ssyncset.done $0x0  }
.Ltmp1:
0x42: {  	s15 =	simm.s32 @!p1 $0x1;
	[sflag:s12] =	ssyncadd.s32 $0xFFFFD900;
	(pc) =	sbr.rel @p2 .LBB2_1-.Ltmp1, $4  }
0x43: {  	[hbm:s13], [sflag:s10] =	dma.local @!p1 [spmem:s14], $0x80  }
0x44: {  	_ =	swait.ge @!p1 [sflag:s15], $0x80  }
0x45: {  	[sflag:s15] =	ssyncset.done @!p1 $0x0  }
0x46: {  	[sflag:s15] =	ssyncadd.s32 @!p1 $0xFFFFFF80  }
0x47: {  	_ =	sfence.sel $0x180000  }
0x48: {  	[bflag:$0x0] =	sbarrier.arrive $0xFFFF  }
0x49: {  	_ =	strace $0x9000004A  }
0x4a: {  	s0 =	sadd.s32 @!p0 $0x100000, s0;
	[bflag:$0x2] =	sbarrier.arrive $0xFFFF  }
0x4b: {  	[sflag:s0] =	ssyncadd.tile.s32 @!p0 $0x1;
	_ =	shalt  }
.Lfunc_end2:
_tile_overlayer_lowered:
.L_overlay_start_2:
0x4c: {  	(tag) =	ssettag $0x2  }
0x4d: {  	s0 =	rddreg [dreg:$0x0];
	s2 =	stileid.u32  }
0x4e: {  	s1 =	rddreg [dreg:$0x1];
	p0 =	sne.s32 s2, $0x0  }
0x4f: {  	s3 =	rddreg [dreg:$0x2];
	[bflag:$0x3] =	sbarrier.arrive $0xFFFF;
	s2 =	simm.s32 @!p0 $0x1C01  }
0x50: {  	[timem:s3], [sflag:s2] =	dma.local @!p0 [hbm:s0], s1  }
0x51: {  	s0 =	simm.s32 @!p0 $0x1  }
0x52: {  	_ =	swait.ge @!p0 [sflag:s0], s1  }
0x53: {  	s1 =	ssub.s32 @!p0 $0x0, s1;
	[sflag:s0] =	ssyncset.done @!p0 $0x0  }
0x54: {  	[sflag:s0] =	ssyncadd.s32 @!p0 s1  }
0x55: {  	[bflag:$0x3] =	sbarrier.arrive $0xFFFF  }
0x56: {  	_ =	shalt  }

// kernel: kernel.18.cloned.1.call-start
scs
__scs_entry_jumppad:
0x0: {  	(pc) =	sbr.rel $0x88, $3  }
0x1: {  	(tag) =	ssettag $0x0;
	lr =	simm.s32 $0x1  }
0x2: {  	[smem:$0x3F84] =	sst lr;
	_ =	strace $0xD0000000  }
0x3: {  	_ = 	snop  }
0x4: {  	_ = 	snop  }
0x5: {  	_ = 	snop  }
0x6: {  	_ = 	snop  }
0x7: {  	_ = 	snop  }
__scs_overlays_trampoline_lowered:
0x8: {  	[smem:$0x3F93] =	sst s0  }
0x9: {  	[smem:$0x3F94] =	sst s1  }
0xa: {  	[smem:$0x3F95] =	sst s2  }
0xb: {  	[smem:$0x3F96] =	sst s3  }
0xc: {  	[smem:$0x3F97] =	sst s4  }
0xd: {  	[smem:$0x3F98] =	sst s5  }
0xe: {  	[smem:$0x3F99] =	sst s6  }
0xf: {  	[smem:$0x3F9A] =	sst s7  }
0x10: {  	[smem:$0x3F9B] =	sst s8  }
0x11: {  	[smem:$0x3F9C] =	sst s9;
	s0 =	simm.s32 @!p0 $0x0  }
0x12: {  	s1 =	sld [smem:$0x3F82];
	s0 =	simm.s32 @p0 $0x1  }
0x13: {  	[smem:$0x3F9D] =	sst s0;
	s0 =	simm.s32 @!p1 $0x0  }
0x14: {  	s2 =	sld [smem:$0x3F81];
	s0 =	simm.s32 @p1 $0x1  }
0x15: {  	[smem:$0x3F9E] =	sst s0;
	s0 =	simm.s32 @!p2 $0x0  }
0x16: {  	s3 =	sld [smem:$0x3FDB];
	s0 =	simm.s32 @p2 $0x1  }
0x17: {  	s4 =	simm.s32 $0x1BF5;
	[smem:$0x3FA0] =	sst s0  }
0x18: {  	s0 =	sld [smem:$0x3F83];
	_ =	swait.ge [sflag:s4], $0x0  }
0x19: {  	s7 =	sld [smem:$0x3F84]  }
0x1a: {  	s8 =	sadd.s32 $0xFFFFE003, lr  }
0x1b: {  	s9 =	sadd.s32 $0xFFFFFEF7, lr;
	s5 =	simm.s32 $0xFFFFFFFF;
	p2 =	slt.u32 s8, $0xFFFFF086  }
0x1c: {  	p1 =	slt.u32 s9, $0xF7A;
	s5 =	simm.s32 @!p2 $0x0  }
0x1d: {  	s5 =	simm.s32 @p1 $0x1;
	p0 =	seq.s32 s7, s2  }
0x1e: {  	s7 =	smul.u32 @!p0 $0xF7A, s2;
	p2 =	seq.s32 @!p0 s5, $0x0  }
0x1f: {  	s9 =	smul.u32 $0xF7A, s1;
	s8 =	simm.s32 @!p0 $0x1BF5;
	p2 =	por !p2, p0  }
0x20: {  	[sflag:s8] =	ssyncset.s32 @!p0 $0xFFFFF086;
	s6 =	sadd.s32 @!p0 s3, s7;
	s7 =	simm.s32 @!p0 $0x108  }
0x21: {  	s3 =	sadd.s32 s3, s9;
	s6 =	sadd.s32 @!p0 $0x88, s6;
	s7 =	simm.s32 @p2 $0x1082  }
0x22: {  	[simem:s7], [sflag:s8] =	dma.local @!p0 [hbm:s6], $0xF7A  }
0x23: {  	s9 =	sor.u32 $0xD0000000, s2;
	s6 =	simm.s32 $0x108;
	_ =	swait.ge @!p0 [sflag:s8], $0x0  }
0x24: {  	s3 =	sadd.s32 $0x88, s3;
	s6 =	simm.s32 @!p1 $0x1082;
	[sflag:s4] =	ssyncset.s32 $0xFFFFF086  }
0x25: {  	[simem:s6], [sflag:s4] =	dma.local [hbm:s3], $0xF7A  }
0x26: {  	[smem:$0x3F84] =	sst s1;
	(tag) =	ssettag s2;
	_ =	strace s9  }
0x27: {  	s1 =	sld [smem:$0x3F94]  }
0x28: {  	s2 =	sld [smem:$0x3F95]  }
0x29: {  	s4 =	sld [smem:$0x3F97]  }
0x2a: {  	p0 =	seq.s32 s5, $0x0;
	s5 =	sld [smem:$0x3F98]  }
0x2b: {  	s6 =	sld [smem:$0x3F99]  }
0x2c: {  	s7 =	sld [smem:$0x3F9A]  }
0x2d: {  	s3 =	simm.s32 $0x108;
	s8 =	sld [smem:$0x3F9B]  }
0x2e: {  	s3 =	simm.s32 @!p0 $0x1082;
	s9 =	sld [smem:$0x3F9C]  }
0x2f: {  	lr =	sadd.s32 s0, s3;
	s0 =	sld [smem:$0x3F93]  }
0x30: {  	s3 =	sld [smem:$0x3F96]  }
0x31: {  	[smem:$0x3F9F] =	sst s10  }
0x32: {  	s10 =	sld [smem:$0x3F9D];
	_ =	sdelay $0x3  }
0x33: {  	p0 =	seq.s32 s10, $0x1;
	s10 =	sld [smem:$0x3F9F];
	_ =	sdelay $0x3  }
0x34: {  	[smem:$0x3F9F] =	sst s10  }
0x35: {  	s10 =	sld [smem:$0x3F9E];
	_ =	sdelay $0x3  }
0x36: {  	p1 =	seq.s32 s10, $0x1;
	s10 =	sld [smem:$0x3F9F];
	_ =	sdelay $0x3  }
0x37: {  	[smem:$0x3F9F] =	sst s10  }
0x38: {  	s10 =	sld [smem:$0x3FA0]  }
0x39: {  	_ = 	snop;
	(pc) =	sbr.ind lr, $3  }
0x3a: {  	_ = 	snop  }
0x3b: {  	_ = 	snop  }
0x3c: {  	p2 =	seq.s32 s10, $0x1;
	s10 =	sld [smem:$0x3F9F]  }
0x3d: {  	_ =	shalt  }
0x3e: {  	_ =	shalt  }
0x3f: {  	_ =	shalt  }
0x40: {  	_ =	shalt  }
0x41: {  	_ =	shalt  }
0x42: {  	_ =	shalt  }
0x43: {  	_ =	shalt  }
0x44: {  	_ =	shalt  }
0x45: {  	_ =	shalt  }
0x46: {  	_ =	shalt  }
0x47: {  	_ =	shalt  }
0x48: {  	_ =	shalt  }
0x49: {  	_ =	shalt  }
0x4a: {  	_ =	shalt  }
0x4b: {  	_ =	shalt  }
0x4c: {  	_ =	shalt  }
0x4d: {  	_ =	shalt  }
0x4e: {  	_ =	shalt  }
0x4f: {  	_ =	shalt  }
0x50: {  	_ =	shalt  }
0x51: {  	_ =	shalt  }
0x52: {  	_ =	shalt  }
0x53: {  	_ =	shalt  }
0x54: {  	_ =	shalt  }
0x55: {  	_ =	shalt  }
0x56: {  	_ =	shalt  }
0x57: {  	_ =	shalt  }
0x58: {  	_ =	shalt  }
0x59: {  	_ =	shalt  }
0x5a: {  	_ =	shalt  }
0x5b: {  	_ =	shalt  }
0x5c: {  	_ =	shalt  }
0x5d: {  	_ =	shalt  }
0x5e: {  	_ =	shalt  }
0x5f: {  	_ =	shalt  }
0x60: {  	_ =	shalt  }
0x61: {  	_ =	shalt  }
0x62: {  	_ =	shalt  }
0x63: {  	_ =	shalt  }
0x64: {  	_ =	shalt  }
0x65: {  	_ =	shalt  }
0x66: {  	_ =	shalt  }
0x67: {  	_ =	shalt  }
0x68: {  	_ =	shalt  }
0x69: {  	_ =	shalt  }
0x6a: {  	_ =	shalt  }
0x6b: {  	_ =	shalt  }
0x6c: {  	_ =	shalt  }
0x6d: {  	_ =	shalt  }
0x6e: {  	_ =	shalt  }
0x6f: {  	_ =	shalt  }
0x70: {  	_ =	shalt  }
0x71: {  	_ =	shalt  }
0x72: {  	_ =	shalt  }
0x73: {  	_ =	shalt  }
0x74: {  	_ =	shalt  }
0x75: {  	_ =	shalt  }
0x76: {  	_ =	shalt  }
0x77: {  	_ =	shalt  }
0x78: {  	_ =	shalt  }
0x79: {  	_ =	shalt  }
0x7a: {  	_ =	shalt  }
0x7b: {  	_ =	shalt  }
0x7c: {  	_ =	shalt  }
0x7d: {  	_ =	shalt  }
0x7e: {  	_ =	shalt  }
0x7f: {  	_ =	shalt  }
0x80: {  	_ =	shalt  }
0x81: {  	_ =	shalt  }
0x82: {  	_ =	shalt  }
0x83: {  	_ =	shalt  }
0x84: {  	_ =	shalt  }
0x85: {  	_ =	shalt  }
0x86: {  	_ =	shalt  }
0x87: {  	_ =	shalt  }
.Lfunc_end0:
.L_simem_size_0:
called_computation.2_lowered:
.L_overlay_start_0:
0x88: {  	s2 =	sld [smem:$0x3FD9]  }
0x89: {  	s3 =	sld [smem:$0x3FFE];
	_ =	sdelay $0x1  }
0x8a: {  	s1 =	srdreg.scid  }
0x8b: {  	s0 =	sand.u32 $0x1, s1  }
0x8c: {  	s15 =	sshll.u32 s0, $0xA;
	s2 =	sadd.s32 s3, s2  }
0x8d: {  	s2 =	sadd.s32 s2, s15  }
0x8e: {  	[smem:$0x3FAB] =	sst s2  }
0x8f: {  	_ = 	snop  }
0x90: {  	s2 =	sld [smem:$0x3FD0];
	_ =	sdelay $0x2  }
0x91: {  	s16 =	simm.s32 $0xB;
	s4 =	simm.s32 $0x10  }
0x92: {  	[smem:s4], [sflag:s16] =	dma.local [hbm:s2], $0x1  }
0x93: {  	_ =	swait.eq [sflag:s16], $0x1  }
0x94: {  	[sflag:s16] =	ssyncset.done $0x0  }
0x95: {  	[sflag:s16] =	ssyncadd.s32 $0xFFFFFFFF  }
0x96: {  	s17 =	sld [smem:$0x11];
	(tm) =	ssettm $0x1  }
0x97: {  	s18 =	sld [smem:$0x3FFB];
	_ =	sdelay $0x3  }
0x98: {  	_ =	strace s18  }
0x99: {  	s2 =	sld [smem:$0x3FFC];
	_ =	sdelay $0x3  }
0x9a: {  	_ =	strace s2  }
0x9b: {  	s2 =	sld [smem:$0x3FFD];
	_ =	sdelay $0x3  }
0x9c: {  	_ =	strace s2  }
0x9d: {  	_ =	strace $0x8FFFFFFF  }
0x9e: {  	s19 =	sld [smem:$0x3FDB];
	_ =	sdelay $0x1  }
0x9f: {  	s20 =	simm.s32 $_scs_section_size  }
0xa0: {  	s5 =	simm.s32 $_size__tile_overlayer_lowered;
	s6 =	simm.s32 $_tile_overlayer_lowered  }
0xa1: {  	s7 =	simm.s32 $0x1BFF;
	s21 =	sshll.u32 s6, $0x1;
	s4 =	sadd.s32 s20, s19  }
0xa2: {  	s22 =	simm.s32 $0x0;
	s5 =	sshll.u32 s5, $0x1;
	s6 =	sadd.s32 s21, s4  }
0xa3: {  	[timem:s22], [sflag:s7] =	dma.local [hbm:s6], s5  }
0xa4: {  	_ =	swait.ge [sflag:s7], s5  }
0xa5: {  	s5 =	ssub.s32 $0x0, s5;
	[sflag:s7] =	ssyncset.done $0x0  }
0xa6: {  	[sflag:s7] =	ssyncadd.s32 s5;
	_ =	sdelay $0x1  }
0xa7: {  	s23 =	simm.s32 $0x1B8B  }
0xa8: {  	_ =	swait.ge [sflag:s23], $0x1  }
0xa9: {  	[sflag:s23] =	ssyncset.done $0x0  }
0xaa: {  	[sflag:s23] =	ssyncadd.s32 $0xFFFFFFFF  }
0xab: {  	s5 =	sld [smem:$0x0]  }
0xac: {  	s6 =	sand.u32 $0xFFFFFFFE, s1  }
0xad: {  	p0 =	sne.s32 s1, s6  }
0xae: {  	s6 =	sshll.u32 @p0 s6, $0xE  }
0xaf: {  	s6 =	sadd.s32 @p0 $0x11B8D, s6;
	s7 =	sshll.u32 @p0 s5, $0x11  }
0xb0: {  	s6 =	sor.u32 @p0 s7, s6  }
0xb1: {  	[sflag:s6] =	ssyncadd.remote.s32 @p0 $0x1;
	_ =	sdelay $0x1  }
0xb2: {  	s6 =	simm.s32 @p0 $0x1B8D  }
0xb3: {  	_ =	swait.eq @p0 [sflag:s6], $0x1  }
0xb4: {  	[sflag:s6] =	ssyncadd.s32 @p0 $0xFFFFFFFF  }
0xb5: {  	s7 =	sshll.u32 @!p0 s1, $0xE  }
0xb6: {  	s7 =	sor.u32 @!p0 $0x4000, s7;
	s6 =	simm.s32 @!p0 $0x1B8D  }
0xb7: {  	s5 =	sshll.u32 @!p0 s5, $0x11;
	s7 =	sadd.s32 @!p0 $0x11B8D, s7;
	_ =	swait.eq @!p0 [sflag:s6], $0x1  }
0xb8: {  	s5 =	sor.u32 @!p0 s5, s7;
	[sflag:s6] =	ssyncadd.s32 @!p0 $0xFFFFFFFF  }
0xb9: {  	s25 =	simm.s32 $0x1B8E;
	s24 =	sld [smem:$0x3FFE];
	[sflag:s5] =	ssyncadd.remote.s32 @!p0 $0x1  }
0xba: {  	s26 =	simm.s32 $execute0_lowered;
	[smem:$0x3FD2] =	sst s25  }
0xbb: {  	s6 =	sshll.u32 s26, $0x1;
	_ =	strace $0x8000004C;
	[dreg:$0x1] =	wrdreg $0xFFFFFFFF  }
0xbc: {  	s28 =	simm.s32 $_size_execute0_lowered;
	s4 =	sadd.s32 s4, s6;
	[dreg:$0x0] =	wrdreg $0x0  }
0xbd: {  	s6 =	sshll.u32 s28, $0x1;
	[dreg:$0x2] =	wrdreg s4  }
0xbe: {  	[dreg:$0x3] =	wrdreg s6  }
0xbf: {  	[dreg:$0x4] =	wrdreg $0xC0  }
0xc0: {  	_ =	task [dreg:s22], $0x5FFFF  }
0xc1: {  	[dreg:$0x1] =	wrdreg $0xFFFFFFFF  }
0xc2: {  	[dreg:$0x0] =	wrdreg $0x60  }
0xc3: {  	[dreg:$0x2] =	wrdreg s24  }
0xc4: {  	[dreg:$0x3] =	wrdreg s17  }
0xc5: {  	[dreg:$0x4] =	wrdreg $0xA1800  }
0xc6: {  	[dreg:$0x5] =	wrdreg $0xA  }
0xc7: {  	_ =	task.clear_ibuf [dreg:s22], $0x6FFFF;
	_ =	strace $0x9000004C  }
0xc8: {  	s29 =	simm.s32 $0xA;
	_ =	strace $0x8000004E  }
0xc9: {  	_ =	swait.ge [sflag:s29], $0x1  }
0xca: {  	[sflag:s29] =	ssyncadd.s32 $0xFFFFFFFF  }
0xcb: {  	_ =	strace $0x9000004E  }
0xcc: {  	_ =	sfence  }
0xcd: {  	s30 =	sld [smem:$0x0];
	_ =	sdelay $0x2  }
0xce: {  	s31 =	sshll.u32 s1, $0xD;
	s1 =	sshrl.u32 s1, $0x2  }
0xcf: {  	s4 =	sand.u32 $0x4000, s31;
	s1 =	sadd.s32 s1, s30  }
0xd0: {  	s0 =	sor.u32 s4, s0;
	s1 =	sshll.u32 s1, $0x11  }
0xd1: {  	s0 =	sor.u32 s1, s0  }
0xd2: {  	s0 =	sadd.s32 $0x8F2B, s0  }
0xd3: {  	[sflag:s0] =	ssyncadd.remote.s32 $0x1  }
0xd4: {  	_ =	sfence.sel $0xFFFF  }
0xd5: {  	[dreg:$0x0] =	wrdreg $0xFFFFFFFF;
	(pc) =	sbr.abs _section_cstart, $3  }
0xd6: {  	[dreg:$0x1] =	wrdreg $0xFFFFFFFF  }
0xd7: {  	_ =	task.clear_ibuf [dreg:s22], $0x2FFFF;
	_ =	strace $0x9FFFFFFF  }
0xd8: {  	(tm) =	ssettm $0x7FFFFFFF  }
0xd9: {  	_ =	shalt  }
tec
execute0_lowered:
.L_overlay_start_1:
0x0: {  	(tag) =	ssettag $0x1  }
0x1: {  	s4 =	rddreg [dreg:$0x0]  }
0x2: {  	s6 =	rddreg [dreg:$0x1];
	s0 =	srdreg.scid  }
0x3: {  	s1 =	stileid.u32;
	s2 =	rddreg [dreg:$0x2]  }
0x4: {  	s3 =	simm.s32 $0x0;
	s14 =	simm.s32 $0x100;
	s7 =	smul.u32 $0x14000, s1  }
0x5: {  	s15 =	simm.s32 $0x80;
	s16 =	simm.s32 $0x1;
	s9 =	smul.u32 $0x28, s1  }
0x6: {  	s5 =	sand.u32 $0x1, s0;
	s0 =	rddreg [dreg:$0x3];
	s23 =	smul.u32 $0x4E000, s1  }
0x7: {  	[smem:$0x7FF] =	sst s3;
	s12 =	smul.u32 $0x27000, s1;
	s13 =	sshll.u32 s1, $0x3  }
0x8: {  	p0 =	sne.s32 s1, $0x0;
	s31 =	sshll.u32 s1, $0x6;
	p1 =	sgt.u32 s1, $0x1  }
0x9: {  	s8 =	sshll.u32 s5, $0xA;
	_ =	strace $0x8000004D;
	s5 =	ssub.s32 $0x2, s5  }
0xa: {  	s25 =	sor.u32 $0x2700, s13;
	s13 =	simm.s32 $0x8;
	s7 =	sor.u32 s8, s7  }
0xb: {  	s9 =	sadd.s32 s9, s4;
	s11 =	sshrl.u32 s5, $0x1;
	s24 =	sshrl.u32 s23, $0x2  }
0xc: {  	s28 =	sor.u32 s8, s12;
	s29 =	sshll.u32 s25, $0x8;
	s7 =	sshrl.u32 s7, $0x3  }
0xd: {  	s11 =	ssub.s32 s5, s11;
	s26 =	sadd.s32 s24, s2;
	s5 =	sshrl.u32 s28, $0x3  }
0xe: {  	s8 =	sor.u32 s8, s29;
	s10 =	sadd.s32 s7, s4;
	s4 =	sadd.s32 $0x12AD200, s4  }
0xf: {  	s7 =	sshll.u32 s25, $0x7;
	s5 =	sadd.s32 s6, s5;
	s30 =	sshrl.u32 s8, $0x3  }
0x10: {  	s8 =	sadd.s32 $0xA800, s9;
	s12 =	sshrl.u32 s26, $0x3;
	s17 =	sadd.s32 s7, s2  }
0x11: {  	s6 =	sadd.s32 s6, s30;
	s7 =	smax.u32 s11, $0x1;
	s9 =	sadd.s32 $0x3B9000, s10  }
0x12: {  	s10 =	sshrl.u32 @!p0 s2, $0x3;
	s11 =	sor.u32 $0x1C01, s31;
	s17 =	sshrl.u32 @!p1 s17, $0x3  }
.LBB2_1:
0x13: {  	s18 =	simm.s32 @!p0 $0x1C01  }
0x14: {  	[spmem:s10], [sflag:s18] =	dma.local @!p0 [hbm:s4], $0x27100  }
0x15: {  	s18 =	simm.s32 @!p0 $0x1  }
0x16: {  	_ =	swait.ge @!p0 [sflag:s18], $0x27100  }
0x17: {  	s19 =	sadd.s32 $0x0, s1;
	[sflag:s18] =	ssyncset.done @!p0 $0x0  }
0x18: {  	p2 =	sgt.u32 s19, $0x1F3;
	[sflag:s18] =	ssyncadd.s32 @!p0 $0xFFFD8F00  }
0x19: {  	s20 =	simm.s32 @!p2 $0x2;
	s18 =	simm.s32 @!p2 $0x0;
	[bflag:$0x0] =	sbarrier.arrive $0xFFFF  }
0x1a: {  	[tilespmem:s18], [sflag:$0x2] =	stream.linear.gather @!p2 [hbm4b:s8+s18], $0x140, $0x38;
	[tilespmem:$0x1DA00] =	vst v63  }
0x1b: {  	_ =	swait.ge @!p2 [sflag:s20], $0x140  }
0x1c: {  	s22 =	simm.s32 @!p2 $0x180;
	[sflag:s20] =	ssyncset.done @!p2 $0x0  }
0x1d: {  	s19 =	simm.s32 @!p2 $0x400;
	s21 =	simm.s32 @!p2 $0x800;
	[sflag:s20] =	ssyncadd.s32 @!p2 $0xFFFFFEC0  }
0x1e: {  	[tilespmem:s22], [sflag:$0x2] =	stream.strided.gather @!p2 [hbm4b:s9+s19], $0xA000, s21, s19, $0x38;
	[tilespmem:$0x1DA00] =	vst v63  }
0x1f: {  	p3 =	por p2, p2;
	_ =	swait.ge @!p2 [sflag:s20], $0xA000  }
0x20: {  	s31 =	sadd.s32 $0x10, s1;
	[sflag:s20] =	ssyncset.done @!p3 $0x0  }
0x21: {  	s21 =	simm.s32 @!p3 $0x1;
	[sflag:s20] =	ssyncadd.s32 @!p3 $0xFFFF6000;
	s20 =	simm.s32 @!p3 $0x140  }
0x22: {  	[spmem:s2] =	stream.indirect.scatter.add.f32 @!p3 [tilespmem:s22], [sflag:$0x1], $0x80, s18, s20, $0xb8;
	[tilespmem:$0x1DA00] =	vst v63  }
0x23: {  	s19 =	simm.s32 $0x20;
	p2 =	sgt.u32 s31, $0x1F3;
	_ =	swait.ge @!p3 [sflag:s21], $0xA000  }
0x24: {  	s18 =	sadd.s32 $0x28000, s9;
	s20 =	sadd.s32 $0x280, s8;
	[sflag:s21] =	ssyncset.done @!p3 $0x0  }
.LBB2_2:
0x25: {  	s22 =	simm.s32 @!p2 $0x0;
	s23 =	simm.s32 @!p2 $0x2;
	[sflag:s21] =	ssyncadd.s32 @!p3 $0xFFFF6000  }
0x26: {  	[tilespmem:s22], [sflag:$0x2] =	stream.linear.gather @!p2 [hbm4b:s20+s22], $0x140, $0x38;
	[tilespmem:$0x1DA00] =	vst v63  }
0x27: {  	s24 =	smov.u32 s19;
	s19 =	sadd.s32 $0x10, s19;
	_ =	swait.ge @!p2 [sflag:s23], $0x140  }
0x28: {  	s25 =	simm.s32 @!p2 $0x180;
	p4 =	sne.s32 s19, $0x200;
	[sflag:s23] =	ssyncset.done @!p2 $0x0  }
0x29: {  	s21 =	simm.s32 @!p2 $0x400;
	s26 =	simm.s32 @!p2 $0x800;
	[sflag:s23] =	ssyncadd.s32 @!p2 $0xFFFFFEC0  }
0x2a: {  	[tilespmem:s25], [sflag:$0x2] =	stream.strided.gather @!p2 [hbm4b:s18+s21], $0xA000, s26, s21, $0x38;
	[tilespmem:$0x1DA00] =	vst v63  }
0x2b: {  	p3 =	por p2, p2;
	_ =	swait.ge @!p2 [sflag:s23], $0xA000  }
.Ltmp0:
0x2c: {  	[sflag:s23] =	ssyncset.done @!p3 $0x0;
	(pc) =	sbr.rel @p4 .LBB2_2-.Ltmp0, $4  }
0x2d: {  	s21 =	simm.s32 @!p3 $0x1;
	[sflag:s23] =	ssyncadd.s32 @!p3 $0xFFFF6000;
	s23 =	simm.s32 @!p3 $0x140  }
0x2e: {  	[spmem:s2] =	stream.indirect.scatter.add.f32 @!p3 [tilespmem:s25], [sflag:$0x1], $0x80, s22, s23, $0xb8;
	[tilespmem:$0x1DA00] =	vst v63  }
0x2f: {  	s18 =	sadd.s32 $0x28000, s18;
	s22 =	sadd.s32 s24, s1;
	_ =	swait.ge @!p3 [sflag:s21], $0xA000  }
0x30: {  	s20 =	sadd.s32 $0x280, s20;
	p2 =	sgt.u32 s22, $0x1F3;
	[sflag:s21] =	ssyncset.done @!p3 $0x0  }
0x31: {  	s19 =	simm.s32 @!p2 $0x0;
	s22 =	simm.s32 @!p2 $0x2;
	[sflag:s21] =	ssyncadd.s32 @!p3 $0xFFFF6000  }
0x32: {  	[tilespmem:s19], [sflag:$0x2] =	stream.linear.gather @!p2 [hbm4b:s20+s19], $0x140, $0x38;
	[tilespmem:$0x1DA00] =	vst v63  }
0x33: {  	_ =	swait.ge @!p2 [sflag:s22], $0x140  }
0x34: {  	s21 =	simm.s32 @!p2 $0x400;
	[sflag:s22] =	ssyncset.done @!p2 $0x0  }
0x35: {  	s23 =	simm.s32 @!p2 $0x800;
	s20 =	simm.s32 @!p2 $0x180;
	[sflag:s22] =	ssyncadd.s32 @!p2 $0xFFFFFEC0  }
0x36: {  	[tilespmem:s20], [sflag:$0x2] =	stream.strided.gather @!p2 [hbm4b:s18+s21], $0xA000, s23, s21, $0x38;
	[tilespmem:$0x1DA00] =	vst v63  }
0x37: {  	_ =	swait.ge @!p2 [sflag:s22], $0xA000;
	p2 =	por p2, p2  }
0x38: {  	[sflag:s22] =	ssyncset.done @!p2 $0x0  }
0x39: {  	s18 =	simm.s32 @!p2 $0x140;
	s21 =	simm.s32 @!p2 $0x1;
	[sflag:s22] =	ssyncadd.s32 @!p2 $0xFFFF6000  }
0x3a: {  	[spmem:s2] =	stream.indirect.scatter.add.f32 @!p2 [tilespmem:s20], [sflag:$0x1], $0x80, s19, s18, $0xb8;
	[tilespmem:$0x1DA00] =	vst v63  }
0x3b: {  	_ =	swait.ge @!p2 [sflag:s21], $0xA000  }
0x3c: {  	[sflag:s21] =	ssyncset.done @!p2 $0x0  }
0x3d: {  	[sflag:s21] =	ssyncadd.s32 @!p2 $0xFFFF6000  }
0x3e: {  	[bflag:$0x0] =	sbarrier.arrive $0xFFFF  }
0x3f: {  	[hbm:s5@s14], [sflag:s11] =	dma.strided [spmem:s12@s15], $0x2700, s13, $0x10   }
0x40: {  	s3 =	sadd.s32 $0x1, s3;
	_ =	swait.ge [sflag:s16], $0x2700  }
0x41: {  	p2 =	sne.s32 s3, s7;
	[sflag:s16] =	ssyncset.done $0x0  }
.Ltmp1:
0x42: {  	s18 =	simm.s32 @!p1 $0x1;
	[sflag:s16] =	ssyncadd.s32 $0xFFFFD900;
	(pc) =	sbr.rel @p2 .LBB2_1-.Ltmp1, $4  }
0x43: {  	[hbm:s6], [sflag:s11] =	dma.local @!p1 [spmem:s17], $0x80  }
0x44: {  	_ =	swait.ge @!p1 [sflag:s18], $0x80  }
0x45: {  	[sflag:s18] =	ssyncset.done @!p1 $0x0  }
0x46: {  	[sflag:s18] =	ssyncadd.s32 @!p1 $0xFFFFFF80  }
0x47: {  	_ =	sfence.sel $0x180000  }
0x48: {  	[bflag:$0x0] =	sbarrier.arrive $0xFFFF  }
0x49: {  	_ =	strace $0x9000004D  }
0x4a: {  	s0 =	sadd.s32 @!p0 $0x100000, s0;
	[bflag:$0x2] =	sbarrier.arrive $0xFFFF  }
0x4b: {  	[sflag:s0] =	ssyncadd.tile.s32 @!p0 $0x1;
	_ =	shalt  }
.Lfunc_end2:
_tile_overlayer_lowered:
.L_overlay_start_2:
0x4c: {  	(tag) =	ssettag $0x2  }
0x4d: {  	s0 =	rddreg [dreg:$0x0];
	s2 =	stileid.u32  }
0x4e: {  	s1 =	rddreg [dreg:$0x1];
	p0 =	sne.s32 s2, $0x0  }
0x4f: {  	s3 =	rddreg [dreg:$0x2];
	[bflag:$0x3] =	sbarrier.arrive $0xFFFF;
	s2 =	simm.s32 @!p0 $0x1C01  }
0x50: {  	[timem:s3], [sflag:s2] =	dma.local @!p0 [hbm:s0], s1  }
0x51: {  	s0 =	simm.s32 @!p0 $0x1  }
0x52: {  	_ =	swait.ge @!p0 [sflag:s0], s1  }
0x53: {  	s1 =	ssub.s32 @!p0 $0x0, s1;
	[sflag:s0] =	ssyncset.done @!p0 $0x0  }
0x54: {  	[sflag:s0] =	ssyncadd.s32 @!p0 s1  }
0x55: {  	[bflag:$0x3] =	sbarrier.arrive $0xFFFF  }
0x56: {  	_ =	shalt  }

// kernel: kernel.21.cloned.1.call-start
scs
__scs_entry_jumppad:
0x0: {  	(pc) =	sbr.rel $0x88, $3  }
0x1: {  	(tag) =	ssettag $0x0;
	lr =	simm.s32 $0x1  }
0x2: {  	[smem:$0x3F84] =	sst lr;
	_ =	strace $0xD0000000  }
0x3: {  	_ = 	snop  }
0x4: {  	_ = 	snop  }
0x5: {  	_ = 	snop  }
0x6: {  	_ = 	snop  }
0x7: {  	_ = 	snop  }
__scs_overlays_trampoline_lowered:
0x8: {  	[smem:$0x3F93] =	sst s0  }
0x9: {  	[smem:$0x3F94] =	sst s1  }
0xa: {  	[smem:$0x3F95] =	sst s2  }
0xb: {  	[smem:$0x3F96] =	sst s3  }
0xc: {  	[smem:$0x3F97] =	sst s4  }
0xd: {  	[smem:$0x3F98] =	sst s5  }
0xe: {  	[smem:$0x3F99] =	sst s6  }
0xf: {  	[smem:$0x3F9A] =	sst s7  }
0x10: {  	[smem:$0x3F9B] =	sst s8  }
0x11: {  	[smem:$0x3F9C] =	sst s9;
	s0 =	simm.s32 @!p0 $0x0  }
0x12: {  	s1 =	sld [smem:$0x3F82];
	s0 =	simm.s32 @p0 $0x1  }
0x13: {  	[smem:$0x3F9D] =	sst s0;
	s0 =	simm.s32 @!p1 $0x0  }
0x14: {  	s2 =	sld [smem:$0x3F81];
	s0 =	simm.s32 @p1 $0x1  }
0x15: {  	[smem:$0x3F9E] =	sst s0;
	s0 =	simm.s32 @!p2 $0x0  }
0x16: {  	s3 =	sld [smem:$0x3FDB];
	s0 =	simm.s32 @p2 $0x1  }
0x17: {  	s4 =	simm.s32 $0x1BF5;
	[smem:$0x3FA0] =	sst s0  }
0x18: {  	s0 =	sld [smem:$0x3F83];
	_ =	swait.ge [sflag:s4], $0x0  }
0x19: {  	s7 =	sld [smem:$0x3F84]  }
0x1a: {  	s8 =	sadd.s32 $0xFFFFE003, lr  }
0x1b: {  	s9 =	sadd.s32 $0xFFFFFEF7, lr;
	s5 =	simm.s32 $0xFFFFFFFF;
	p2 =	slt.u32 s8, $0xFFFFF086  }
0x1c: {  	p1 =	slt.u32 s9, $0xF7A;
	s5 =	simm.s32 @!p2 $0x0  }
0x1d: {  	s5 =	simm.s32 @p1 $0x1;
	p0 =	seq.s32 s7, s2  }
0x1e: {  	s7 =	smul.u32 @!p0 $0xF7A, s2;
	p2 =	seq.s32 @!p0 s5, $0x0  }
0x1f: {  	s9 =	smul.u32 $0xF7A, s1;
	s8 =	simm.s32 @!p0 $0x1BF5;
	p2 =	por !p2, p0  }
0x20: {  	[sflag:s8] =	ssyncset.s32 @!p0 $0xFFFFF086;
	s6 =	sadd.s32 @!p0 s3, s7;
	s7 =	simm.s32 @!p0 $0x108  }
0x21: {  	s3 =	sadd.s32 s3, s9;
	s6 =	sadd.s32 @!p0 $0x88, s6;
	s7 =	simm.s32 @p2 $0x1082  }
0x22: {  	[simem:s7], [sflag:s8] =	dma.local @!p0 [hbm:s6], $0xF7A  }
0x23: {  	s9 =	sor.u32 $0xD0000000, s2;
	s6 =	simm.s32 $0x108;
	_ =	swait.ge @!p0 [sflag:s8], $0x0  }
0x24: {  	s3 =	sadd.s32 $0x88, s3;
	s6 =	simm.s32 @!p1 $0x1082;
	[sflag:s4] =	ssyncset.s32 $0xFFFFF086  }
0x25: {  	[simem:s6], [sflag:s4] =	dma.local [hbm:s3], $0xF7A  }
0x26: {  	[smem:$0x3F84] =	sst s1;
	(tag) =	ssettag s2;
	_ =	strace s9  }
0x27: {  	s1 =	sld [smem:$0x3F94]  }
0x28: {  	s2 =	sld [smem:$0x3F95]  }
0x29: {  	s4 =	sld [smem:$0x3F97]  }
0x2a: {  	p0 =	seq.s32 s5, $0x0;
	s5 =	sld [smem:$0x3F98]  }
0x2b: {  	s6 =	sld [smem:$0x3F99]  }
0x2c: {  	s7 =	sld [smem:$0x3F9A]  }
0x2d: {  	s3 =	simm.s32 $0x108;
	s8 =	sld [smem:$0x3F9B]  }
0x2e: {  	s3 =	simm.s32 @!p0 $0x1082;
	s9 =	sld [smem:$0x3F9C]  }
0x2f: {  	lr =	sadd.s32 s0, s3;
	s0 =	sld [smem:$0x3F93]  }
0x30: {  	s3 =	sld [smem:$0x3F96]  }
0x31: {  	[smem:$0x3F9F] =	sst s10  }
0x32: {  	s10 =	sld [smem:$0x3F9D];
	_ =	sdelay $0x3  }
0x33: {  	p0 =	seq.s32 s10, $0x1;
	s10 =	sld [smem:$0x3F9F];
	_ =	sdelay $0x3  }
0x34: {  	[smem:$0x3F9F] =	sst s10  }
0x35: {  	s10 =	sld [smem:$0x3F9E];
	_ =	sdelay $0x3  }
0x36: {  	p1 =	seq.s32 s10, $0x1;
	s10 =	sld [smem:$0x3F9F];
	_ =	sdelay $0x3  }
0x37: {  	[smem:$0x3F9F] =	sst s10  }
0x38: {  	s10 =	sld [smem:$0x3FA0]  }
0x39: {  	_ = 	snop;
	(pc) =	sbr.ind lr, $3  }
0x3a: {  	_ = 	snop  }
0x3b: {  	_ = 	snop  }
0x3c: {  	p2 =	seq.s32 s10, $0x1;
	s10 =	sld [smem:$0x3F9F]  }
0x3d: {  	_ =	shalt  }
0x3e: {  	_ =	shalt  }
0x3f: {  	_ =	shalt  }
0x40: {  	_ =	shalt  }
0x41: {  	_ =	shalt  }
0x42: {  	_ =	shalt  }
0x43: {  	_ =	shalt  }
0x44: {  	_ =	shalt  }
0x45: {  	_ =	shalt  }
0x46: {  	_ =	shalt  }
0x47: {  	_ =	shalt  }
0x48: {  	_ =	shalt  }
0x49: {  	_ =	shalt  }
0x4a: {  	_ =	shalt  }
0x4b: {  	_ =	shalt  }
0x4c: {  	_ =	shalt  }
0x4d: {  	_ =	shalt  }
0x4e: {  	_ =	shalt  }
0x4f: {  	_ =	shalt  }
0x50: {  	_ =	shalt  }
0x51: {  	_ =	shalt  }
0x52: {  	_ =	shalt  }
0x53: {  	_ =	shalt  }
0x54: {  	_ =	shalt  }
0x55: {  	_ =	shalt  }
0x56: {  	_ =	shalt  }
0x57: {  	_ =	shalt  }
0x58: {  	_ =	shalt  }
0x59: {  	_ =	shalt  }
0x5a: {  	_ =	shalt  }
0x5b: {  	_ =	shalt  }
0x5c: {  	_ =	shalt  }
0x5d: {  	_ =	shalt  }
0x5e: {  	_ =	shalt  }
0x5f: {  	_ =	shalt  }
0x60: {  	_ =	shalt  }
0x61: {  	_ =	shalt  }
0x62: {  	_ =	shalt  }
0x63: {  	_ =	shalt  }
0x64: {  	_ =	shalt  }
0x65: {  	_ =	shalt  }
0x66: {  	_ =	shalt  }
0x67: {  	_ =	shalt  }
0x68: {  	_ =	shalt  }
0x69: {  	_ =	shalt  }
0x6a: {  	_ =	shalt  }
0x6b: {  	_ =	shalt  }
0x6c: {  	_ =	shalt  }
0x6d: {  	_ =	shalt  }
0x6e: {  	_ =	shalt  }
0x6f: {  	_ =	shalt  }
0x70: {  	_ =	shalt  }
0x71: {  	_ =	shalt  }
0x72: {  	_ =	shalt  }
0x73: {  	_ =	shalt  }
0x74: {  	_ =	shalt  }
0x75: {  	_ =	shalt  }
0x76: {  	_ =	shalt  }
0x77: {  	_ =	shalt  }
0x78: {  	_ =	shalt  }
0x79: {  	_ =	shalt  }
0x7a: {  	_ =	shalt  }
0x7b: {  	_ =	shalt  }
0x7c: {  	_ =	shalt  }
0x7d: {  	_ =	shalt  }
0x7e: {  	_ =	shalt  }
0x7f: {  	_ =	shalt  }
0x80: {  	_ =	shalt  }
0x81: {  	_ =	shalt  }
0x82: {  	_ =	shalt  }
0x83: {  	_ =	shalt  }
0x84: {  	_ =	shalt  }
0x85: {  	_ =	shalt  }
0x86: {  	_ =	shalt  }
0x87: {  	_ =	shalt  }
.Lfunc_end0:
.L_simem_size_0:
called_computation.3_lowered:
.L_overlay_start_0:
0x88: {  	s2 =	sld [smem:$0x3FD9]  }
0x89: {  	s3 =	sld [smem:$0x3FFE];
	_ =	sdelay $0x1  }
0x8a: {  	s1 =	srdreg.scid  }
0x8b: {  	s0 =	sand.u32 $0x1, s1  }
0x8c: {  	s14 =	sshll.u32 s0, $0xA;
	s2 =	sadd.s32 s3, s2  }
0x8d: {  	s2 =	sadd.s32 s2, s14  }
0x8e: {  	[smem:$0x3FAB] =	sst s2  }
0x8f: {  	_ = 	snop  }
0x90: {  	s2 =	sld [smem:$0x3FD0];
	_ =	sdelay $0x2  }
0x91: {  	s15 =	simm.s32 $0xB;
	s4 =	simm.s32 $0x10  }
0x92: {  	[smem:s4], [sflag:s15] =	dma.local [hbm:s2], $0x1  }
0x93: {  	_ =	swait.eq [sflag:s15], $0x1  }
0x94: {  	[sflag:s15] =	ssyncset.done $0x0  }
0x95: {  	[sflag:s15] =	ssyncadd.s32 $0xFFFFFFFF  }
0x96: {  	s16 =	sld [smem:$0x11];
	(tm) =	ssettm $0x1  }
0x97: {  	s17 =	sld [smem:$0x3FFB];
	_ =	sdelay $0x3  }
0x98: {  	_ =	strace s17  }
0x99: {  	s3 =	sld [smem:$0x3FFC];
	_ =	sdelay $0x3  }
0x9a: {  	_ =	strace s3  }
0x9b: {  	s3 =	sld [smem:$0x3FFD];
	_ =	sdelay $0x3  }
0x9c: {  	_ =	strace s3  }
0x9d: {  	_ =	strace $0x8FFFFFFF  }
0x9e: {  	s18 =	sld [smem:$0x3FDB];
	_ =	sdelay $0x1  }
0x9f: {  	s19 =	simm.s32 $_scs_section_size  }
0xa0: {  	s5 =	simm.s32 $_size__tile_overlayer_lowered;
	s6 =	simm.s32 $_tile_overlayer_lowered  }
0xa1: {  	s22 =	simm.s32 $0x1BFF;
	s21 =	sshll.u32 s6, $0x1;
	s3 =	sadd.s32 s19, s18  }
0xa2: {  	s7 =	simm.s32 $0x0;
	s20 =	sshll.u32 s5, $0x1;
	s5 =	sadd.s32 s21, s3  }
0xa3: {  	[timem:s7], [sflag:s22] =	dma.local [hbm:s5], s20  }
0xa4: {  	_ =	swait.ge [sflag:s22], s20  }
0xa5: {  	s4 =	ssub.s32 $0x0, s20;
	[sflag:s22] =	ssyncset.done $0x0  }
0xa6: {  	[sflag:s22] =	ssyncadd.s32 s4;
	_ =	sdelay $0x1  }
0xa7: {  	s23 =	simm.s32 $0x1B8B  }
0xa8: {  	_ =	swait.ge [sflag:s23], $0x1  }
0xa9: {  	[sflag:s23] =	ssyncset.done $0x0  }
0xaa: {  	s25 =	simm.s32 $0x1B8E;
	s24 =	sld [smem:$0x3FFE];
	[sflag:s23] =	ssyncadd.s32 $0xFFFFFFFF  }
0xab: {  	s26 =	simm.s32 $execute0_lowered;
	[smem:$0x3FD2] =	sst s25  }
0xac: {  	s5 =	sshll.u32 s26, $0x1;
	_ =	strace $0x8000004F;
	[dreg:$0x1] =	wrdreg $0xFFFFFFFF  }
0xad: {  	s28 =	simm.s32 $_size_execute0_lowered;
	s3 =	sadd.s32 s3, s5;
	[dreg:$0x0] =	wrdreg $0x0  }
0xae: {  	s5 =	sshll.u32 s28, $0x1;
	[dreg:$0x2] =	wrdreg s3  }
0xaf: {  	[dreg:$0x3] =	wrdreg s5  }
0xb0: {  	[dreg:$0x4] =	wrdreg $0xC0  }
0xb1: {  	_ =	task [dreg:s7], $0x5FFFF  }
0xb2: {  	[dreg:$0x1] =	wrdreg $0xFFFFFFFF  }
0xb3: {  	[dreg:$0x0] =	wrdreg $0x60  }
0xb4: {  	[dreg:$0x2] =	wrdreg s16  }
0xb5: {  	[dreg:$0x3] =	wrdreg s24  }
0xb6: {  	[dreg:$0x4] =	wrdreg $0x9  }
0xb7: {  	_ =	task.clear_ibuf [dreg:s7], $0x5FFFF;
	_ =	strace $0x9000004F  }
0xb8: {  	s29 =	simm.s32 $0x9;
	_ =	strace $0x80000051  }
0xb9: {  	_ =	swait.ge [sflag:s29], $0x1  }
0xba: {  	[sflag:s29] =	ssyncadd.s32 $0xFFFFFFFF  }
0xbb: {  	_ =	strace $0x90000051  }
0xbc: {  	_ =	sfence  }
0xbd: {  	s30 =	sld [smem:$0x0];
	_ =	sdelay $0x2  }
0xbe: {  	s31 =	sshll.u32 s1, $0xD;
	s1 =	sshrl.u32 s1, $0x2  }
0xbf: {  	s3 =	sand.u32 $0x4000, s31;
	s1 =	sadd.s32 s1, s30  }
0xc0: {  	s0 =	sor.u32 s3, s0;
	s1 =	sshll.u32 s1, $0x11  }
0xc1: {  	s0 =	sor.u32 s1, s0  }
0xc2: {  	s0 =	sadd.s32 $0x8F2B, s0  }
0xc3: {  	[sflag:s0] =	ssyncadd.remote.s32 $0x1  }
0xc4: {  	_ =	sfence.sel $0xFFFF  }
0xc5: {  	[dreg:$0x0] =	wrdreg $0xFFFFFFFF;
	(pc) =	sbr.abs _section_cstart, $3  }
0xc6: {  	[dreg:$0x1] =	wrdreg $0xFFFFFFFF  }
0xc7: {  	_ =	task.clear_ibuf [dreg:s7], $0x2FFFF;
	_ =	strace $0x9FFFFFFF  }
0xc8: {  	(tm) =	ssettm $0x7FFFFFFF  }
0xc9: {  	_ =	shalt  }
tec
execute0_lowered:
.L_overlay_start_1:
0x0: {  	(tag) =	ssettag $0x1  }
0x1: {  	s1 =	rddreg [dreg:$0x0]  }
0x2: {  	s4 =	rddreg [dreg:$0x1]  }
0x3: {  	s0 =	rddreg [dreg:$0x2];
	s2 =	stileid.u32  }
0x4: {  	s6 =	srdreg.scid;
	s5 =	smul.u32 $0x64, s2  }
0x5: {  	s3 =	simm.s32 $0x0;
	s7 =	smul.u32 $0x3200, s2;
	s6 =	sand.u32 $0x1, s6  }
0x6: {  	[smem:$0x7FF] =	sst s3;
	s9 =	smul.u32 $0x1900, s6  }
0x7: {  	_ =	strace $0x80000050;
	s29 =	ssub.s32 $0x2, s6;
	s10 =	smul.u32 $0x32, s6  }
0x8: {  	s8 =	sadd.s32 s5, s4;
	s7 =	sadd.s32 s7, s4;
	s30 =	sshrl.u32 s29, $0x1  }
0x9: {  	s4 =	sshll.u32 s2, $0x1;
	s5 =	ssub.s32 s29, s30;
	s7 =	sadd.s32 s9, s7  }
0xa: {  	s31 =	sadd.s32 s10, s8;
	s5 =	smax.u32 s5, $0x1;
	s6 =	sadd.s32 $0x12AD200, s7  }
0xb: {  	s7 =	sadd.s32 $0xF800, s7;
	s8 =	sadd.s32 $0x5800, s31;
	s9 =	sadd.s32 $0xA800, s31  }
.LBB2_1:
0xc: {  	p0 =	sgt.u32 s4, $0x18F  }
0xd: {  	s11 =	simm.s32 @!p0 $0x0;
	s13 =	simm.s32 @!p0 $0x3;
	p0 =	por p0, p0  }
0xe: {  	[tilespmem:s11], [sflag:$0x3] =	stream.linear.gather @!p0 [hbm4b:s8+s11], $0x190, $0x38;
	[tilespmem:$0x19400] =	vst v63  }
0xf: {  	_ =	swait.ge @!p0 [sflag:s13], $0x190  }
0x10: {  	[sflag:s13] =	ssyncset.done @!p0 $0x0  }
0x11: {  	s10 =	simm.s32 @!p0 $0x200;
	[sflag:s13] =	ssyncadd.s32 @!p0 $0xFFFFFE70  }
0x12: {  	[tilespmem:s10], [sflag:$0x3] =	stream.linear.gather @!p0 [hbm4b:s9+s11], $0x190, $0x38;
	[tilespmem:$0x19400] =	vst v63  }
0x13: {  	_ =	swait.ge @!p0 [sflag:s13], $0x190  }
0x14: {  	[sflag:s13] =	ssyncset.done @!p0 $0x0  }
0x15: {  	s12 =	simm.s32 @!p0 $0x190;
	s14 =	simm.s32 @!p0 $0x400;
	[sflag:s13] =	ssyncadd.s32 @!p0 $0xFFFFFE70  }
0x16: {  	[tilespmem:s14], [sflag:$0x1] =	stream.indirect.gather @!p0 [hbm4b:s1+s12], $0x80, s11, s12, $0xb8;
	[tilespmem:$0x19400] =	vst v63  }
0x17: {  	s16 =	simm.s32 @!p0 $0xCC00;
	s15 =	simm.s32 @!p0 $0x1  }
0x18: {  	[tilespmem:s16], [sflag:$0x1] =	stream.indirect.gather @!p0 [hbm4b:s1+s12], $0x80, s10, s12, $0xb8;
	[tilespmem:$0x19400] =	vst v63  }
0x19: {  	_ =	swait.ge @!p0 [sflag:s15], $0xC800  }
0x1a: {  	[sflag:s15] =	ssyncset.done @!p0 $0x0  }
0x1b: {  	[sflag:s15] =	ssyncadd.s32 @!p0 $0xFFFF3800  }
0x1c: {  	_ =	swait.ge @!p0 [sflag:s15], $0xC800  }
0x1d: {  	[sflag:s15] =	ssyncset.done @!p0 $0x0  }
0x1e: {  	s10 =	sadd.s32 @!p0 $0x0, s6;
	[sflag:s15] =	ssyncadd.s32 @!p0 $0xFFFF3800  }
0x1f: {  	[hbm4b:s10+s11] =	stream.linear.scatter @!p0 [tilespmem:s14], [sflag:$0x3], $0xC800, $0x38;
	[tilespmem:$0x19400] =	vst v63  }
0x20: {  	_ =	swait.ge @!p0 [sflag:s13], $0xC800  }
0x21: {  	s12 =	simm.s32 $0x64000;
	s15 =	simm.s32 @!p0 $0x2;
	[sflag:s13] =	ssyncset.done @!p0 $0x0  }
0x22: {  	s14 =	sadd.s32 $0x20, s4;
	[sflag:s13] =	ssyncadd.s32 @!p0 $0xFFFF3800;
	s13 =	sadd.s32 @!p0 $0x0, s7  }
0x23: {  	[hbm4b:s13+s11] =	stream.linear.scatter @!p0 [tilespmem:s16], [sflag:$0x2], $0xC800, $0x38;
	[tilespmem:$0x19400] =	vst v63  }
0x24: {  	s10 =	simm.s32 $0x32000;
	p2 =	sgt.u32 s14, $0x18F;
	_ =	swait.ge @!p0 [sflag:s15], $0xC800  }
0x25: {  	s11 =	sadd.s32 $0x640, s9;
	s13 =	sadd.s32 $0x640, s8;
	[sflag:s15] =	ssyncset.done @!p0 $0x0  }
.LBB2_2:
0x26: {  	s16 =	simm.s32 @!p2 $0x0;
	s17 =	simm.s32 @!p2 $0x3;
	[sflag:s15] =	ssyncadd.s32 @!p0 $0xFFFF3800  }
0x27: {  	s15 =	smov.u32 s10;
	s10 =	smov.u32 s12;
	p0 =	por p2, p2  }
0x28: {  	[tilespmem:s16], [sflag:$0x3] =	stream.linear.gather @!p0 [hbm4b:s13+s16], $0x190, $0x38;
	[tilespmem:$0x19400] =	vst v63  }
0x29: {  	s12 =	sadd.s32 $0x32000, s12;
	_ =	swait.ge @!p0 [sflag:s17], $0x190  }
0x2a: {  	p1 =	sne.s32 s12, $0x28A000;
	[sflag:s17] =	ssyncset.done @!p0 $0x0  }
0x2b: {  	s18 =	simm.s32 @!p0 $0x200;
	[sflag:s17] =	ssyncadd.s32 @!p0 $0xFFFFFE70  }
0x2c: {  	[tilespmem:s18], [sflag:$0x3] =	stream.linear.gather @!p0 [hbm4b:s11+s16], $0x190, $0x38;
	[tilespmem:$0x19400] =	vst v63  }
0x2d: {  	_ =	swait.ge @!p0 [sflag:s17], $0x190  }
0x2e: {  	[sflag:s17] =	ssyncset.done @!p0 $0x0  }
0x2f: {  	s19 =	simm.s32 @!p0 $0x190;
	s20 =	simm.s32 @!p0 $0x400;
	[sflag:s17] =	ssyncadd.s32 @!p0 $0xFFFFFE70  }
0x30: {  	[tilespmem:s20], [sflag:$0x1] =	stream.indirect.gather @!p0 [hbm4b:s1+s19], $0x80, s16, s19, $0xb8;
	[tilespmem:$0x19400] =	vst v63  }
0x31: {  	s21 =	simm.s32 @!p0 $0xCC00;
	s22 =	simm.s32 @!p0 $0x1  }
0x32: {  	[tilespmem:s21], [sflag:$0x1] =	stream.indirect.gather @!p0 [hbm4b:s1+s19], $0x80, s18, s19, $0xb8;
	[tilespmem:$0x19400] =	vst v63  }
0x33: {  	_ =	swait.ge @!p0 [sflag:s22], $0xC800  }
0x34: {  	[sflag:s22] =	ssyncset.done @!p0 $0x0  }
0x35: {  	[sflag:s22] =	ssyncadd.s32 @!p0 $0xFFFF3800  }
0x36: {  	_ =	swait.ge @!p0 [sflag:s22], $0xC800  }
0x37: {  	[sflag:s22] =	ssyncset.done @!p0 $0x0  }
0x38: {  	s18 =	sadd.s32 @!p0 s15, s6;
	[sflag:s22] =	ssyncadd.s32 @!p0 $0xFFFF3800  }
0x39: {  	[hbm4b:s18+s16] =	stream.linear.scatter @!p0 [tilespmem:s20], [sflag:$0x3], $0xC800, $0x38;
	[tilespmem:$0x19400] =	vst v63  }
0x3a: {  	_ =	swait.ge @!p0 [sflag:s17], $0xC800  }
.Ltmp0:
0x3b: {  	[sflag:s17] =	ssyncset.done @!p0 $0x0;
	(pc) =	sbr.rel @p1 .LBB2_2-.Ltmp0, $4  }
0x3c: {  	[sflag:s17] =	ssyncadd.s32 @!p0 $0xFFFF3800;
	s17 =	sadd.s32 @!p0 s15, s7;
	s15 =	simm.s32 @!p0 $0x2  }
0x3d: {  	[hbm4b:s17+s16] =	stream.linear.scatter @!p0 [tilespmem:s21], [sflag:$0x2], $0xC800, $0x38;
	[tilespmem:$0x19400] =	vst v63  }
0x3e: {  	s14 =	sadd.s32 $0x20, s14;
	s11 =	sadd.s32 $0x640, s11;
	_ =	swait.ge @!p0 [sflag:s15], $0xC800  }
0x3f: {  	p2 =	sgt.u32 s14, $0x18F;
	s13 =	sadd.s32 $0x640, s13;
	[sflag:s15] =	ssyncset.done @!p0 $0x0  }
0x40: {  	s12 =	simm.s32 @!p2 $0x0  }
0x41: {  	s14 =	simm.s32 @!p2 $0x3;
	[sflag:s15] =	ssyncadd.s32 @!p0 $0xFFFF3800;
	p0 =	por p2, p2  }
0x42: {  	[tilespmem:s12], [sflag:$0x3] =	stream.linear.gather @!p0 [hbm4b:s13+s12], $0x190, $0x38;
	[tilespmem:$0x19400] =	vst v63  }
0x43: {  	_ =	swait.ge @!p0 [sflag:s14], $0x190  }
0x44: {  	[sflag:s14] =	ssyncset.done @!p0 $0x0  }
0x45: {  	s13 =	simm.s32 @!p0 $0x200;
	[sflag:s14] =	ssyncadd.s32 @!p0 $0xFFFFFE70  }
0x46: {  	[tilespmem:s13], [sflag:$0x3] =	stream.linear.gather @!p0 [hbm4b:s11+s12], $0x190, $0x38;
	[tilespmem:$0x19400] =	vst v63  }
0x47: {  	_ =	swait.ge @!p0 [sflag:s14], $0x190  }
0x48: {  	[sflag:s14] =	ssyncset.done @!p0 $0x0  }
0x49: {  	s15 =	simm.s32 @!p0 $0x400;
	s11 =	simm.s32 @!p0 $0x190;
	[sflag:s14] =	ssyncadd.s32 @!p0 $0xFFFFFE70  }
0x4a: {  	[tilespmem:s15], [sflag:$0x1] =	stream.indirect.gather @!p0 [hbm4b:s1+s11], $0x80, s12, s11, $0xb8;
	[tilespmem:$0x19400] =	vst v63  }
0x4b: {  	s16 =	simm.s32 @!p0 $0xCC00;
	s17 =	simm.s32 @!p0 $0x1  }
0x4c: {  	[tilespmem:s16], [sflag:$0x1] =	stream.indirect.gather @!p0 [hbm4b:s1+s11], $0x80, s13, s11, $0xb8;
	[tilespmem:$0x19400] =	vst v63  }
0x4d: {  	_ =	swait.ge @!p0 [sflag:s17], $0xC800  }
0x4e: {  	[sflag:s17] =	ssyncset.done @!p0 $0x0  }
0x4f: {  	[sflag:s17] =	ssyncadd.s32 @!p0 $0xFFFF3800  }
0x50: {  	_ =	swait.ge @!p0 [sflag:s17], $0xC800  }
0x51: {  	[sflag:s17] =	ssyncset.done @!p0 $0x0  }
0x52: {  	s11 =	sadd.s32 @!p0 s10, s6;
	[sflag:s17] =	ssyncadd.s32 @!p0 $0xFFFF3800  }
0x53: {  	[hbm4b:s11+s12] =	stream.linear.scatter @!p0 [tilespmem:s15], [sflag:$0x3], $0xC800, $0x38;
	[tilespmem:$0x19400] =	vst v63  }
0x54: {  	s3 =	sadd.s32 $0x1, s3;
	_ =	swait.ge @!p0 [sflag:s14], $0xC800  }
0x55: {  	p1 =	sne.s32 s3, s5;
	s10 =	sadd.s32 @!p0 s10, s7;
	[sflag:s14] =	ssyncset.done @!p0 $0x0  }
.Ltmp1:
0x56: {  	s11 =	simm.s32 @!p0 $0x2;
	[sflag:s14] =	ssyncadd.s32 @!p0 $0xFFFF3800;
	(pc) =	sbr.rel @p1 .LBB2_1-.Ltmp1, $4  }
0x57: {  	[hbm4b:s10+s12] =	stream.linear.scatter @!p0 [tilespmem:s16], [sflag:$0x2], $0xC800, $0x38;
	[tilespmem:$0x19400] =	vst v63  }
0x58: {  	_ =	swait.ge @!p0 [sflag:s11], $0xC800  }
0x59: {  	[sflag:s11] =	ssyncset.done @!p0 $0x0  }
0x5a: {  	[sflag:s11] =	ssyncadd.s32 @!p0 $0xFFFF3800  }
0x5b: {  	_ =	sfence.sel $0x180000  }
0x5c: {  	[bflag:$0x0] =	sbarrier.arrive $0xFFFF  }
0x5d: {  	p0 =	sne.s32 s2, $0x0;
	_ =	strace $0x90000050  }
0x5e: {  	s0 =	sadd.s32 @!p0 $0x100000, s0;
	[bflag:$0x2] =	sbarrier.arrive $0xFFFF  }
0x5f: {  	[sflag:s0] =	ssyncadd.tile.s32 @!p0 $0x1;
	_ =	shalt  }
.Lfunc_end2:
_tile_overlayer_lowered:
.L_overlay_start_2:
0x60: {  	(tag) =	ssettag $0x2  }
0x61: {  	s0 =	rddreg [dreg:$0x0];
	s2 =	stileid.u32  }
0x62: {  	s1 =	rddreg [dreg:$0x1];
	p0 =	sne.s32 s2, $0x0  }
0x63: {  	s3 =	rddreg [dreg:$0x2];
	[bflag:$0x3] =	sbarrier.arrive $0xFFFF;
	s2 =	simm.s32 @!p0 $0x1C02  }
0x64: {  	[timem:s3], [sflag:s2] =	dma.local @!p0 [hbm:s0], s1  }
0x65: {  	s0 =	simm.s32 @!p0 $0x2  }
0x66: {  	_ =	swait.ge @!p0 [sflag:s0], s1  }
0x67: {  	s1 =	ssub.s32 @!p0 $0x0, s1;
	[sflag:s0] =	ssyncset.done @!p0 $0x0  }
0x68: {  	[sflag:s0] =	ssyncadd.s32 @!p0 s1  }
0x69: {  	[bflag:$0x3] =	sbarrier.arrive $0xFFFF  }
0x6a: {  	_ =	shalt  }

</sc_bundles>
